<compile_context>
chip_gen: v7x
topology: tpu7x:2x2x1
jax: 0.10.2.dev20260603
libtpu: 0.0.44.dev20260713+nightly
codegen_flags: <defaults>
</compile_context>

<pallas_src>
import functools

import jax
import jax.numpy as jnp
from jax.experimental import pallas as pl
from jax.experimental.pallas import tpu as pltpu
from jax.experimental.pallas import tpu_sc as plsc

_BLK = 2000
_GW = 1600


def _f32dot(a, b):
    return jnp.dot(a, b, preferred_element_type=jnp.float32)


def _ln(x, s, b):
    mu = jnp.mean(x, axis=-1, keepdims=True)
    xc = x - mu
    var = jnp.mean(xc * xc, axis=-1, keepdims=True)
    return xc * jax.lax.rsqrt(var + 1e-6) * s + b


def _silu(x):
    return x * (0.5 + 0.5 * jnp.tanh(0.5 * x))


def _softplus(x):
    return jnp.maximum(x, 0.0) + jnp.log1p(jnp.exp(-jnp.abs(x)))


def _embed_body(atom_ref, We_ref, be_ref, lns_ref, lnb_ref, W1s_ref, W1n_ref,
                ba_ref, x_ref, a_ref, g_ref):
    x = _f32dot(atom_ref[...], We_ref[...]) + be_ref[...]
    x_ref[...] = x
    xn = _ln(x, lns_ref[...], lnb_ref[...])
    a_ref[...] = _f32dot(xn, W1s_ref[...]) + ba_ref[...]
    g_ref[...] = _f32dot(xn, W1n_ref[...])


def _edge_agg(nbr_ref, gath_ref, a_ref, KC_ref, A8_ref, W2S_ref):
    blk4 = nbr_ref.shape[0]
    blk = blk4 // 4
    aterm = _f32dot(a_ref[...].astype(jnp.bfloat16), A8_ref[...])
    aterm4 = jnp.broadcast_to(aterm[:, None, :], (blk, 4, 128))
    pre = (_f32dot(nbr_ref[...], KC_ref[...]) + gath_ref[...]
           + aterm4.reshape(blk4, 128))
    s = _silu(pre)
    ssum = jnp.sum(s.reshape(blk, 4, 128), axis=1)
    return _f32dot(ssum.astype(jnp.bfloat16), W2S_ref[...])


def _layer_body(nbr_ref, gath_ref, a_ref, x_ref, KC_ref, A8_ref, W2S_ref,
                bx_ref, lns_ref, lnb_ref, W1s_ref, W1n_ref, ba_ref,
                x1_ref, a1_ref, g1_ref):
    agg = _edge_agg(nbr_ref, gath_ref, a_ref, KC_ref, A8_ref, W2S_ref)
    x1 = x_ref[...] + agg + bx_ref[...]
    x1_ref[...] = x1
    xn = _ln(x1, lns_ref[...], lnb_ref[...])
    a1_ref[...] = _f32dot(xn, W1s_ref[...]) + ba_ref[...]
    g1_ref[...] = _f32dot(xn, W1n_ref[...])


def _final_body(nbr_ref, gath_ref, a_ref, x_ref, KC_ref, A8_ref, W2S_ref,
                bx_ref, Wr1_ref, br1_ref, Wr2_ref, br2_ref, Wr3_ref, br3_ref,
                acc_ref):
    agg = _edge_agg(nbr_ref, gath_ref, a_ref, KC_ref, A8_ref, W2S_ref)
    x2 = x_ref[...] + agg + bx_ref[...]
    h = _softplus(_f32dot(x2, Wr1_ref[...]) + br1_ref[...])
    t = _softplus(_f32dot(h, Wr2_ref[...]) + br2_ref[...])
    part = (jnp.sum(_f32dot(t, Wr3_ref[...]), keepdims=True)
            + t.shape[0] * br3_ref[...])
    i = pl.program_id(0)

    @pl.when(i == 0)
    def _():
        acc_ref[...] = part

    @pl.when(i > 0)
    def _():
        acc_ref[...] += part


def _sc_gather(table, idx_flat):
    num = idx_flat.shape[0]
    af = table.shape[1]
    mesh = plsc.VectorSubcoreMesh(core_axis_name="c", subcore_axis_name="s")
    idx2 = idx_flat.reshape(num // _GW, _GW)

    @functools.partial(
        pl.kernel,
        out_type=jax.ShapeDtypeStruct((num, af), table.dtype),
        mesh=mesh,
        compiler_params=pltpu.CompilerParams(use_tc_tiling_on_sc=False),
    )
    def k(table_hbm, i_hbm, o_hbm):
        def body(i_vmem, o_vmem):
            pltpu.sync_copy(table_hbm.at[i_vmem.at[0]], o_vmem)

        pltpu.emit_pipeline(
            body,
            grid=(num // _GW,),
            in_specs=[pl.BlockSpec((1, _GW), lambda i: (i, 0))],
            out_specs=[pl.BlockSpec((_GW, af), lambda i: (i, 0))],
            core_axis_name=("c", "s"),
            dimension_semantics=(pltpu.PARALLEL,),
        )(i_hbm, o_hbm)

    return k(table, idx2)


def kernel(atom_fea, nbr_fea, nbr_fea_idx,
           W_embed, b_embed, W_edge, b_edge,
           ln0_s, ln0_b, W1_0, b1_0, W2_0, b2_0,
           ln1_s, ln1_b, W1_1, b1_1, W2_1, b2_1,
           Wr1, br1, Wr2, br2, Wr3, br3):
    n, d_in = atom_fea.shape
    m = nbr_fea.shape[1]
    af = W_embed.shape[1]
    maf = m * af
    nsub = maf // 128
    n4 = n * nsub
    nblk = n // _BLK
    blk4 = _BLK * nsub

    nbr2d = jax.lax.optimization_barrier(
        nbr_fea.reshape(n, maf).astype(jnp.bfloat16))
    nbr4 = nbr2d.reshape(n4, 128)
    idx_flat = nbr_fea_idx.reshape(-1)

    eye = jnp.eye(af, dtype=jnp.float32)
    A8 = jnp.tile(eye, (1, 128 // af)).astype(jnp.bfloat16)

    def layer_consts(W1, b1, W2, b2):
        W1s, W1n, W1e = W1[:af], W1[af:2 * af], W1[2 * af:]
        C = W_edge @ W1e
        KC = jnp.kron(jnp.eye(128 // af, dtype=jnp.float32),
                      C).astype(jnp.bfloat16)
        W2S = jnp.tile(W2, (128 // af, 1)).astype(jnp.bfloat16)
        ba = (b1 + b_edge @ W1e).reshape(1, af)
        bx = (m * b2).reshape(1, af)
        return W1s, W1n, KC, W2S, ba, bx

    W1s0, W1n0, KC0, W2S0, ba0, bx0 = layer_consts(W1_0, b1_0, W2_0, b2_0)
    W1s1, W1n1, KC1, W2S1, ba1, bx1 = layer_consts(W1_1, b1_1, W2_1, b2_1)

    row = lambda shp: pl.BlockSpec(shp, lambda i: (i, 0))
    full = lambda shp: pl.BlockSpec(shp, lambda i: (0, 0))
    b16 = [jax.ShapeDtypeStruct((n, af), jnp.float32)] * 3

    x0, a0, g0 = pl.pallas_call(
        _embed_body,
        grid=(nblk,),
        in_specs=[row((_BLK, d_in)), full((d_in, af)), full((1, af)),
                  full((1, af)), full((1, af)), full((af, af)),
                  full((af, af)), full((1, af))],
        out_specs=[row((_BLK, af))] * 3,
        out_shape=b16,
    )(atom_fea, W_embed, b_embed.reshape(1, af),
      ln0_s.reshape(1, af), ln0_b.reshape(1, af), W1s0, W1n0, ba0)

    gath0 = _sc_gather(g0, idx_flat).reshape(n4, 128)

    x1, a1, g1 = pl.pallas_call(
        _layer_body,
        grid=(nblk,),
        in_specs=[row((blk4, 128)), row((blk4, 128)), row((_BLK, af)),
                  row((_BLK, af)), full((128, 128)), full((af, 128)),
                  full((128, af)), full((1, af)), full((1, af)),
                  full((1, af)), full((af, af)), full((af, af)),
                  full((1, af))],
        out_specs=[row((_BLK, af))] * 3,
        out_shape=b16,
    )(nbr4, gath0, a0, x0, KC0, A8, W2S0, bx0,
      ln1_s.reshape(1, af), ln1_b.reshape(1, af), W1s1, W1n1, ba1)

    gath1 = _sc_gather(g1, idx_flat).reshape(n4, 128)

    h = Wr1.shape[1]
    acc = pl.pallas_call(
        _final_body,
        grid=(nblk,),
        in_specs=[row((blk4, 128)), row((blk4, 128)), row((_BLK, af)),
                  row((_BLK, af)), full((128, 128)), full((af, 128)),
                  full((128, af)), full((1, af)),
                  full((af, h)), full((1, h)), full((h, h // 2)),
                  full((1, h // 2)), full((h // 2, 1)), full((1, 1))],
        out_specs=pl.BlockSpec((1, 1), lambda i: (0, 0)),
        out_shape=jax.ShapeDtypeStruct((1, 1), jnp.float32),
    )(nbr4, gath1, a1, x1, KC1, A8, W2S1, bx1,
      Wr1, br1.reshape(1, h), Wr2, br2.reshape(1, h // 2),
      Wr3, br3.reshape(1, 1))

    return acc[0, 0] / n

# --- scband reference (transcript-rebuilt; emitter-appended) ---
"""Pipeline reference for scband-gnn-si-sj-lite-28149215658684 (READ-ONLY COPY).

The authoritative reference and input builder live on the scoring server;
editing this copy changes nothing except your own understanding.
"""

import jax, jax.numpy as jnp
import numpy as np

N = 50000
M = 32
D_IN = 128
D_EDGE_IN = 16
AF = 16
NF = 5
H = 32


def _dense(key, fan_in, fan_out):
    k1, k2 = jax.random.split(key)
    W = jax.random.normal(k1, (fan_in, fan_out), dtype=jnp.float32) / np.sqrt(fan_in)
    b = jnp.zeros((fan_out,), dtype=jnp.float32)
    return W, b


def setup_inputs(seed: int = 0) -> dict:
    key = jax.random.key(seed)
    ks = jax.random.split(key, 16)
    inp = {}
    inp["atom_fea"] = jax.random.normal(ks[0], (N, D_IN), dtype=jnp.float32)
    inp["nbr_fea"] = jax.random.normal(ks[1], (N, M, D_EDGE_IN), dtype=jnp.float32)
    inp["nbr_fea_idx"] = jax.random.randint(ks[2], (N, M), 0, N).astype(jnp.int32)
    inp["W_embed"], inp["b_embed"] = _dense(ks[3], D_IN, AF)
    inp["W_edge"], inp["b_edge"] = _dense(ks[4], D_EDGE_IN, NF)
    cat_dim = 2 * AF + NF
    for i in range(2):
        inp["ln%d_s" % i] = jnp.ones((AF,), dtype=jnp.float32)
        inp["ln%d_b" % i] = jnp.zeros((AF,), dtype=jnp.float32)
        inp["W1_%d" % i], inp["b1_%d" % i] = _dense(ks[5 + 2 * i], cat_dim, AF)
        inp["W2_%d" % i], inp["b2_%d" % i] = _dense(ks[6 + 2 * i], AF, AF)
    inp["Wr1"], inp["br1"] = _dense(ks[9], AF, H)
    inp["Wr2"], inp["br2"] = _dense(ks[10], H, H // 2)
    inp["Wr3"], inp["br3"] = _dense(ks[11], H // 2, 1)
    return inp


def _ln(x, s, b):
    mu = jnp.mean(x, axis=-1, keepdims=True)
    var = jnp.var(x, axis=-1, keepdims=True)
    return (x - mu) / jnp.sqrt(var + 1e-6) * s + b


def reference(atom_fea, nbr_fea, nbr_fea_idx,
              W_embed, b_embed, W_edge, b_edge,
              ln0_s, ln0_b, W1_0, b1_0, W2_0, b2_0,
              ln1_s, ln1_b, W1_1, b1_1, W2_1, b2_1,
              Wr1, br1, Wr2, br2, Wr3, br3):
    x = atom_fea @ W_embed + b_embed
    e = nbr_fea @ W_edge + b_edge
    convs = [(ln0_s, ln0_b, W1_0, b1_0, W2_0, b2_0),
             (ln1_s, ln1_b, W1_1, b1_1, W2_1, b2_1)]
    for (ls, lb, W1, b1, W2, b2) in convs:
        xn = _ln(x, ls, lb)
        x_nbr = jnp.take(xn, nbr_fea_idx, axis=0)
        x_c = jnp.tile(xn[:, None, :], (1, nbr_fea_idx.shape[1], 1))
        cat = jnp.concatenate([x_c, x_nbr, e], axis=-1)
        msg = jax.nn.silu(cat @ W1 + b1) @ W2 + b2
        x = x + jnp.sum(msg, axis=1)
    h = jax.nn.softplus(x @ Wr1 + br1)
    site = jax.nn.softplus(h @ Wr2 + br2) @ Wr3 + br3
    return jnp.mean(site)

if __name__ == "__main__":
    import jax
    _d = setup_inputs()
    print(jax.jit(kernel)(*tuple(_d.values())))

</pallas_src>

<mosaic_0001>
#map = affine_map<(d0, d1) -> (0, 0)>
module attributes {stable_mosaic.version = 14 : i64} {
  func.func @k(%arg0: i32, %arg1: i32, %arg2: memref<50000x16xf32, #tpu.memory_space<hbm>>, %arg3: memref<1000x1600xi32, #tpu.memory_space<hbm>>, %arg4: memref<1600000x16xf32, #tpu.memory_space<hbm>>) attributes {dimension_semantics = [#tpu.dimension_semantics<core_parallel>, #tpu.dimension_semantics<subcore_parallel>], iteration_bounds = array<i64: 2, 16>, scalar_prefetch = 0 : i64, scratch_operands = 0 : i64, tpu.core_type = #tpu.core_type<sc_vector_subcore>, window_params = [{transform_indices = #map}, {transform_indices = #map}, {transform_indices = #map}]} {
    %mul3A = arith.constant 1 : i32
    %mul3A_0 = arith.muli %arg1, %mul3A : i32
    %add3A = arith.constant 0 : i32
    %add3A_1 = arith.addi %add3A, %mul3A_0 : i32
    %mul3A_2 = arith.constant 16 : i32
    %mul3A_3 = arith.muli %arg0, %mul3A_2 : i32
    %add3A_4 = arith.addi %add3A_1, %mul3A_3 : i32
    %lt3A = arith.constant 8 : i32
    %lt3A_5 = arith.cmpi slt, %add3A_4, %lt3A : i32
    %jit3A = arith.constant 32 : i32
    %jit3A_6 = arith.constant 31 : i32
    %select_n3A = arith.select %lt3A_5, %jit3A, %jit3A_6 : i32
    %lt3A_7 = arith.constant 8 : i32
    %lt3A_8 = arith.cmpi slt, %add3A_4, %lt3A_7 : i32
    %mul3A_9 = arith.muli %add3A_4, %select_n3A : i32
    %mul3A_10 = arith.constant 31 : i32
    %mul3A_11 = arith.muli %add3A_4, %mul3A_10 : i32
    %add3A_12 = arith.constant 8 : i32
    %add3A_13 = arith.addi %mul3A_11, %add3A_12 : i32
    %select_n3A_14 = arith.select %lt3A_8, %mul3A_9, %add3A_13 : i32
    %mul3A_15 = arith.constant 1 : i32
    %mul3A_16 = arith.muli %mul3A_15, %select_n3A : i32
    "tpu.region"() ({
      %run_scoped3A = memref.alloca() : memref<2x1x1600xi32, #tpu.memory_space<vmem>>
      %run_scoped3A_17 = tpu.sem_alloc : memref<2x!tpu.dma_semaphore, #tpu.memory_space<semaphore_mem>>
      %run_scoped3A_18 = memref.alloca() : memref<2x1600x16xf32, #tpu.memory_space<vmem>>
      %run_scoped3A_19 = tpu.sem_alloc : memref<2x!tpu.dma_semaphore, #tpu.memory_space<semaphore_mem>>
      %gt3A = arith.constant 0 : i32
      %gt3A_20 = arith.cmpi sgt, %mul3A_16, %gt3A : i32
      %convert_element_type3A = arith.extui %gt3A_20 : i1 to i32
      %cond3A = arith.constant 0 : i32
      %cond3A_21 = arith.cmpi ne, %convert_element_type3A, %cond3A : i32
      scf.if %cond3A_21 {
        %mul3A_22 = arith.constant 1 : i32
        %mul3A_23 = arith.muli %mul3A_22, %select_n3A : i32
        %sub3A = arith.constant 1 : i32
        %sub3A_24 = arith.subi %mul3A_23, %sub3A : i32
        %eq3A = arith.constant 0 : i32
        %eq3A_25 = arith.cmpi eq, %sub3A_24, %eq3A : i32
        %add3A_26 = arith.constant 0 : i32
        %add3A_27 = arith.addi %add3A_26, %select_n3A_14 : i32
        %select_n3A_28 = arith.constant true
        %select_n3A_29 = arith.constant 0 : i32
        %select_n3A_30 = arith.constant -1 : i32
        %select_n3A_31 = arith.select %select_n3A_28, %select_n3A_30, %select_n3A_29 : i32
        %eq3A_32 = arith.constant -1 : i32
        %eq3A_33 = arith.cmpi eq, %select_n3A_31, %eq3A_32 : i32
        %sub3A_34 = arith.constant 1 : i32
        %sub3A_35 = arith.subi %select_n3A, %sub3A_34 : i32
        %select_n3A_36 = arith.select %eq3A_33, %sub3A_35, %select_n3A_31 : i32
        %add3A_37 = arith.addi %select_n3A_36, %select_n3A_14 : i32
        %select_n3A_38 = arith.constant true
        %select_n3A_39 = arith.constant 0 : i32
        %select_n3A_40 = arith.constant 1 : i32
        %select_n3A_41 = arith.select %select_n3A_38, %select_n3A_40, %select_n3A_39 : i32
        %eq3A_42 = arith.cmpi eq, %select_n3A_41, %select_n3A : i32
        %select_n3A_43 = arith.constant 0 : i32
        %select_n3A_44 = arith.select %eq3A_42, %select_n3A_43, %select_n3A_41 : i32
        %add3A_45 = arith.addi %select_n3A_44, %select_n3A_14 : i32
        %add3A_46 = arith.constant 1 : i32
        %add3A_47 = arith.addi %select_n3A_44, %add3A_46 : i32
        %select_n3A_48 = arith.constant true
        %select_n3A_49 = arith.select %select_n3A_48, %add3A_47, %select_n3A_44 : i32
        %eq3A_50 = arith.cmpi eq, %select_n3A_49, %select_n3A : i32
        %select_n3A_51 = arith.constant 0 : i32
        %select_n3A_52 = arith.select %eq3A_50, %select_n3A_51, %select_n3A_49 : i32
        %add3A_53 = arith.addi %select_n3A_52, %select_n3A_14 : i32
        "tpu.trace_start"() <{level = 10 : i32, message = "ep_initialize_0"}> : () -> ()
        %rem3A = arith.constant 0 : i32
        %rem3A_54 = arith.constant 2 : i32
        %rem3A_55 = arith.remui %rem3A, %rem3A_54 : i32
        %mul3A_56 = arith.constant 1 : i32
        %mul3A_57 = arith.muli %mul3A_56, %add3A_27 : i32
        %dma_start3A = arith.constant 0 : i32
        %dma_start3A_58 = arith.constant 0 : i32
        %dma_start3A_59 = tpu.memref_slice %run_scoped3A[%rem3A_55, %dma_start3A, %dma_start3A_58] : memref<2x1x1600xi32, #tpu.memory_space<vmem>> -> memref<1x1x1600xi32, #tpu.memory_space<vmem>>
        %dma_start3A_60 = tpu.memref_squeeze %dma_start3A_59 : memref<1x1x1600xi32, #tpu.memory_space<vmem>> -> memref<1x1600xi32, #tpu.memory_space<vmem>>
        %dma_start3A_61 = arith.constant 0 : i32
        %dma_start3A_62 = tpu.memref_slice %arg3[%mul3A_57, %dma_start3A_61] : memref<1000x1600xi32, #tpu.memory_space<hbm>> -> memref<1x1600xi32, #tpu.memory_space<hbm>>
        %dma_start3A_63 = tpu.memref_slice %run_scoped3A_17[%rem3A_55] : memref<2x!tpu.dma_semaphore, #tpu.memory_space<semaphore_mem>> -> memref<1x!tpu.dma_semaphore, #tpu.memory_space<semaphore_mem>>
        %dma_start3A_64 = tpu.memref_squeeze %dma_start3A_63 : memref<1x!tpu.dma_semaphore, #tpu.memory_space<semaphore_mem>> -> memref<!tpu.dma_semaphore, #tpu.memory_space<semaphore_mem>>
        %dma_start3A_65 = arith.constant 0 : i32
        %dma_start3A_66 = arith.constant 0 : i32
        %dma_start3A_67 = tpu.memref_slice %run_scoped3A[%rem3A_55, %dma_start3A_65, %dma_start3A_66] : memref<2x1x1600xi32, #tpu.memory_space<vmem>> -> memref<1x1x1600xi32, #tpu.memory_space<vmem>>
        %dma_start3A_68 = tpu.memref_squeeze %dma_start3A_67 : memref<1x1x1600xi32, #tpu.memory_space<vmem>> -> memref<1x1600xi32, #tpu.memory_space<vmem>>
        %dma_start3A_69 = arith.constant 0 : i32
        %dma_start3A_70 = tpu.memref_slice %arg3[%mul3A_57, %dma_start3A_69] : memref<1000x1600xi32, #tpu.memory_space<hbm>> -> memref<1x1600xi32, #tpu.memory_space<hbm>>
        tpu.enqueue_dma source(%dma_start3A_70 : memref<1x1600xi32, #tpu.memory_space<hbm>>) target(%dma_start3A_68 : memref<1x1600xi32, #tpu.memory_space<vmem>>) target_semaphore(%dma_start3A_64 : memref<!tpu.dma_semaphore, #tpu.memory_space<semaphore_mem>>)
        %add3A_71 = arith.constant 0 : i32
        %add3A_72 = arith.constant 1 : i32
        %add3A_73 = arith.addi %add3A_71, %add3A_72 : i32
        %select_n3A_74 = arith.constant true
        %select_n3A_75 = arith.constant 0 : i32
        %select_n3A_76 = arith.select %select_n3A_74, %add3A_73, %select_n3A_75 : i32
        %while3A = arith.constant 0 : i32
        %while3A_77 = arith.constant 0 : i32
        %while3A_78 = arith.constant 0 : i32
        %while3A_79 = arith.constant 0 : i32
        %while3A_80 = arith.constant 0 : i32
        "tpu.trace_stop"() : () -> ()
        %while3A_81 = arith.subi %mul3A_16, %while3A : i32
        %while3A_82 = arith.addi %while3A, %while3A_81 : i32
        %while3A_83 = arith.constant 1 : i32
        %while3A_84 = arith.divsi %while3A_81, %while3A_83 : i32
        %while3A_85 = arith.muli %while3A_84, %while3A_83 : i32
        %while3A_86 = arith.addi %while3A, %while3A_85 : i32
        %while3A_87 = arith.constant 1 : i32
        %while3A_88:5 = scf.for %while3A_142 = %while3A to %while3A_86 step %while3A_87 iter_args(%while3A_143 = %select_n3A_76, %while3A_144 = %while3A_77, %while3A_145 = %while3A_78, %while3A_146 = %while3A_79, %while3A_147 = %while3A_80) -> (i32, i32, i32, i32, i32)  : i32 {
          %mul3A_148 = arith.constant 1 : i32
          %mul3A_149 = arith.muli %mul3A_148, %select_n3A : i32
          %eq3A_150 = arith.constant 0 : i32
          %eq3A_151 = arith.cmpi eq, %while3A_142, %eq3A_150 : i32
          %sub3A_152 = arith.constant 1 : i32
          %sub3A_153 = arith.subi %mul3A_149, %sub3A_152 : i32
          %eq3A_154 = arith.cmpi eq, %while3A_142, %sub3A_153 : i32
          %add3A_155 = arith.addi %while3A_147, %select_n3A_14 : i32
          %sub3A_156 = arith.constant 1 : i32
          %sub3A_157 = arith.subi %while3A_147, %sub3A_156 : i32
          %select_n3A_158 = arith.constant true
          %select_n3A_159 = arith.select %select_n3A_158, %sub3A_157, %while3A_147 : i32
          %eq3A_160 = arith.constant -1 : i32
          %eq3A_161 = arith.cmpi eq, %select_n3A_159, %eq3A_160 : i32
          %sub3A_162 = arith.constant 1 : i32
          %sub3A_163 = arith.subi %select_n3A, %sub3A_162 : i32
          %select_n3A_164 = arith.select %eq3A_161, %sub3A_163, %select_n3A_159 : i32
          %add3A_165 = arith.addi %select_n3A_164, %select_n3A_14 : i32
          %add3A_166 = arith.constant 1 : i32
          %add3A_167 = arith.addi %while3A_147, %add3A_166 : i32
          %select_n3A_168 = arith.constant true
          %select_n3A_169 = arith.select %select_n3A_168, %add3A_167, %while3A_147 : i32
          %eq3A_170 = arith.cmpi eq, %select_n3A_169, %select_n3A : i32
          %select_n3A_171 = arith.constant 0 : i32
          %select_n3A_172 = arith.select %eq3A_170, %select_n3A_171, %select_n3A_169 : i32
          %add3A_173 = arith.addi %select_n3A_172, %select_n3A_14 : i32
          %add3A_174 = arith.constant 1 : i32
          %add3A_175 = arith.addi %select_n3A_172, %add3A_174 : i32
          %select_n3A_176 = arith.constant true
          %select_n3A_177 = arith.select %select_n3A_176, %add3A_175, %select_n3A_172 : i32
          %eq3A_178 = arith.cmpi eq, %select_n3A_177, %select_n3A : i32
          %select_n3A_179 = arith.constant 0 : i32
          %select_n3A_180 = arith.select %eq3A_178, %select_n3A_179, %select_n3A_177 : i32
          %add3A_181 = arith.addi %select_n3A_180, %select_n3A_14 : i32
          %ne3A = arith.cmpi ne, %add3A_155, %add3A_173 : i32
          %or3A = arith.constant false
          %or3A_182 = arith.ori %or3A, %ne3A : i1
          %or3A_183 = arith.constant false
          %or3A_184 = arith.ori %or3A_182, %or3A_183 : i1
          %sub3A_185 = arith.constant 2 : i32
          %sub3A_186 = arith.subi %mul3A_149, %sub3A_185 : i32
          %add3A_187 = arith.constant 1 : i32
          %add3A_188 = arith.addi %sub3A_186, %add3A_187 : i32
          %ge3A = arith.cmpi sge, %while3A_142, %add3A_188 : i32
          %not3A = arith.constant true
          %not3A_189 = arith.xori %ge3A, %not3A : i1
          %and3A = arith.andi %or3A_184, %not3A_189 : i1
          %convert_element_type3A_190 = arith.extui %and3A : i1 to i32
          %cond3A_191 = arith.constant 0 : i32
          %cond3A_192 = arith.cmpi ne, %convert_element_type3A_190, %cond3A_191 : i32
          scf.if %cond3A_192 {
            "tpu.trace_start"() <{level = 10 : i32, message = "ep_copy_in"}> : () -> ()
            %rem3A_304 = arith.constant 2 : i32
            %rem3A_305 = arith.remui %while3A_143, %rem3A_304 : i32
            %mul3A_306 = arith.constant 1 : i32
            %mul3A_307 = arith.muli %mul3A_306, %add3A_173 : i32
            %dma_start3A_308 = arith.constant 0 : i32
            %dma_start3A_309 = arith.constant 0 : i32
            %dma_start3A_310 = tpu.memref_slice %run_scoped3A[%rem3A_305, %dma_start3A_308, %dma_start3A_309] : memref<2x1x1600xi32, #tpu.memory_space<vmem>> -> memref<1x1x1600xi32, #tpu.memory_space<vmem>>
            %dma_start3A_311 = tpu.memref_squeeze %dma_start3A_310 : memref<1x1x1600xi32, #tpu.memory_space<vmem>> -> memref<1x1600xi32, #tpu.memory_space<vmem>>
            %dma_start3A_312 = arith.constant 0 : i32
            %dma_start3A_313 = tpu.memref_slice %arg3[%mul3A_307, %dma_start3A_312] : memref<1000x1600xi32, #tpu.memory_space<hbm>> -> memref<1x1600xi32, #tpu.memory_space<hbm>>
            %dma_start3A_314 = tpu.memref_slice %run_scoped3A_17[%rem3A_305] : memref<2x!tpu.dma_semaphore, #tpu.memory_space<semaphore_mem>> -> memref<1x!tpu.dma_semaphore, #tpu.memory_space<semaphore_mem>>
            %dma_start3A_315 = tpu.memref_squeeze %dma_start3A_314 : memref<1x!tpu.dma_semaphore, #tpu.memory_space<semaphore_mem>> -> memref<!tpu.dma_semaphore, #tpu.memory_space<semaphore_mem>>
            %dma_start3A_316 = arith.constant 0 : i32
            %dma_start3A_317 = arith.constant 0 : i32
            %dma_start3A_318 = tpu.memref_slice %run_scoped3A[%rem3A_305, %dma_start3A_316, %dma_start3A_317] : memref<2x1x1600xi32, #tpu.memory_space<vmem>> -> memref<1x1x1600xi32, #tpu.memory_space<vmem>>
            %dma_start3A_319 = tpu.memref_squeeze %dma_start3A_318 : memref<1x1x1600xi32, #tpu.memory_space<vmem>> -> memref<1x1600xi32, #tpu.memory_space<vmem>>
            %dma_start3A_320 = arith.constant 0 : i32
            %dma_start3A_321 = tpu.memref_slice %arg3[%mul3A_307, %dma_start3A_320] : memref<1000x1600xi32, #tpu.memory_space<hbm>> -> memref<1x1600xi32, #tpu.memory_space<hbm>>
            tpu.enqueue_dma source(%dma_start3A_321 : memref<1x1600xi32, #tpu.memory_space<hbm>>) target(%dma_start3A_319 : memref<1x1600xi32, #tpu.memory_space<vmem>>) target_semaphore(%dma_start3A_315 : memref<!tpu.dma_semaphore, #tpu.memory_space<semaphore_mem>>)
            "tpu.trace_stop"() : () -> ()
          } else {
          }
          %and3A_193 = arith.constant true
          %and3A_194 = arith.andi %and3A, %and3A_193 : i1
          %add3A_195 = arith.constant 1 : i32
          %add3A_196 = arith.addi %while3A_143, %add3A_195 : i32
          %select_n3A_197 = arith.select %and3A_194, %add3A_196, %while3A_143 : i32
          %ne3A_198 = arith.cmpi ne, %add3A_155, %add3A_173 : i32
          %or3A_199 = arith.constant false
          %or3A_200 = arith.ori %or3A_199, %ne3A_198 : i1
          %or3A_201 = arith.constant false
          %or3A_202 = arith.ori %or3A_200, %or3A_201 : i1
          %sub3A_203 = arith.constant 2 : i32
          %sub3A_204 = arith.subi %mul3A_149, %sub3A_203 : i32
          %add3A_205 = arith.constant 1 : i32
          %add3A_206 = arith.addi %sub3A_204, %add3A_205 : i32
          %ge3A_207 = arith.cmpi sge, %while3A_142, %add3A_206 : i32
          %not3A_208 = arith.constant true
          %not3A_209 = arith.xori %ge3A_207, %not3A_208 : i1
          %and3A_210 = arith.andi %or3A_202, %not3A_209 : i1
          %ne3A_211 = arith.cmpi ne, %add3A_155, %add3A_165 : i32
          %or3A_212 = arith.constant false
          %or3A_213 = arith.ori %or3A_212, %ne3A_211 : i1
          %or3A_214 = arith.constant false
          %or3A_215 = arith.ori %or3A_213, %or3A_214 : i1
          %or3A_216 = arith.ori %or3A_215, %eq3A_151 : i1
          %convert_element_type3A_217 = arith.extui %or3A_216 : i1 to i32
          %cond3A_218 = arith.constant 0 : i32
          %cond3A_219 = arith.cmpi ne, %convert_element_type3A_217, %cond3A_218 : i32
          scf.if %cond3A_219 {
            "tpu.trace_start"() <{level = 10 : i32, message = "ep_wait_in"}> : () -> ()
            %mul3A_304 = arith.constant 1 : i32
            %mul3A_305 = arith.muli %mul3A_304, %add3A_155 : i32
            %rem3A_306 = arith.constant 2 : i32
            %rem3A_307 = arith.remui %while3A_144, %rem3A_306 : i32
            %dma_wait3A = arith.constant 0 : i32
            %dma_wait3A_308 = arith.constant 0 : i32
            %dma_wait3A_309 = tpu.memref_slice %run_scoped3A[%rem3A_307, %dma_wait3A, %dma_wait3A_308] : memref<2x1x1600xi32, #tpu.memory_space<vmem>> -> memref<1x1x1600xi32, #tpu.memory_space<vmem>>
            %dma_wait3A_310 = tpu.memref_squeeze %dma_wait3A_309 : memref<1x1x1600xi32, #tpu.memory_space<vmem>> -> memref<1x1600xi32, #tpu.memory_space<vmem>>
            %dma_wait3A_311 = arith.constant 0 : i32
            %dma_wait3A_312 = tpu.memref_slice %arg3[%mul3A_305, %dma_wait3A_311] : memref<1000x1600xi32, #tpu.memory_space<hbm>> -> memref<1x1600xi32, #tpu.memory_space<hbm>>
            %dma_wait3A_313 = tpu.memref_slice %run_scoped3A_17[%rem3A_307] : memref<2x!tpu.dma_semaphore, #tpu.memory_space<semaphore_mem>> -> memref<1x!tpu.dma_semaphore, #tpu.memory_space<semaphore_mem>>
            %dma_wait3A_314 = tpu.memref_squeeze %dma_wait3A_313 : memref<1x!tpu.dma_semaphore, #tpu.memory_space<semaphore_mem>> -> memref<!tpu.dma_semaphore, #tpu.memory_space<semaphore_mem>>
            %dma_wait3A_315 = arith.constant 0 : i32
            %dma_wait3A_316 = arith.constant 0 : i32
            %dma_wait3A_317 = tpu.memref_slice %run_scoped3A[%rem3A_307, %dma_wait3A_315, %dma_wait3A_316] : memref<2x1x1600xi32, #tpu.memory_space<vmem>> -> memref<1x1x1600xi32, #tpu.memory_space<vmem>>
            %dma_wait3A_318 = tpu.memref_squeeze %dma_wait3A_317 : memref<1x1x1600xi32, #tpu.memory_space<vmem>> -> memref<1x1600xi32, #tpu.memory_space<vmem>>
            %dma_wait3A_319 = arith.constant 0 : i32
            %dma_wait3A_320 = tpu.memref_slice %arg3[%mul3A_305, %dma_wait3A_319] : memref<1000x1600xi32, #tpu.memory_space<hbm>> -> memref<1x1600xi32, #tpu.memory_space<hbm>>
            tpu.wait_dma2 semaphore(%dma_wait3A_314 : memref<!tpu.dma_semaphore, #tpu.memory_space<semaphore_mem>>) src(%dma_wait3A_320 : memref<1x1600xi32, #tpu.memory_space<hbm>>) dst(%dma_wait3A_318 : memref<1x1600xi32, #tpu.memory_space<vmem>>)
            "tpu.trace_stop"() : () -> ()
          } else {
          }
          %ne3A_220 = arith.cmpi ne, %add3A_155, %add3A_165 : i32
          %or3A_221 = arith.constant false
          %or3A_222 = arith.ori %or3A_221, %ne3A_220 : i1
          %or3A_223 = arith.constant false
          %or3A_224 = arith.ori %or3A_222, %or3A_223 : i1
          %or3A_225 = arith.ori %or3A_224, %eq3A_151 : i1
          %convert_element_type3A_226 = arith.extui %or3A_225 : i1 to i32
          %cond3A_227 = arith.constant 0 : i32
          %cond3A_228 = arith.cmpi ne, %convert_element_type3A_226, %cond3A_227 : i32
          scf.if %cond3A_228 {
          } else {
          }
          %rem3A_229 = arith.constant 2 : i32
          %rem3A_230 = arith.remui %while3A_144, %rem3A_229 : i32
          %rem3A_231 = arith.constant 2 : i32
          %rem3A_232 = arith.remui %while3A_145, %rem3A_231 : i32
          %run_scoped3A_233 = arith.constant 0 : i32
          "tpu.trace_start"() <{level = 10 : i32, message = "ep_run_kernel"}> : () -> ()
          "tpu.region"() ({
            %run_scoped3A_304 = tpu.sem_alloc : memref<!tpu.dma_semaphore, #tpu.memory_space<semaphore_mem>>
            %dma_start3A_305 = arith.constant 0 : i32
            %dma_start3A_306 = arith.constant 0 : i32
            %dma_start3A_307 = tpu.memref_slice %run_scoped3A_18[%rem3A_232, %dma_start3A_305, %dma_start3A_306] : memref<2x1600x16xf32, #tpu.memory_space<vmem>> -> memref<1x1600x16xf32, #tpu.memory_space<vmem>>
            %dma_start3A_308 = tpu.memref_squeeze %dma_start3A_307 : memref<1x1600x16xf32, #tpu.memory_space<vmem>> -> memref<1600x16xf32, #tpu.memory_space<vmem>>
            %dma_start3A_309 = arith.constant 0 : i32
            %dma_start3A_310 = arith.constant 0 : i32
            %dma_start3A_311 = tpu.memref_slice %run_scoped3A[%rem3A_230, %dma_start3A_309, %dma_start3A_310] : memref<2x1x1600xi32, #tpu.memory_space<vmem>> -> memref<1x1x1600xi32, #tpu.memory_space<vmem>>
            %dma_start3A_312 = tpu.memref_squeeze %dma_start3A_311 : memref<1x1x1600xi32, #tpu.memory_space<vmem>> -> memref<1x1600xi32, #tpu.memory_space<vmem>>
            %dma_start3A_313 = arith.constant 0 : i32
            %dma_start3A_314 = tpu.memref_slice %dma_start3A_312[%run_scoped3A_233, %dma_start3A_313] : memref<1x1600xi32, #tpu.memory_space<vmem>> -> memref<1x1600xi32, #tpu.memory_space<vmem>>
            %dma_start3A_315 = tpu.memref_squeeze %dma_start3A_314 : memref<1x1600xi32, #tpu.memory_space<vmem>> -> memref<1600xi32, #tpu.memory_space<vmem>>
            %dma_start3A_316 = arith.constant 0 : i32
            %dma_start3A_317 = arith.constant 0 : i32
            %dma_start3A_318 = tpu.memref_slice %arg2[%dma_start3A_316, %dma_start3A_317] : memref<50000x16xf32, #tpu.memory_space<hbm>> -> memref<50000x16xf32, #tpu.memory_space<hbm>>
            tpu.enqueue_indirect_dma source(%dma_start3A_318 : memref<50000x16xf32, #tpu.memory_space<hbm>>) target(%dma_start3A_308 : memref<1600x16xf32, #tpu.memory_space<vmem>>) offsets(%dma_start3A_315 : memref<1600xi32, #tpu.memory_space<vmem>>) semaphore(%run_scoped3A_304 : memref<!tpu.dma_semaphore, #tpu.memory_space<semaphore_mem>>)
            %dma_wait3A = arith.constant 0 : i32
            %dma_wait3A_319 = arith.constant 0 : i32
            %dma_wait3A_320 = tpu.memref_slice %run_scoped3A_18[%rem3A_232, %dma_wait3A, %dma_wait3A_319] : memref<2x1600x16xf32, #tpu.memory_space<vmem>> -> memref<1x1600x16xf32, #tpu.memory_space<vmem>>
            %dma_wait3A_321 = tpu.memref_squeeze %dma_wait3A_320 : memref<1x1600x16xf32, #tpu.memory_space<vmem>> -> memref<1600x16xf32, #tpu.memory_space<vmem>>
            %dma_wait3A_322 = arith.constant 0 : i32
            %dma_wait3A_323 = arith.constant 0 : i32
            %dma_wait3A_324 = tpu.memref_slice %run_scoped3A[%rem3A_230, %dma_wait3A_322, %dma_wait3A_323] : memref<2x1x1600xi32, #tpu.memory_space<vmem>> -> memref<1x1x1600xi32, #tpu.memory_space<vmem>>
            %dma_wait3A_325 = tpu.memref_squeeze %dma_wait3A_324 : memref<1x1x1600xi32, #tpu.memory_space<vmem>> -> memref<1x1600xi32, #tpu.memory_space<vmem>>
            %dma_wait3A_326 = arith.constant 0 : i32
            %dma_wait3A_327 = tpu.memref_slice %dma_wait3A_325[%run_scoped3A_233, %dma_wait3A_326] : memref<1x1600xi32, #tpu.memory_space<vmem>> -> memref<1x1600xi32, #tpu.memory_space<vmem>>
            %dma_wait3A_328 = tpu.memref_squeeze %dma_wait3A_327 : memref<1x1600xi32, #tpu.memory_space<vmem>> -> memref<1600xi32, #tpu.memory_space<vmem>>
            %dma_wait3A_329 = arith.constant 0 : i32
            %dma_wait3A_330 = arith.constant 0 : i32
            %dma_wait3A_331 = tpu.memref_slice %arg2[%dma_wait3A_329, %dma_wait3A_330] : memref<50000x16xf32, #tpu.memory_space<hbm>> -> memref<50000x16xf32, #tpu.memory_space<hbm>>
            tpu.wait_indirect_dma semaphore(%run_scoped3A_304 : memref<!tpu.dma_semaphore, #tpu.memory_space<semaphore_mem>>) src(%dma_wait3A_331 : memref<50000x16xf32, #tpu.memory_space<hbm>>) dst(%dma_wait3A_321 : memref<1600x16xf32, #tpu.memory_space<vmem>>)
            tpu.yield
          }) : () -> ()
          "tpu.trace_stop"() : () -> ()
          %ne3A_234 = arith.cmpi ne, %add3A_155, %add3A_173 : i32
          %or3A_235 = arith.constant false
          %or3A_236 = arith.ori %or3A_235, %ne3A_234 : i1
          %or3A_237 = arith.constant false
          %or3A_238 = arith.ori %or3A_236, %or3A_237 : i1
          %or3A_239 = arith.ori %or3A_238, %eq3A_154 : i1
          %convert_element_type3A_240 = arith.extui %or3A_239 : i1 to i32
          %cond3A_241 = arith.constant 0 : i32
          %cond3A_242 = arith.cmpi ne, %convert_element_type3A_240, %cond3A_241 : i32
          scf.if %cond3A_242 {
          } else {
          }
          %and3A_243 = arith.constant false
          %and3A_244 = arith.andi %or3A_239, %and3A_243 : i1
          %ne3A_245 = arith.cmpi ne, %add3A_155, %add3A_173 : i32
          %or3A_246 = arith.constant false
          %or3A_247 = arith.ori %or3A_246, %ne3A_245 : i1
          %or3A_248 = arith.constant false
          %or3A_249 = arith.ori %or3A_247, %or3A_248 : i1
          %or3A_250 = arith.ori %or3A_249, %eq3A_154 : i1
          %convert_element_type3A_251 = arith.extui %or3A_250 : i1 to i32
          %cond3A_252 = arith.constant 0 : i32
          %cond3A_253 = arith.cmpi ne, %convert_element_type3A_251, %cond3A_252 : i32
          scf.if %cond3A_253 {
            "tpu.trace_start"() <{level = 10 : i32, message = "ep_copy_out"}> : () -> ()
            %rem3A_304 = arith.constant 2 : i32
            %rem3A_305 = arith.remui %while3A_145, %rem3A_304 : i32
            %mul3A_306 = arith.constant 1600 : i32
            %mul3A_307 = arith.muli %mul3A_306, %add3A_155 : i32
            %dma_start3A_308 = arith.constant 0 : i32
            %dma_start3A_309 = arith.constant 0 : i32
            %dma_start3A_310 = tpu.memref_slice %run_scoped3A_18[%rem3A_305, %dma_start3A_308, %dma_start3A_309] : memref<2x1600x16xf32, #tpu.memory_space<vmem>> -> memref<1x1600x16xf32, #tpu.memory_space<vmem>>
            %dma_start3A_311 = tpu.memref_squeeze %dma_start3A_310 : memref<1x1600x16xf32, #tpu.memory_space<vmem>> -> memref<1600x16xf32, #tpu.memory_space<vmem>>
            %dma_start3A_312 = arith.constant 0 : i32
            %dma_start3A_313 = tpu.memref_slice %arg4[%mul3A_307, %dma_start3A_312] : memref<1600000x16xf32, #tpu.memory_space<hbm>> -> memref<1600x16xf32, #tpu.memory_space<hbm>>
            %dma_start3A_314 = tpu.memref_slice %run_scoped3A_19[%rem3A_305] : memref<2x!tpu.dma_semaphore, #tpu.memory_space<semaphore_mem>> -> memref<1x!tpu.dma_semaphore, #tpu.memory_space<semaphore_mem>>
            %dma_start3A_315 = tpu.memref_squeeze %dma_start3A_314 : memref<1x!tpu.dma_semaphore, #tpu.memory_space<semaphore_mem>> -> memref<!tpu.dma_semaphore, #tpu.memory_space<semaphore_mem>>
            %dma_start3A_316 = arith.constant 0 : i32
            %dma_start3A_317 = tpu.memref_slice %arg4[%mul3A_307, %dma_start3A_316] : memref<1600000x16xf32, #tpu.memory_space<hbm>> -> memref<1600x16xf32, #tpu.memory_space<hbm>>
            %dma_start3A_318 = arith.constant 0 : i32
            %dma_start3A_319 = arith.constant 0 : i32
            %dma_start3A_320 = tpu.memref_slice %run_scoped3A_18[%rem3A_305, %dma_start3A_318, %dma_start3A_319] : memref<2x1600x16xf32, #tpu.memory_space<vmem>> -> memref<1x1600x16xf32, #tpu.memory_space<vmem>>
            %dma_start3A_321 = tpu.memref_squeeze %dma_start3A_320 : memref<1x1600x16xf32, #tpu.memory_space<vmem>> -> memref<1600x16xf32, #tpu.memory_space<vmem>>
            tpu.enqueue_dma source(%dma_start3A_321 : memref<1600x16xf32, #tpu.memory_space<vmem>>) target(%dma_start3A_317 : memref<1600x16xf32, #tpu.memory_space<hbm>>) target_semaphore(%dma_start3A_315 : memref<!tpu.dma_semaphore, #tpu.memory_space<semaphore_mem>>)
            "tpu.trace_stop"() : () -> ()
          } else {
          }
          %and3A_254 = arith.constant true
          %and3A_255 = arith.andi %or3A_250, %and3A_254 : i1
          %add3A_256 = arith.constant 1 : i32
          %add3A_257 = arith.addi %while3A_145, %add3A_256 : i32
          %select_n3A_258 = arith.select %and3A_255, %add3A_257, %while3A_145 : i32
          %ne3A_259 = arith.cmpi ne, %add3A_155, %add3A_165 : i32
          %or3A_260 = arith.constant false
          %or3A_261 = arith.ori %or3A_260, %ne3A_259 : i1
          %or3A_262 = arith.constant false
          %or3A_263 = arith.ori %or3A_261, %or3A_262 : i1
          %not3A_264 = arith.constant true
          %not3A_265 = arith.xori %eq3A_151, %not3A_264 : i1
          %and3A_266 = arith.andi %or3A_263, %not3A_265 : i1
          %convert_element_type3A_267 = arith.extui %and3A_266 : i1 to i32
          %cond3A_268 = arith.constant 0 : i32
          %cond3A_269 = arith.cmpi ne, %convert_element_type3A_267, %cond3A_268 : i32
          scf.if %cond3A_269 {
          } else {
          }
          %and3A_270 = arith.constant false
          %and3A_271 = arith.andi %and3A_266, %and3A_270 : i1
          %ne3A_272 = arith.cmpi ne, %add3A_155, %add3A_165 : i32
          %or3A_273 = arith.constant false
          %or3A_274 = arith.ori %or3A_273, %ne3A_272 : i1
          %or3A_275 = arith.constant false
          %or3A_276 = arith.ori %or3A_274, %or3A_275 : i1
          %not3A_277 = arith.constant true
          %not3A_278 = arith.xori %eq3A_151, %not3A_277 : i1
          %and3A_279 = arith.andi %or3A_276, %not3A_278 : i1
          %convert_element_type3A_280 = arith.extui %and3A_279 : i1 to i32
          %cond3A_281 = arith.constant 0 : i32
          %cond3A_282 = arith.cmpi ne, %convert_element_type3A_280, %cond3A_281 : i32
          scf.if %cond3A_282 {
            "tpu.trace_start"() <{level = 10 : i32, message = "ep_wait_out"}> : () -> ()
            %rem3A_304 = arith.constant 2 : i32
            %rem3A_305 = arith.remui %while3A_146, %rem3A_304 : i32
            %mul3A_306 = arith.constant 1600 : i32
            %mul3A_307 = arith.muli %mul3A_306, %add3A_165 : i32
            %dma_wait3A = arith.constant 0 : i32
            %dma_wait3A_308 = arith.constant 0 : i32
            %dma_wait3A_309 = tpu.memref_slice %run_scoped3A_18[%rem3A_305, %dma_wait3A, %dma_wait3A_308] : memref<2x1600x16xf32, #tpu.memory_space<vmem>> -> memref<1x1600x16xf32, #tpu.memory_space<vmem>>
            %dma_wait3A_310 = tpu.memref_squeeze %dma_wait3A_309 : memref<1x1600x16xf32, #tpu.memory_space<vmem>> -> memref<1600x16xf32, #tpu.memory_space<vmem>>
            %dma_wait3A_311 = arith.constant 0 : i32
            %dma_wait3A_312 = tpu.memref_slice %arg4[%mul3A_307, %dma_wait3A_311] : memref<1600000x16xf32, #tpu.memory_space<hbm>> -> memref<1600x16xf32, #tpu.memory_space<hbm>>
            %dma_wait3A_313 = tpu.memref_slice %run_scoped3A_19[%rem3A_305] : memref<2x!tpu.dma_semaphore, #tpu.memory_space<semaphore_mem>> -> memref<1x!tpu.dma_semaphore, #tpu.memory_space<semaphore_mem>>
            %dma_wait3A_314 = tpu.memref_squeeze %dma_wait3A_313 : memref<1x!tpu.dma_semaphore, #tpu.memory_space<semaphore_mem>> -> memref<!tpu.dma_semaphore, #tpu.memory_space<semaphore_mem>>
            %dma_wait3A_315 = arith.constant 0 : i32
            %dma_wait3A_316 = tpu.memref_slice %arg4[%mul3A_307, %dma_wait3A_315] : memref<1600000x16xf32, #tpu.memory_space<hbm>> -> memref<1600x16xf32, #tpu.memory_space<hbm>>
            %dma_wait3A_317 = arith.constant 0 : i32
            %dma_wait3A_318 = arith.constant 0 : i32
            %dma_wait3A_319 = tpu.memref_slice %run_scoped3A_18[%rem3A_305, %dma_wait3A_317, %dma_wait3A_318] : memref<2x1600x16xf32, #tpu.memory_space<vmem>> -> memref<1x1600x16xf32, #tpu.memory_space<vmem>>
            %dma_wait3A_320 = tpu.memref_squeeze %dma_wait3A_319 : memref<1x1600x16xf32, #tpu.memory_space<vmem>> -> memref<1600x16xf32, #tpu.memory_space<vmem>>
            tpu.wait_dma2 semaphore(%dma_wait3A_314 : memref<!tpu.dma_semaphore, #tpu.memory_space<semaphore_mem>>) src(%dma_wait3A_320 : memref<1600x16xf32, #tpu.memory_space<vmem>>) dst(%dma_wait3A_316 : memref<1600x16xf32, #tpu.memory_space<hbm>>)
            "tpu.trace_stop"() : () -> ()
          } else {
          }
          %and3A_283 = arith.constant true
          %and3A_284 = arith.andi %and3A_279, %and3A_283 : i1
          %add3A_285 = arith.constant 1 : i32
          %add3A_286 = arith.addi %while3A_146, %add3A_285 : i32
          %select_n3A_287 = arith.select %and3A_284, %add3A_286, %while3A_146 : i32
          %ne3A_288 = arith.cmpi ne, %add3A_155, %add3A_173 : i32
          %or3A_289 = arith.constant false
          %or3A_290 = arith.ori %or3A_289, %ne3A_288 : i1
          %or3A_291 = arith.constant false
          %or3A_292 = arith.ori %or3A_290, %or3A_291 : i1
          %or3A_293 = arith.ori %or3A_292, %eq3A_154 : i1
          %add3A_294 = arith.constant 1 : i32
          %add3A_295 = arith.addi %while3A_144, %add3A_294 : i32
          %select_n3A_296 = arith.select %or3A_293, %add3A_295, %while3A_144 : i32
          %add3A_297 = arith.constant 1 : i32
          %add3A_298 = arith.addi %while3A_147, %add3A_297 : i32
          %select_n3A_299 = arith.constant true
          %select_n3A_300 = arith.select %select_n3A_299, %add3A_298, %while3A_147 : i32
          %eq3A_301 = arith.cmpi eq, %select_n3A_300, %select_n3A : i32
          %select_n3A_302 = arith.constant 0 : i32
          %select_n3A_303 = arith.select %eq3A_301, %select_n3A_302, %select_n3A_300 : i32
          scf.yield %select_n3A_197, %select_n3A_296, %select_n3A_258, %select_n3A_287, %select_n3A_303 : i32, i32, i32, i32, i32
        }
        %while3A_89 = arith.constant 1 : i32
        %while3A_90:5 = scf.for %while3A_142 = %while3A_86 to %while3A_82 step %while3A_89 iter_args(%while3A_143 = %while3A_88#0, %while3A_144 = %while3A_88#1, %while3A_145 = %while3A_88#2, %while3A_146 = %while3A_88#3, %while3A_147 = %while3A_88#4) -> (i32, i32, i32, i32, i32)  : i32 {
          %mul3A_148 = arith.constant 1 : i32
          %mul3A_149 = arith.muli %mul3A_148, %select_n3A : i32
          %eq3A_150 = arith.constant 0 : i32
          %eq3A_151 = arith.cmpi eq, %while3A_142, %eq3A_150 : i32
          %sub3A_152 = arith.constant 1 : i32
          %sub3A_153 = arith.subi %mul3A_149, %sub3A_152 : i32
          %eq3A_154 = arith.cmpi eq, %while3A_142, %sub3A_153 : i32
          %add3A_155 = arith.addi %while3A_147, %select_n3A_14 : i32
          %sub3A_156 = arith.constant 1 : i32
          %sub3A_157 = arith.subi %while3A_147, %sub3A_156 : i32
          %select_n3A_158 = arith.constant true
          %select_n3A_159 = arith.select %select_n3A_158, %sub3A_157, %while3A_147 : i32
          %eq3A_160 = arith.constant -1 : i32
          %eq3A_161 = arith.cmpi eq, %select_n3A_159, %eq3A_160 : i32
          %sub3A_162 = arith.constant 1 : i32
          %sub3A_163 = arith.subi %select_n3A, %sub3A_162 : i32
          %select_n3A_164 = arith.select %eq3A_161, %sub3A_163, %select_n3A_159 : i32
          %add3A_165 = arith.addi %select_n3A_164, %select_n3A_14 : i32
          %add3A_166 = arith.constant 1 : i32
          %add3A_167 = arith.addi %while3A_147, %add3A_166 : i32
          %select_n3A_168 = arith.constant true
          %select_n3A_169 = arith.select %select_n3A_168, %add3A_167, %while3A_147 : i32
          %eq3A_170 = arith.cmpi eq, %select_n3A_169, %select_n3A : i32
          %select_n3A_171 = arith.constant 0 : i32
          %select_n3A_172 = arith.select %eq3A_170, %select_n3A_171, %select_n3A_169 : i32
          %add3A_173 = arith.addi %select_n3A_172, %select_n3A_14 : i32
          %add3A_174 = arith.constant 1 : i32
          %add3A_175 = arith.addi %select_n3A_172, %add3A_174 : i32
          %select_n3A_176 = arith.constant true
          %select_n3A_177 = arith.select %select_n3A_176, %add3A_175, %select_n3A_172 : i32
          %eq3A_178 = arith.cmpi eq, %select_n3A_177, %select_n3A : i32
          %select_n3A_179 = arith.constant 0 : i32
          %select_n3A_180 = arith.select %eq3A_178, %select_n3A_179, %select_n3A_177 : i32
          %add3A_181 = arith.addi %select_n3A_180, %select_n3A_14 : i32
          %ne3A = arith.cmpi ne, %add3A_155, %add3A_173 : i32
          %or3A = arith.constant false
          %or3A_182 = arith.ori %or3A, %ne3A : i1
          %or3A_183 = arith.constant false
          %or3A_184 = arith.ori %or3A_182, %or3A_183 : i1
          %sub3A_185 = arith.constant 2 : i32
          %sub3A_186 = arith.subi %mul3A_149, %sub3A_185 : i32
          %add3A_187 = arith.constant 1 : i32
          %add3A_188 = arith.addi %sub3A_186, %add3A_187 : i32
          %ge3A = arith.cmpi sge, %while3A_142, %add3A_188 : i32
          %not3A = arith.constant true
          %not3A_189 = arith.xori %ge3A, %not3A : i1
          %and3A = arith.andi %or3A_184, %not3A_189 : i1
          %convert_element_type3A_190 = arith.extui %and3A : i1 to i32
          %cond3A_191 = arith.constant 0 : i32
          %cond3A_192 = arith.cmpi ne, %convert_element_type3A_190, %cond3A_191 : i32
          scf.if %cond3A_192 {
            "tpu.trace_start"() <{level = 10 : i32, message = "ep_copy_in"}> : () -> ()
            %rem3A_304 = arith.constant 2 : i32
            %rem3A_305 = arith.remui %while3A_143, %rem3A_304 : i32
            %mul3A_306 = arith.constant 1 : i32
            %mul3A_307 = arith.muli %mul3A_306, %add3A_173 : i32
            %dma_start3A_308 = arith.constant 0 : i32
            %dma_start3A_309 = arith.constant 0 : i32
            %dma_start3A_310 = tpu.memref_slice %run_scoped3A[%rem3A_305, %dma_start3A_308, %dma_start3A_309] : memref<2x1x1600xi32, #tpu.memory_space<vmem>> -> memref<1x1x1600xi32, #tpu.memory_space<vmem>>
            %dma_start3A_311 = tpu.memref_squeeze %dma_start3A_310 : memref<1x1x1600xi32, #tpu.memory_space<vmem>> -> memref<1x1600xi32, #tpu.memory_space<vmem>>
            %dma_start3A_312 = arith.constant 0 : i32
            %dma_start3A_313 = tpu.memref_slice %arg3[%mul3A_307, %dma_start3A_312] : memref<1000x1600xi32, #tpu.memory_space<hbm>> -> memref<1x1600xi32, #tpu.memory_space<hbm>>
            %dma_start3A_314 = tpu.memref_slice %run_scoped3A_17[%rem3A_305] : memref<2x!tpu.dma_semaphore, #tpu.memory_space<semaphore_mem>> -> memref<1x!tpu.dma_semaphore, #tpu.memory_space<semaphore_mem>>
            %dma_start3A_315 = tpu.memref_squeeze %dma_start3A_314 : memref<1x!tpu.dma_semaphore, #tpu.memory_space<semaphore_mem>> -> memref<!tpu.dma_semaphore, #tpu.memory_space<semaphore_mem>>
            %dma_start3A_316 = arith.constant 0 : i32
            %dma_start3A_317 = arith.constant 0 : i32
            %dma_start3A_318 = tpu.memref_slice %run_scoped3A[%rem3A_305, %dma_start3A_316, %dma_start3A_317] : memref<2x1x1600xi32, #tpu.memory_space<vmem>> -> memref<1x1x1600xi32, #tpu.memory_space<vmem>>
            %dma_start3A_319 = tpu.memref_squeeze %dma_start3A_318 : memref<1x1x1600xi32, #tpu.memory_space<vmem>> -> memref<1x1600xi32, #tpu.memory_space<vmem>>
            %dma_start3A_320 = arith.constant 0 : i32
            %dma_start3A_321 = tpu.memref_slice %arg3[%mul3A_307, %dma_start3A_320] : memref<1000x1600xi32, #tpu.memory_space<hbm>> -> memref<1x1600xi32, #tpu.memory_space<hbm>>
            tpu.enqueue_dma source(%dma_start3A_321 : memref<1x1600xi32, #tpu.memory_space<hbm>>) target(%dma_start3A_319 : memref<1x1600xi32, #tpu.memory_space<vmem>>) target_semaphore(%dma_start3A_315 : memref<!tpu.dma_semaphore, #tpu.memory_space<semaphore_mem>>)
            "tpu.trace_stop"() : () -> ()
          } else {
          }
          %and3A_193 = arith.constant true
          %and3A_194 = arith.andi %and3A, %and3A_193 : i1
          %add3A_195 = arith.constant 1 : i32
          %add3A_196 = arith.addi %while3A_143, %add3A_195 : i32
          %select_n3A_197 = arith.select %and3A_194, %add3A_196, %while3A_143 : i32
          %ne3A_198 = arith.cmpi ne, %add3A_155, %add3A_173 : i32
          %or3A_199 = arith.constant false
          %or3A_200 = arith.ori %or3A_199, %ne3A_198 : i1
          %or3A_201 = arith.constant false
          %or3A_202 = arith.ori %or3A_200, %or3A_201 : i1
          %sub3A_203 = arith.constant 2 : i32
          %sub3A_204 = arith.subi %mul3A_149, %sub3A_203 : i32
          %add3A_205 = arith.constant 1 : i32
          %add3A_206 = arith.addi %sub3A_204, %add3A_205 : i32
          %ge3A_207 = arith.cmpi sge, %while3A_142, %add3A_206 : i32
          %not3A_208 = arith.constant true
          %not3A_209 = arith.xori %ge3A_207, %not3A_208 : i1
          %and3A_210 = arith.andi %or3A_202, %not3A_209 : i1
          %ne3A_211 = arith.cmpi ne, %add3A_155, %add3A_165 : i32
          %or3A_212 = arith.constant false
          %or3A_213 = arith.ori %or3A_212, %ne3A_211 : i1
          %or3A_214 = arith.constant false
          %or3A_215 = arith.ori %or3A_213, %or3A_214 : i1
          %or3A_216 = arith.ori %or3A_215, %eq3A_151 : i1
          %convert_element_type3A_217 = arith.extui %or3A_216 : i1 to i32
          %cond3A_218 = arith.constant 0 : i32
          %cond3A_219 = arith.cmpi ne, %convert_element_type3A_217, %cond3A_218 : i32
          scf.if %cond3A_219 {
            "tpu.trace_start"() <{level = 10 : i32, message = "ep_wait_in"}> : () -> ()
            %mul3A_304 = arith.constant 1 : i32
            %mul3A_305 = arith.muli %mul3A_304, %add3A_155 : i32
            %rem3A_306 = arith.constant 2 : i32
            %rem3A_307 = arith.remui %while3A_144, %rem3A_306 : i32
            %dma_wait3A = arith.constant 0 : i32
            %dma_wait3A_308 = arith.constant 0 : i32
            %dma_wait3A_309 = tpu.memref_slice %run_scoped3A[%rem3A_307, %dma_wait3A, %dma_wait3A_308] : memref<2x1x1600xi32, #tpu.memory_space<vmem>> -> memref<1x1x1600xi32, #tpu.memory_space<vmem>>
            %dma_wait3A_310 = tpu.memref_squeeze %dma_wait3A_309 : memref<1x1x1600xi32, #tpu.memory_space<vmem>> -> memref<1x1600xi32, #tpu.memory_space<vmem>>
            %dma_wait3A_311 = arith.constant 0 : i32
            %dma_wait3A_312 = tpu.memref_slice %arg3[%mul3A_305, %dma_wait3A_311] : memref<1000x1600xi32, #tpu.memory_space<hbm>> -> memref<1x1600xi32, #tpu.memory_space<hbm>>
            %dma_wait3A_313 = tpu.memref_slice %run_scoped3A_17[%rem3A_307] : memref<2x!tpu.dma_semaphore, #tpu.memory_space<semaphore_mem>> -> memref<1x!tpu.dma_semaphore, #tpu.memory_space<semaphore_mem>>
            %dma_wait3A_314 = tpu.memref_squeeze %dma_wait3A_313 : memref<1x!tpu.dma_semaphore, #tpu.memory_space<semaphore_mem>> -> memref<!tpu.dma_semaphore, #tpu.memory_space<semaphore_mem>>
            %dma_wait3A_315 = arith.constant 0 : i32
            %dma_wait3A_316 = arith.constant 0 : i32
            %dma_wait3A_317 = tpu.memref_slice %run_scoped3A[%rem3A_307, %dma_wait3A_315, %dma_wait3A_316] : memref<2x1x1600xi32, #tpu.memory_space<vmem>> -> memref<1x1x1600xi32, #tpu.memory_space<vmem>>
            %dma_wait3A_318 = tpu.memref_squeeze %dma_wait3A_317 : memref<1x1x1600xi32, #tpu.memory_space<vmem>> -> memref<1x1600xi32, #tpu.memory_space<vmem>>
            %dma_wait3A_319 = arith.constant 0 : i32
            %dma_wait3A_320 = tpu.memref_slice %arg3[%mul3A_305, %dma_wait3A_319] : memref<1000x1600xi32, #tpu.memory_space<hbm>> -> memref<1x1600xi32, #tpu.memory_space<hbm>>
            tpu.wait_dma2 semaphore(%dma_wait3A_314 : memref<!tpu.dma_semaphore, #tpu.memory_space<semaphore_mem>>) src(%dma_wait3A_320 : memref<1x1600xi32, #tpu.memory_space<hbm>>) dst(%dma_wait3A_318 : memref<1x1600xi32, #tpu.memory_space<vmem>>)
            "tpu.trace_stop"() : () -> ()
          } else {
          }
          %ne3A_220 = arith.cmpi ne, %add3A_155, %add3A_165 : i32
          %or3A_221 = arith.constant false
          %or3A_222 = arith.ori %or3A_221, %ne3A_220 : i1
          %or3A_223 = arith.constant false
          %or3A_224 = arith.ori %or3A_222, %or3A_223 : i1
          %or3A_225 = arith.ori %or3A_224, %eq3A_151 : i1
          %convert_element_type3A_226 = arith.extui %or3A_225 : i1 to i32
          %cond3A_227 = arith.constant 0 : i32
          %cond3A_228 = arith.cmpi ne, %convert_element_type3A_226, %cond3A_227 : i32
          scf.if %cond3A_228 {
          } else {
          }
          %rem3A_229 = arith.constant 2 : i32
          %rem3A_230 = arith.remui %while3A_144, %rem3A_229 : i32
          %rem3A_231 = arith.constant 2 : i32
          %rem3A_232 = arith.remui %while3A_145, %rem3A_231 : i32
          %run_scoped3A_233 = arith.constant 0 : i32
          "tpu.trace_start"() <{level = 10 : i32, message = "ep_run_kernel"}> : () -> ()
          "tpu.region"() ({
            %run_scoped3A_304 = tpu.sem_alloc : memref<!tpu.dma_semaphore, #tpu.memory_space<semaphore_mem>>
            %dma_start3A_305 = arith.constant 0 : i32
            %dma_start3A_306 = arith.constant 0 : i32
            %dma_start3A_307 = tpu.memref_slice %run_scoped3A_18[%rem3A_232, %dma_start3A_305, %dma_start3A_306] : memref<2x1600x16xf32, #tpu.memory_space<vmem>> -> memref<1x1600x16xf32, #tpu.memory_space<vmem>>
            %dma_start3A_308 = tpu.memref_squeeze %dma_start3A_307 : memref<1x1600x16xf32, #tpu.memory_space<vmem>> -> memref<1600x16xf32, #tpu.memory_space<vmem>>
            %dma_start3A_309 = arith.constant 0 : i32
            %dma_start3A_310 = arith.constant 0 : i32
            %dma_start3A_311 = tpu.memref_slice %run_scoped3A[%rem3A_230, %dma_start3A_309, %dma_start3A_310] : memref<2x1x1600xi32, #tpu.memory_space<vmem>> -> memref<1x1x1600xi32, #tpu.memory_space<vmem>>
            %dma_start3A_312 = tpu.memref_squeeze %dma_start3A_311 : memref<1x1x1600xi32, #tpu.memory_space<vmem>> -> memref<1x1600xi32, #tpu.memory_space<vmem>>
            %dma_start3A_313 = arith.constant 0 : i32
            %dma_start3A_314 = tpu.memref_slice %dma_start3A_312[%run_scoped3A_233, %dma_start3A_313] : memref<1x1600xi32, #tpu.memory_space<vmem>> -> memref<1x1600xi32, #tpu.memory_space<vmem>>
            %dma_start3A_315 = tpu.memref_squeeze %dma_start3A_314 : memref<1x1600xi32, #tpu.memory_space<vmem>> -> memref<1600xi32, #tpu.memory_space<vmem>>
            %dma_start3A_316 = arith.constant 0 : i32
            %dma_start3A_317 = arith.constant 0 : i32
            %dma_start3A_318 = tpu.memref_slice %arg2[%dma_start3A_316, %dma_start3A_317] : memref<50000x16xf32, #tpu.memory_space<hbm>> -> memref<50000x16xf32, #tpu.memory_space<hbm>>
            tpu.enqueue_indirect_dma source(%dma_start3A_318 : memref<50000x16xf32, #tpu.memory_space<hbm>>) target(%dma_start3A_308 : memref<1600x16xf32, #tpu.memory_space<vmem>>) offsets(%dma_start3A_315 : memref<1600xi32, #tpu.memory_space<vmem>>) semaphore(%run_scoped3A_304 : memref<!tpu.dma_semaphore, #tpu.memory_space<semaphore_mem>>)
            %dma_wait3A = arith.constant 0 : i32
            %dma_wait3A_319 = arith.constant 0 : i32
            %dma_wait3A_320 = tpu.memref_slice %run_scoped3A_18[%rem3A_232, %dma_wait3A, %dma_wait3A_319] : memref<2x1600x16xf32, #tpu.memory_space<vmem>> -> memref<1x1600x16xf32, #tpu.memory_space<vmem>>
            %dma_wait3A_321 = tpu.memref_squeeze %dma_wait3A_320 : memref<1x1600x16xf32, #tpu.memory_space<vmem>> -> memref<1600x16xf32, #tpu.memory_space<vmem>>
            %dma_wait3A_322 = arith.constant 0 : i32
            %dma_wait3A_323 = arith.constant 0 : i32
            %dma_wait3A_324 = tpu.memref_slice %run_scoped3A[%rem3A_230, %dma_wait3A_322, %dma_wait3A_323] : memref<2x1x1600xi32, #tpu.memory_space<vmem>> -> memref<1x1x1600xi32, #tpu.memory_space<vmem>>
            %dma_wait3A_325 = tpu.memref_squeeze %dma_wait3A_324 : memref<1x1x1600xi32, #tpu.memory_space<vmem>> -> memref<1x1600xi32, #tpu.memory_space<vmem>>
            %dma_wait3A_326 = arith.constant 0 : i32
            %dma_wait3A_327 = tpu.memref_slice %dma_wait3A_325[%run_scoped3A_233, %dma_wait3A_326] : memref<1x1600xi32, #tpu.memory_space<vmem>> -> memref<1x1600xi32, #tpu.memory_space<vmem>>
            %dma_wait3A_328 = tpu.memref_squeeze %dma_wait3A_327 : memref<1x1600xi32, #tpu.memory_space<vmem>> -> memref<1600xi32, #tpu.memory_space<vmem>>
            %dma_wait3A_329 = arith.constant 0 : i32
            %dma_wait3A_330 = arith.constant 0 : i32
            %dma_wait3A_331 = tpu.memref_slice %arg2[%dma_wait3A_329, %dma_wait3A_330] : memref<50000x16xf32, #tpu.memory_space<hbm>> -> memref<50000x16xf32, #tpu.memory_space<hbm>>
            tpu.wait_indirect_dma semaphore(%run_scoped3A_304 : memref<!tpu.dma_semaphore, #tpu.memory_space<semaphore_mem>>) src(%dma_wait3A_331 : memref<50000x16xf32, #tpu.memory_space<hbm>>) dst(%dma_wait3A_321 : memref<1600x16xf32, #tpu.memory_space<vmem>>)
            tpu.yield
          }) : () -> ()
          "tpu.trace_stop"() : () -> ()
          %ne3A_234 = arith.cmpi ne, %add3A_155, %add3A_173 : i32
          %or3A_235 = arith.constant false
          %or3A_236 = arith.ori %or3A_235, %ne3A_234 : i1
          %or3A_237 = arith.constant false
          %or3A_238 = arith.ori %or3A_236, %or3A_237 : i1
          %or3A_239 = arith.ori %or3A_238, %eq3A_154 : i1
          %convert_element_type3A_240 = arith.extui %or3A_239 : i1 to i32
          %cond3A_241 = arith.constant 0 : i32
          %cond3A_242 = arith.cmpi ne, %convert_element_type3A_240, %cond3A_241 : i32
          scf.if %cond3A_242 {
          } else {
          }
          %and3A_243 = arith.constant false
          %and3A_244 = arith.andi %or3A_239, %and3A_243 : i1
          %ne3A_245 = arith.cmpi ne, %add3A_155, %add3A_173 : i32
          %or3A_246 = arith.constant false
          %or3A_247 = arith.ori %or3A_246, %ne3A_245 : i1
          %or3A_248 = arith.constant false
          %or3A_249 = arith.ori %or3A_247, %or3A_248 : i1
          %or3A_250 = arith.ori %or3A_249, %eq3A_154 : i1
          %convert_element_type3A_251 = arith.extui %or3A_250 : i1 to i32
          %cond3A_252 = arith.constant 0 : i32
          %cond3A_253 = arith.cmpi ne, %convert_element_type3A_251, %cond3A_252 : i32
          scf.if %cond3A_253 {
            "tpu.trace_start"() <{level = 10 : i32, message = "ep_copy_out"}> : () -> ()
            %rem3A_304 = arith.constant 2 : i32
            %rem3A_305 = arith.remui %while3A_145, %rem3A_304 : i32
            %mul3A_306 = arith.constant 1600 : i32
            %mul3A_307 = arith.muli %mul3A_306, %add3A_155 : i32
            %dma_start3A_308 = arith.constant 0 : i32
            %dma_start3A_309 = arith.constant 0 : i32
            %dma_start3A_310 = tpu.memref_slice %run_scoped3A_18[%rem3A_305, %dma_start3A_308, %dma_start3A_309] : memref<2x1600x16xf32, #tpu.memory_space<vmem>> -> memref<1x1600x16xf32, #tpu.memory_space<vmem>>
            %dma_start3A_311 = tpu.memref_squeeze %dma_start3A_310 : memref<1x1600x16xf32, #tpu.memory_space<vmem>> -> memref<1600x16xf32, #tpu.memory_space<vmem>>
            %dma_start3A_312 = arith.constant 0 : i32
            %dma_start3A_313 = tpu.memref_slice %arg4[%mul3A_307, %dma_start3A_312] : memref<1600000x16xf32, #tpu.memory_space<hbm>> -> memref<1600x16xf32, #tpu.memory_space<hbm>>
            %dma_start3A_314 = tpu.memref_slice %run_scoped3A_19[%rem3A_305] : memref<2x!tpu.dma_semaphore, #tpu.memory_space<semaphore_mem>> -> memref<1x!tpu.dma_semaphore, #tpu.memory_space<semaphore_mem>>
            %dma_start3A_315 = tpu.memref_squeeze %dma_start3A_314 : memref<1x!tpu.dma_semaphore, #tpu.memory_space<semaphore_mem>> -> memref<!tpu.dma_semaphore, #tpu.memory_space<semaphore_mem>>
            %dma_start3A_316 = arith.constant 0 : i32
            %dma_start3A_317 = tpu.memref_slice %arg4[%mul3A_307, %dma_start3A_316] : memref<1600000x16xf32, #tpu.memory_space<hbm>> -> memref<1600x16xf32, #tpu.memory_space<hbm>>
            %dma_start3A_318 = arith.constant 0 : i32
            %dma_start3A_319 = arith.constant 0 : i32
            %dma_start3A_320 = tpu.memref_slice %run_scoped3A_18[%rem3A_305, %dma_start3A_318, %dma_start3A_319] : memref<2x1600x16xf32, #tpu.memory_space<vmem>> -> memref<1x1600x16xf32, #tpu.memory_space<vmem>>
            %dma_start3A_321 = tpu.memref_squeeze %dma_start3A_320 : memref<1x1600x16xf32, #tpu.memory_space<vmem>> -> memref<1600x16xf32, #tpu.memory_space<vmem>>
            tpu.enqueue_dma source(%dma_start3A_321 : memref<1600x16xf32, #tpu.memory_space<vmem>>) target(%dma_start3A_317 : memref<1600x16xf32, #tpu.memory_space<hbm>>) target_semaphore(%dma_start3A_315 : memref<!tpu.dma_semaphore, #tpu.memory_space<semaphore_mem>>)
            "tpu.trace_stop"() : () -> ()
          } else {
          }
          %and3A_254 = arith.constant true
          %and3A_255 = arith.andi %or3A_250, %and3A_254 : i1
          %add3A_256 = arith.constant 1 : i32
          %add3A_257 = arith.addi %while3A_145, %add3A_256 : i32
          %select_n3A_258 = arith.select %and3A_255, %add3A_257, %while3A_145 : i32
          %ne3A_259 = arith.cmpi ne, %add3A_155, %add3A_165 : i32
          %or3A_260 = arith.constant false
          %or3A_261 = arith.ori %or3A_260, %ne3A_259 : i1
          %or3A_262 = arith.constant false
          %or3A_263 = arith.ori %or3A_261, %or3A_262 : i1
          %not3A_264 = arith.constant true
          %not3A_265 = arith.xori %eq3A_151, %not3A_264 : i1
          %and3A_266 = arith.andi %or3A_263, %not3A_265 : i1
          %convert_element_type3A_267 = arith.extui %and3A_266 : i1 to i32
          %cond3A_268 = arith.constant 0 : i32
          %cond3A_269 = arith.cmpi ne, %convert_element_type3A_267, %cond3A_268 : i32
          scf.if %cond3A_269 {
          } else {
          }
          %and3A_270 = arith.constant false
          %and3A_271 = arith.andi %and3A_266, %and3A_270 : i1
          %ne3A_272 = arith.cmpi ne, %add3A_155, %add3A_165 : i32
          %or3A_273 = arith.constant false
          %or3A_274 = arith.ori %or3A_273, %ne3A_272 : i1
          %or3A_275 = arith.constant false
          %or3A_276 = arith.ori %or3A_274, %or3A_275 : i1
          %not3A_277 = arith.constant true
          %not3A_278 = arith.xori %eq3A_151, %not3A_277 : i1
          %and3A_279 = arith.andi %or3A_276, %not3A_278 : i1
          %convert_element_type3A_280 = arith.extui %and3A_279 : i1 to i32
          %cond3A_281 = arith.constant 0 : i32
          %cond3A_282 = arith.cmpi ne, %convert_element_type3A_280, %cond3A_281 : i32
          scf.if %cond3A_282 {
            "tpu.trace_start"() <{level = 10 : i32, message = "ep_wait_out"}> : () -> ()
            %rem3A_304 = arith.constant 2 : i32
            %rem3A_305 = arith.remui %while3A_146, %rem3A_304 : i32
            %mul3A_306 = arith.constant 1600 : i32
            %mul3A_307 = arith.muli %mul3A_306, %add3A_165 : i32
            %dma_wait3A = arith.constant 0 : i32
            %dma_wait3A_308 = arith.constant 0 : i32
            %dma_wait3A_309 = tpu.memref_slice %run_scoped3A_18[%rem3A_305, %dma_wait3A, %dma_wait3A_308] : memref<2x1600x16xf32, #tpu.memory_space<vmem>> -> memref<1x1600x16xf32, #tpu.memory_space<vmem>>
            %dma_wait3A_310 = tpu.memref_squeeze %dma_wait3A_309 : memref<1x1600x16xf32, #tpu.memory_space<vmem>> -> memref<1600x16xf32, #tpu.memory_space<vmem>>
            %dma_wait3A_311 = arith.constant 0 : i32
            %dma_wait3A_312 = tpu.memref_slice %arg4[%mul3A_307, %dma_wait3A_311] : memref<1600000x16xf32, #tpu.memory_space<hbm>> -> memref<1600x16xf32, #tpu.memory_space<hbm>>
            %dma_wait3A_313 = tpu.memref_slice %run_scoped3A_19[%rem3A_305] : memref<2x!tpu.dma_semaphore, #tpu.memory_space<semaphore_mem>> -> memref<1x!tpu.dma_semaphore, #tpu.memory_space<semaphore_mem>>
            %dma_wait3A_314 = tpu.memref_squeeze %dma_wait3A_313 : memref<1x!tpu.dma_semaphore, #tpu.memory_space<semaphore_mem>> -> memref<!tpu.dma_semaphore, #tpu.memory_space<semaphore_mem>>
            %dma_wait3A_315 = arith.constant 0 : i32
            %dma_wait3A_316 = tpu.memref_slice %arg4[%mul3A_307, %dma_wait3A_315] : memref<1600000x16xf32, #tpu.memory_space<hbm>> -> memref<1600x16xf32, #tpu.memory_space<hbm>>
            %dma_wait3A_317 = arith.constant 0 : i32
            %dma_wait3A_318 = arith.constant 0 : i32
            %dma_wait3A_319 = tpu.memref_slice %run_scoped3A_18[%rem3A_305, %dma_wait3A_317, %dma_wait3A_318] : memref<2x1600x16xf32, #tpu.memory_space<vmem>> -> memref<1x1600x16xf32, #tpu.memory_space<vmem>>
            %dma_wait3A_320 = tpu.memref_squeeze %dma_wait3A_319 : memref<1x1600x16xf32, #tpu.memory_space<vmem>> -> memref<1600x16xf32, #tpu.memory_space<vmem>>
            tpu.wait_dma2 semaphore(%dma_wait3A_314 : memref<!tpu.dma_semaphore, #tpu.memory_space<semaphore_mem>>) src(%dma_wait3A_320 : memref<1600x16xf32, #tpu.memory_space<vmem>>) dst(%dma_wait3A_316 : memref<1600x16xf32, #tpu.memory_space<hbm>>)
            "tpu.trace_stop"() : () -> ()
          } else {
          }
          %and3A_283 = arith.constant true
          %and3A_284 = arith.andi %and3A_279, %and3A_283 : i1
          %add3A_285 = arith.constant 1 : i32
          %add3A_286 = arith.addi %while3A_146, %add3A_285 : i32
          %select_n3A_287 = arith.select %and3A_284, %add3A_286, %while3A_146 : i32
          %ne3A_288 = arith.cmpi ne, %add3A_155, %add3A_173 : i32
          %or3A_289 = arith.constant false
          %or3A_290 = arith.ori %or3A_289, %ne3A_288 : i1
          %or3A_291 = arith.constant false
          %or3A_292 = arith.ori %or3A_290, %or3A_291 : i1
          %or3A_293 = arith.ori %or3A_292, %eq3A_154 : i1
          %add3A_294 = arith.constant 1 : i32
          %add3A_295 = arith.addi %while3A_144, %add3A_294 : i32
          %select_n3A_296 = arith.select %or3A_293, %add3A_295, %while3A_144 : i32
          %add3A_297 = arith.constant 1 : i32
          %add3A_298 = arith.addi %while3A_147, %add3A_297 : i32
          %select_n3A_299 = arith.constant true
          %select_n3A_300 = arith.select %select_n3A_299, %add3A_298, %while3A_147 : i32
          %eq3A_301 = arith.cmpi eq, %select_n3A_300, %select_n3A : i32
          %select_n3A_302 = arith.constant 0 : i32
          %select_n3A_303 = arith.select %eq3A_301, %select_n3A_302, %select_n3A_300 : i32
          scf.yield %select_n3A_197, %select_n3A_296, %select_n3A_258, %select_n3A_287, %select_n3A_303 : i32, i32, i32, i32, i32
        }
        %sub3A_91 = arith.constant 1 : i32
        %sub3A_92 = arith.subi %while3A_90#4, %sub3A_91 : i32
        %select_n3A_93 = arith.constant true
        %select_n3A_94 = arith.select %select_n3A_93, %sub3A_92, %while3A_90#4 : i32
        %eq3A_95 = arith.constant -1 : i32
        %eq3A_96 = arith.cmpi eq, %select_n3A_94, %eq3A_95 : i32
        %sub3A_97 = arith.constant 1 : i32
        %sub3A_98 = arith.subi %select_n3A, %sub3A_97 : i32
        %select_n3A_99 = arith.select %eq3A_96, %sub3A_98, %select_n3A_94 : i32
        %sub3A_100 = arith.constant 1 : i32
        %sub3A_101 = arith.subi %mul3A_16, %sub3A_100 : i32
        %mul3A_102 = arith.constant 1 : i32
        %mul3A_103 = arith.muli %mul3A_102, %select_n3A : i32
        %eq3A_104 = arith.constant 0 : i32
        %eq3A_105 = arith.cmpi eq, %sub3A_101, %eq3A_104 : i32
        %sub3A_106 = arith.constant 1 : i32
        %sub3A_107 = arith.subi %mul3A_103, %sub3A_106 : i32
        %eq3A_108 = arith.cmpi eq, %sub3A_101, %sub3A_107 : i32
        %add3A_109 = arith.addi %select_n3A_99, %select_n3A_14 : i32
        %sub3A_110 = arith.constant 1 : i32
        %sub3A_111 = arith.subi %select_n3A_99, %sub3A_110 : i32
        %select_n3A_112 = arith.constant true
        %select_n3A_113 = arith.select %select_n3A_112, %sub3A_111, %select_n3A_99 : i32
        %eq3A_114 = arith.constant -1 : i32
        %eq3A_115 = arith.cmpi eq, %select_n3A_113, %eq3A_114 : i32
        %sub3A_116 = arith.constant 1 : i32
        %sub3A_117 = arith.subi %select_n3A, %sub3A_116 : i32
        %select_n3A_118 = arith.select %eq3A_115, %sub3A_117, %select_n3A_113 : i32
        %add3A_119 = arith.addi %select_n3A_118, %select_n3A_14 : i32
        %add3A_120 = arith.constant 1 : i32
        %add3A_121 = arith.addi %select_n3A_99, %add3A_120 : i32
        %select_n3A_122 = arith.constant true
        %select_n3A_123 = arith.select %select_n3A_122, %add3A_121, %select_n3A_99 : i32
        %eq3A_124 = arith.cmpi eq, %select_n3A_123, %select_n3A : i32
        %select_n3A_125 = arith.constant 0 : i32
        %select_n3A_126 = arith.select %eq3A_124, %select_n3A_125, %select_n3A_123 : i32
        %add3A_127 = arith.addi %select_n3A_126, %select_n3A_14 : i32
        %add3A_128 = arith.constant 1 : i32
        %add3A_129 = arith.addi %select_n3A_126, %add3A_128 : i32
        %select_n3A_130 = arith.constant true
        %select_n3A_131 = arith.select %select_n3A_130, %add3A_129, %select_n3A_126 : i32
        %eq3A_132 = arith.cmpi eq, %select_n3A_131, %select_n3A : i32
        %select_n3A_133 = arith.constant 0 : i32
        %select_n3A_134 = arith.select %eq3A_132, %select_n3A_133, %select_n3A_131 : i32
        %add3A_135 = arith.addi %select_n3A_134, %select_n3A_14 : i32
        %convert_element_type3A_136 = arith.extui %eq3A_108 : i1 to i32
        %cond3A_137 = arith.constant 0 : i32
        %cond3A_138 = arith.cmpi ne, %convert_element_type3A_136, %cond3A_137 : i32
        scf.if %cond3A_138 {
        } else {
        }
        %convert_element_type3A_139 = arith.extui %eq3A_108 : i1 to i32
        %cond3A_140 = arith.constant 0 : i32
        %cond3A_141 = arith.cmpi ne, %convert_element_type3A_139, %cond3A_140 : i32
        scf.if %cond3A_141 {
          "tpu.trace_start"() <{level = 10 : i32, message = "ep_finalize"}> : () -> ()
          %rem3A_142 = arith.constant 2 : i32
          %rem3A_143 = arith.remui %while3A_90#3, %rem3A_142 : i32
          %mul3A_144 = arith.constant 1600 : i32
          %mul3A_145 = arith.muli %mul3A_144, %add3A_109 : i32
          %dma_wait3A = arith.constant 0 : i32
          %dma_wait3A_146 = arith.constant 0 : i32
          %dma_wait3A_147 = tpu.memref_slice %run_scoped3A_18[%rem3A_143, %dma_wait3A, %dma_wait3A_146] : memref<2x1600x16xf32, #tpu.memory_space<vmem>> -> memref<1x1600x16xf32, #tpu.memory_space<vmem>>
          %dma_wait3A_148 = tpu.memref_squeeze %dma_wait3A_147 : memref<1x1600x16xf32, #tpu.memory_space<vmem>> -> memref<1600x16xf32, #tpu.memory_space<vmem>>
          %dma_wait3A_149 = arith.constant 0 : i32
          %dma_wait3A_150 = tpu.memref_slice %arg4[%mul3A_145, %dma_wait3A_149] : memref<1600000x16xf32, #tpu.memory_space<hbm>> -> memref<1600x16xf32, #tpu.memory_space<hbm>>
          %dma_wait3A_151 = tpu.memref_slice %run_scoped3A_19[%rem3A_143] : memref<2x!tpu.dma_semaphore, #tpu.memory_space<semaphore_mem>> -> memref<1x!tpu.dma_semaphore, #tpu.memory_space<semaphore_mem>>
          %dma_wait3A_152 = tpu.memref_squeeze %dma_wait3A_151 : memref<1x!tpu.dma_semaphore, #tpu.memory_space<semaphore_mem>> -> memref<!tpu.dma_semaphore, #tpu.memory_space<semaphore_mem>>
          %dma_wait3A_153 = arith.constant 0 : i32
          %dma_wait3A_154 = tpu.memref_slice %arg4[%mul3A_145, %dma_wait3A_153] : memref<1600000x16xf32, #tpu.memory_space<hbm>> -> memref<1600x16xf32, #tpu.memory_space<hbm>>
          %dma_wait3A_155 = arith.constant 0 : i32
          %dma_wait3A_156 = arith.constant 0 : i32
          %dma_wait3A_157 = tpu.memref_slice %run_scoped3A_18[%rem3A_143, %dma_wait3A_155, %dma_wait3A_156] : memref<2x1600x16xf32, #tpu.memory_space<vmem>> -> memref<1x1600x16xf32, #tpu.memory_space<vmem>>
          %dma_wait3A_158 = tpu.memref_squeeze %dma_wait3A_157 : memref<1x1600x16xf32, #tpu.memory_space<vmem>> -> memref<1600x16xf32, #tpu.memory_space<vmem>>
          tpu.wait_dma2 semaphore(%dma_wait3A_152 : memref<!tpu.dma_semaphore, #tpu.memory_space<semaphore_mem>>) src(%dma_wait3A_158 : memref<1600x16xf32, #tpu.memory_space<vmem>>) dst(%dma_wait3A_154 : memref<1600x16xf32, #tpu.memory_space<hbm>>)
          "tpu.trace_stop"() : () -> ()
        } else {
        }
      } else {
      }
      tpu.yield
    }) : () -> ()
    return
  }
}

#map = affine_map<(d0, d1) -> (0, 0)>
module attributes {stable_mosaic.version = 14 : i64} {
  func.func @k(%arg0: i32, %arg1: i32, %arg2: memref<50000x16xf32, #tpu.memory_space<hbm>>, %arg3: memref<1000x1600xi32, #tpu.memory_space<hbm>>, %arg4: memref<1600000x16xf32, #tpu.memory_space<hbm>>) attributes {dimension_semantics = [#tpu.dimension_semantics<core_parallel>, #tpu.dimension_semantics<subcore_parallel>], iteration_bounds = array<i64: 2, 16>, scalar_prefetch = 0 : i64, scratch_operands = 0 : i64, tpu.core_type = #tpu.core_type<sc_vector_subcore>, window_params = [{transform_indices = #map}, {transform_indices = #map}, {transform_indices = #map}]} {
    %mul3A = arith.constant 1 : i32
    %mul3A_0 = arith.muli %arg1, %mul3A : i32
    %add3A = arith.constant 0 : i32
    %add3A_1 = arith.addi %add3A, %mul3A_0 : i32
    %mul3A_2 = arith.constant 16 : i32
    %mul3A_3 = arith.muli %arg0, %mul3A_2 : i32
    %add3A_4 = arith.addi %add3A_1, %mul3A_3 : i32
    %lt3A = arith.constant 8 : i32
    %lt3A_5 = arith.cmpi slt, %add3A_4, %lt3A : i32
    %jit3A = arith.constant 32 : i32
    %jit3A_6 = arith.constant 31 : i32
    %select_n3A = arith.select %lt3A_5, %jit3A, %jit3A_6 : i32
    %lt3A_7 = arith.constant 8 : i32
    %lt3A_8 = arith.cmpi slt, %add3A_4, %lt3A_7 : i32
    %mul3A_9 = arith.muli %add3A_4, %select_n3A : i32
    %mul3A_10 = arith.constant 31 : i32
    %mul3A_11 = arith.muli %add3A_4, %mul3A_10 : i32
    %add3A_12 = arith.constant 8 : i32
    %add3A_13 = arith.addi %mul3A_11, %add3A_12 : i32
    %select_n3A_14 = arith.select %lt3A_8, %mul3A_9, %add3A_13 : i32
    %mul3A_15 = arith.constant 1 : i32
    %mul3A_16 = arith.muli %mul3A_15, %select_n3A : i32
    "tpu.region"() ({
      %run_scoped3A = memref.alloca() : memref<2x1x1600xi32, #tpu.memory_space<vmem>>
      %run_scoped3A_17 = tpu.sem_alloc : memref<2x!tpu.dma_semaphore, #tpu.memory_space<semaphore_mem>>
      %run_scoped3A_18 = memref.alloca() : memref<2x1600x16xf32, #tpu.memory_space<vmem>>
      %run_scoped3A_19 = tpu.sem_alloc : memref<2x!tpu.dma_semaphore, #tpu.memory_space<semaphore_mem>>
      %gt3A = arith.constant 0 : i32
      %gt3A_20 = arith.cmpi sgt, %mul3A_16, %gt3A : i32
      %convert_element_type3A = arith.extui %gt3A_20 : i1 to i32
      %cond3A = arith.constant 0 : i32
      %cond3A_21 = arith.cmpi ne, %convert_element_type3A, %cond3A : i32
      scf.if %cond3A_21 {
        %mul3A_22 = arith.constant 1 : i32
        %mul3A_23 = arith.muli %mul3A_22, %select_n3A : i32
        %sub3A = arith.constant 1 : i32
        %sub3A_24 = arith.subi %mul3A_23, %sub3A : i32
        %eq3A = arith.constant 0 : i32
        %eq3A_25 = arith.cmpi eq, %sub3A_24, %eq3A : i32
        %add3A_26 = arith.constant 0 : i32
        %add3A_27 = arith.addi %add3A_26, %select_n3A_14 : i32
        %select_n3A_28 = arith.constant true
        %select_n3A_29 = arith.constant 0 : i32
        %select_n3A_30 = arith.constant -1 : i32
        %select_n3A_31 = arith.select %select_n3A_28, %select_n3A_30, %select_n3A_29 : i32
        %eq3A_32 = arith.constant -1 : i32
        %eq3A_33 = arith.cmpi eq, %select_n3A_31, %eq3A_32 : i32
        %sub3A_34 = arith.constant 1 : i32
        %sub3A_35 = arith.subi %select_n3A, %sub3A_34 : i32
        %select_n3A_36 = arith.select %eq3A_33, %sub3A_35, %select_n3A_31 : i32
        %add3A_37 = arith.addi %select_n3A_36, %select_n3A_14 : i32
        %select_n3A_38 = arith.constant true
        %select_n3A_39 = arith.constant 0 : i32
        %select_n3A_40 = arith.constant 1 : i32
        %select_n3A_41 = arith.select %select_n3A_38, %select_n3A_40, %select_n3A_39 : i32
        %eq3A_42 = arith.cmpi eq, %select_n3A_41, %select_n3A : i32
        %select_n3A_43 = arith.constant 0 : i32
        %select_n3A_44 = arith.select %eq3A_42, %select_n3A_43, %select_n3A_41 : i32
        %add3A_45 = arith.addi %select_n3A_44, %select_n3A_14 : i32
        %add3A_46 = arith.constant 1 : i32
        %add3A_47 = arith.addi %select_n3A_44, %add3A_46 : i32
        %select_n3A_48 = arith.constant true
        %select_n3A_49 = arith.select %select_n3A_48, %add3A_47, %select_n3A_44 : i32
        %eq3A_50 = arith.cmpi eq, %select_n3A_49, %select_n3A : i32
        %select_n3A_51 = arith.constant 0 : i32
        %select_n3A_52 = arith.select %eq3A_50, %select_n3A_51, %select_n3A_49 : i32
        %add3A_53 = arith.addi %select_n3A_52, %select_n3A_14 : i32
        "tpu.trace_start"() <{level = 10 : i32, message = "ep_initialize_0"}> : () -> ()
        %rem3A = arith.constant 0 : i32
        %rem3A_54 = arith.constant 2 : i32
        %rem3A_55 = arith.remui %rem3A, %rem3A_54 : i32
        %mul3A_56 = arith.constant 1 : i32
        %mul3A_57 = arith.muli %mul3A_56, %add3A_27 : i32
        %dma_start3A = arith.constant 0 : i32
        %dma_start3A_58 = arith.constant 0 : i32
        %dma_start3A_59 = tpu.memref_slice %run_scoped3A[%rem3A_55, %dma_start3A, %dma_start3A_58] : memref<2x1x1600xi32, #tpu.memory_space<vmem>> -> memref<1x1x1600xi32, #tpu.memory_space<vmem>>
        %dma_start3A_60 = tpu.memref_squeeze %dma_start3A_59 : memref<1x1x1600xi32, #tpu.memory_space<vmem>> -> memref<1x1600xi32, #tpu.memory_space<vmem>>
        %dma_start3A_61 = arith.constant 0 : i32
        %dma_start3A_62 = tpu.memref_slice %arg3[%mul3A_57, %dma_start3A_61] : memref<1000x1600xi32, #tpu.memory_space<hbm>> -> memref<1x1600xi32, #tpu.memory_space<hbm>>
        %dma_start3A_63 = tpu.memref_slice %run_scoped3A_17[%rem3A_55] : memref<2x!tpu.dma_semaphore, #tpu.memory_space<semaphore_mem>> -> memref<1x!tpu.dma_semaphore, #tpu.memory_space<semaphore_mem>>
        %dma_start3A_64 = tpu.memref_squeeze %dma_start3A_63 : memref<1x!tpu.dma_semaphore, #tpu.memory_space<semaphore_mem>> -> memref<!tpu.dma_semaphore, #tpu.memory_space<semaphore_mem>>
        %dma_start3A_65 = arith.constant 0 : i32
        %dma_start3A_66 = arith.constant 0 : i32
        %dma_start3A_67 = tpu.memref_slice %run_scoped3A[%rem3A_55, %dma_start3A_65, %dma_start3A_66] : memref<2x1x1600xi32, #tpu.memory_space<vmem>> -> memref<1x1x1600xi32, #tpu.memory_space<vmem>>
        %dma_start3A_68 = tpu.memref_squeeze %dma_start3A_67 : memref<1x1x1600xi32, #tpu.memory_space<vmem>> -> memref<1x1600xi32, #tpu.memory_space<vmem>>
        %dma_start3A_69 = arith.constant 0 : i32
        %dma_start3A_70 = tpu.memref_slice %arg3[%mul3A_57, %dma_start3A_69] : memref<1000x1600xi32, #tpu.memory_space<hbm>> -> memref<1x1600xi32, #tpu.memory_space<hbm>>
        tpu.enqueue_dma source(%dma_start3A_70 : memref<1x1600xi32, #tpu.memory_space<hbm>>) target(%dma_start3A_68 : memref<1x1600xi32, #tpu.memory_space<vmem>>) target_semaphore(%dma_start3A_64 : memref<!tpu.dma_semaphore, #tpu.memory_space<semaphore_mem>>)
        %add3A_71 = arith.constant 0 : i32
        %add3A_72 = arith.constant 1 : i32
        %add3A_73 = arith.addi %add3A_71, %add3A_72 : i32
        %select_n3A_74 = arith.constant true
        %select_n3A_75 = arith.constant 0 : i32
        %select_n3A_76 = arith.select %select_n3A_74, %add3A_73, %select_n3A_75 : i32
        %while3A = arith.constant 0 : i32
        %while3A_77 = arith.constant 0 : i32
        %while3A_78 = arith.constant 0 : i32
        %while3A_79 = arith.constant 0 : i32
        %while3A_80 = arith.constant 0 : i32
        "tpu.trace_stop"() : () -> ()
        %while3A_81 = arith.subi %mul3A_16, %while3A : i32
        %while3A_82 = arith.addi %while3A, %while3A_81 : i32
        %while3A_83 = arith.constant 1 : i32
        %while3A_84 = arith.divsi %while3A_81, %while3A_83 : i32
        %while3A_85 = arith.muli %while3A_84, %while3A_83 : i32
        %while3A_86 = arith.addi %while3A, %while3A_85 : i32
        %while3A_87 = arith.constant 1 : i32
        %while3A_88:5 = scf.for %while3A_142 = %while3A to %while3A_86 step %while3A_87 iter_args(%while3A_143 = %select_n3A_76, %while3A_144 = %while3A_77, %while3A_145 = %while3A_78, %while3A_146 = %while3A_79, %while3A_147 = %while3A_80) -> (i32, i32, i32, i32, i32)  : i32 {
          %mul3A_148 = arith.constant 1 : i32
          %mul3A_149 = arith.muli %mul3A_148, %select_n3A : i32
          %eq3A_150 = arith.constant 0 : i32
          %eq3A_151 = arith.cmpi eq, %while3A_142, %eq3A_150 : i32
          %sub3A_152 = arith.constant 1 : i32
          %sub3A_153 = arith.subi %mul3A_149, %sub3A_152 : i32
          %eq3A_154 = arith.cmpi eq, %while3A_142, %sub3A_153 : i32
          %add3A_155 = arith.addi %while3A_147, %select_n3A_14 : i32
          %sub3A_156 = arith.constant 1 : i32
          %sub3A_157 = arith.subi %while3A_147, %sub3A_156 : i32
          %select_n3A_158 = arith.constant true
          %select_n3A_159 = arith.select %select_n3A_158, %sub3A_157, %while3A_147 : i32
          %eq3A_160 = arith.constant -1 : i32
          %eq3A_161 = arith.cmpi eq, %select_n3A_159, %eq3A_160 : i32
          %sub3A_162 = arith.constant 1 : i32
          %sub3A_163 = arith.subi %select_n3A, %sub3A_162 : i32
          %select_n3A_164 = arith.select %eq3A_161, %sub3A_163, %select_n3A_159 : i32
          %add3A_165 = arith.addi %select_n3A_164, %select_n3A_14 : i32
          %add3A_166 = arith.constant 1 : i32
          %add3A_167 = arith.addi %while3A_147, %add3A_166 : i32
          %select_n3A_168 = arith.constant true
          %select_n3A_169 = arith.select %select_n3A_168, %add3A_167, %while3A_147 : i32
          %eq3A_170 = arith.cmpi eq, %select_n3A_169, %select_n3A : i32
          %select_n3A_171 = arith.constant 0 : i32
          %select_n3A_172 = arith.select %eq3A_170, %select_n3A_171, %select_n3A_169 : i32
          %add3A_173 = arith.addi %select_n3A_172, %select_n3A_14 : i32
          %add3A_174 = arith.constant 1 : i32
          %add3A_175 = arith.addi %select_n3A_172, %add3A_174 : i32
          %select_n3A_176 = arith.constant true
          %select_n3A_177 = arith.select %select_n3A_176, %add3A_175, %select_n3A_172 : i32
          %eq3A_178 = arith.cmpi eq, %select_n3A_177, %select_n3A : i32
          %select_n3A_179 = arith.constant 0 : i32
          %select_n3A_180 = arith.select %eq3A_178, %select_n3A_179, %select_n3A_177 : i32
          %add3A_181 = arith.addi %select_n3A_180, %select_n3A_14 : i32
          %ne3A = arith.cmpi ne, %add3A_155, %add3A_173 : i32
          %or3A = arith.constant false
          %or3A_182 = arith.ori %or3A, %ne3A : i1
          %or3A_183 = arith.constant false
          %or3A_184 = arith.ori %or3A_182, %or3A_183 : i1
          %sub3A_185 = arith.constant 2 : i32
          %sub3A_186 = arith.subi %mul3A_149, %sub3A_185 : i32
          %add3A_187 = arith.constant 1 : i32
          %add3A_188 = arith.addi %sub3A_186, %add3A_187 : i32
          %ge3A = arith.cmpi sge, %while3A_142, %add3A_188 : i32
          %not3A = arith.constant true
          %not3A_189 = arith.xori %ge3A, %not3A : i1
          %and3A = arith.andi %or3A_184, %not3A_189 : i1
          %convert_element_type3A_190 = arith.extui %and3A : i1 to i32
          %cond3A_191 = arith.constant 0 : i32
          %cond3A_192 = arith.cmpi ne, %convert_element_type3A_190, %cond3A_191 : i32
          scf.if %cond3A_192 {
            "tpu.trace_start"() <{level = 10 : i32, message = "ep_copy_in"}> : () -> ()
            %rem3A_304 = arith.constant 2 : i32
            %rem3A_305 = arith.remui %while3A_143, %rem3A_304 : i32
            %mul3A_306 = arith.constant 1 : i32
            %mul3A_307 = arith.muli %mul3A_306, %add3A_173 : i32
            %dma_start3A_308 = arith.constant 0 : i32
            %dma_start3A_309 = arith.constant 0 : i32
            %dma_start3A_310 = tpu.memref_slice %run_scoped3A[%rem3A_305, %dma_start3A_308, %dma_start3A_309] : memref<2x1x1600xi32, #tpu.memory_space<vmem>> -> memref<1x1x1600xi32, #tpu.memory_space<vmem>>
            %dma_start3A_311 = tpu.memref_squeeze %dma_start3A_310 : memref<1x1x1600xi32, #tpu.memory_space<vmem>> -> memref<1x1600xi32, #tpu.memory_space<vmem>>
            %dma_start3A_312 = arith.constant 0 : i32
            %dma_start3A_313 = tpu.memref_slice %arg3[%mul3A_307, %dma_start3A_312] : memref<1000x1600xi32, #tpu.memory_space<hbm>> -> memref<1x1600xi32, #tpu.memory_space<hbm>>
            %dma_start3A_314 = tpu.memref_slice %run_scoped3A_17[%rem3A_305] : memref<2x!tpu.dma_semaphore, #tpu.memory_space<semaphore_mem>> -> memref<1x!tpu.dma_semaphore, #tpu.memory_space<semaphore_mem>>
            %dma_start3A_315 = tpu.memref_squeeze %dma_start3A_314 : memref<1x!tpu.dma_semaphore, #tpu.memory_space<semaphore_mem>> -> memref<!tpu.dma_semaphore, #tpu.memory_space<semaphore_mem>>
            %dma_start3A_316 = arith.constant 0 : i32
            %dma_start3A_317 = arith.constant 0 : i32
            %dma_start3A_318 = tpu.memref_slice %run_scoped3A[%rem3A_305, %dma_start3A_316, %dma_start3A_317] : memref<2x1x1600xi32, #tpu.memory_space<vmem>> -> memref<1x1x1600xi32, #tpu.memory_space<vmem>>
            %dma_start3A_319 = tpu.memref_squeeze %dma_start3A_318 : memref<1x1x1600xi32, #tpu.memory_space<vmem>> -> memref<1x1600xi32, #tpu.memory_space<vmem>>
            %dma_start3A_320 = arith.constant 0 : i32
            %dma_start3A_321 = tpu.memref_slice %arg3[%mul3A_307, %dma_start3A_320] : memref<1000x1600xi32, #tpu.memory_space<hbm>> -> memref<1x1600xi32, #tpu.memory_space<hbm>>
            tpu.enqueue_dma source(%dma_start3A_321 : memref<1x1600xi32, #tpu.memory_space<hbm>>) target(%dma_start3A_319 : memref<1x1600xi32, #tpu.memory_space<vmem>>) target_semaphore(%dma_start3A_315 : memref<!tpu.dma_semaphore, #tpu.memory_space<semaphore_mem>>)
            "tpu.trace_stop"() : () -> ()
          } else {
          }
          %and3A_193 = arith.constant true
          %and3A_194 = arith.andi %and3A, %and3A_193 : i1
          %add3A_195 = arith.constant 1 : i32
          %add3A_196 = arith.addi %while3A_143, %add3A_195 : i32
          %select_n3A_197 = arith.select %and3A_194, %add3A_196, %while3A_143 : i32
          %ne3A_198 = arith.cmpi ne, %add3A_155, %add3A_173 : i32
          %or3A_199 = arith.constant false
          %or3A_200 = arith.ori %or3A_199, %ne3A_198 : i1
          %or3A_201 = arith.constant false
          %or3A_202 = arith.ori %or3A_200, %or3A_201 : i1
          %sub3A_203 = arith.constant 2 : i32
          %sub3A_204 = arith.subi %mul3A_149, %sub3A_203 : i32
          %add3A_205 = arith.constant 1 : i32
          %add3A_206 = arith.addi %sub3A_204, %add3A_205 : i32
          %ge3A_207 = arith.cmpi sge, %while3A_142, %add3A_206 : i32
          %not3A_208 = arith.constant true
          %not3A_209 = arith.xori %ge3A_207, %not3A_208 : i1
          %and3A_210 = arith.andi %or3A_202, %not3A_209 : i1
          %ne3A_211 = arith.cmpi ne, %add3A_155, %add3A_165 : i32
          %or3A_212 = arith.constant false
          %or3A_213 = arith.ori %or3A_212, %ne3A_211 : i1
          %or3A_214 = arith.constant false
          %or3A_215 = arith.ori %or3A_213, %or3A_214 : i1
          %or3A_216 = arith.ori %or3A_215, %eq3A_151 : i1
          %convert_element_type3A_217 = arith.extui %or3A_216 : i1 to i32
          %cond3A_218 = arith.constant 0 : i32
          %cond3A_219 = arith.cmpi ne, %convert_element_type3A_217, %cond3A_218 : i32
          scf.if %cond3A_219 {
            "tpu.trace_start"() <{level = 10 : i32, message = "ep_wait_in"}> : () -> ()
            %mul3A_304 = arith.constant 1 : i32
            %mul3A_305 = arith.muli %mul3A_304, %add3A_155 : i32
            %rem3A_306 = arith.constant 2 : i32
            %rem3A_307 = arith.remui %while3A_144, %rem3A_306 : i32
            %dma_wait3A = arith.constant 0 : i32
            %dma_wait3A_308 = arith.constant 0 : i32
            %dma_wait3A_309 = tpu.memref_slice %run_scoped3A[%rem3A_307, %dma_wait3A, %dma_wait3A_308] : memref<2x1x1600xi32, #tpu.memory_space<vmem>> -> memref<1x1x1600xi32, #tpu.memory_space<vmem>>
            %dma_wait3A_310 = tpu.memref_squeeze %dma_wait3A_309 : memref<1x1x1600xi32, #tpu.memory_space<vmem>> -> memref<1x1600xi32, #tpu.memory_space<vmem>>
            %dma_wait3A_311 = arith.constant 0 : i32
            %dma_wait3A_312 = tpu.memref_slice %arg3[%mul3A_305, %dma_wait3A_311] : memref<1000x1600xi32, #tpu.memory_space<hbm>> -> memref<1x1600xi32, #tpu.memory_space<hbm>>
            %dma_wait3A_313 = tpu.memref_slice %run_scoped3A_17[%rem3A_307] : memref<2x!tpu.dma_semaphore, #tpu.memory_space<semaphore_mem>> -> memref<1x!tpu.dma_semaphore, #tpu.memory_space<semaphore_mem>>
            %dma_wait3A_314 = tpu.memref_squeeze %dma_wait3A_313 : memref<1x!tpu.dma_semaphore, #tpu.memory_space<semaphore_mem>> -> memref<!tpu.dma_semaphore, #tpu.memory_space<semaphore_mem>>
            %dma_wait3A_315 = arith.constant 0 : i32
            %dma_wait3A_316 = arith.constant 0 : i32
            %dma_wait3A_317 = tpu.memref_slice %run_scoped3A[%rem3A_307, %dma_wait3A_315, %dma_wait3A_316] : memref<2x1x1600xi32, #tpu.memory_space<vmem>> -> memref<1x1x1600xi32, #tpu.memory_space<vmem>>
            %dma_wait3A_318 = tpu.memref_squeeze %dma_wait3A_317 : memref<1x1x1600xi32, #tpu.memory_space<vmem>> -> memref<1x1600xi32, #tpu.memory_space<vmem>>
            %dma_wait3A_319 = arith.constant 0 : i32
            %dma_wait3A_320 = tpu.memref_slice %arg3[%mul3A_305, %dma_wait3A_319] : memref<1000x1600xi32, #tpu.memory_space<hbm>> -> memref<1x1600xi32, #tpu.memory_space<hbm>>
            tpu.wait_dma2 semaphore(%dma_wait3A_314 : memref<!tpu.dma_semaphore, #tpu.memory_space<semaphore_mem>>) src(%dma_wait3A_320 : memref<1x1600xi32, #tpu.memory_space<hbm>>) dst(%dma_wait3A_318 : memref<1x1600xi32, #tpu.memory_space<vmem>>)
            "tpu.trace_stop"() : () -> ()
          } else {
          }
          %ne3A_220 = arith.cmpi ne, %add3A_155, %add3A_165 : i32
          %or3A_221 = arith.constant false
          %or3A_222 = arith.ori %or3A_221, %ne3A_220 : i1
          %or3A_223 = arith.constant false
          %or3A_224 = arith.ori %or3A_222, %or3A_223 : i1
          %or3A_225 = arith.ori %or3A_224, %eq3A_151 : i1
          %convert_element_type3A_226 = arith.extui %or3A_225 : i1 to i32
          %cond3A_227 = arith.constant 0 : i32
          %cond3A_228 = arith.cmpi ne, %convert_element_type3A_226, %cond3A_227 : i32
          scf.if %cond3A_228 {
          } else {
          }
          %rem3A_229 = arith.constant 2 : i32
          %rem3A_230 = arith.remui %while3A_144, %rem3A_229 : i32
          %rem3A_231 = arith.constant 2 : i32
          %rem3A_232 = arith.remui %while3A_145, %rem3A_231 : i32
          %run_scoped3A_233 = arith.constant 0 : i32
          "tpu.trace_start"() <{level = 10 : i32, message = "ep_run_kernel"}> : () -> ()
          "tpu.region"() ({
            %run_scoped3A_304 = tpu.sem_alloc : memref<!tpu.dma_semaphore, #tpu.memory_space<semaphore_mem>>
            %dma_start3A_305 = arith.constant 0 : i32
            %dma_start3A_306 = arith.constant 0 : i32
            %dma_start3A_307 = tpu.memref_slice %run_scoped3A_18[%rem3A_232, %dma_start3A_305, %dma_start3A_306] : memref<2x1600x16xf32, #tpu.memory_space<vmem>> -> memref<1x1600x16xf32, #tpu.memory_space<vmem>>
            %dma_start3A_308 = tpu.memref_squeeze %dma_start3A_307 : memref<1x1600x16xf32, #tpu.memory_space<vmem>> -> memref<1600x16xf32, #tpu.memory_space<vmem>>
            %dma_start3A_309 = arith.constant 0 : i32
            %dma_start3A_310 = arith.constant 0 : i32
            %dma_start3A_311 = tpu.memref_slice %run_scoped3A[%rem3A_230, %dma_start3A_309, %dma_start3A_310] : memref<2x1x1600xi32, #tpu.memory_space<vmem>> -> memref<1x1x1600xi32, #tpu.memory_space<vmem>>
            %dma_start3A_312 = tpu.memref_squeeze %dma_start3A_311 : memref<1x1x1600xi32, #tpu.memory_space<vmem>> -> memref<1x1600xi32, #tpu.memory_space<vmem>>
            %dma_start3A_313 = arith.constant 0 : i32
            %dma_start3A_314 = tpu.memref_slice %dma_start3A_312[%run_scoped3A_233, %dma_start3A_313] : memref<1x1600xi32, #tpu.memory_space<vmem>> -> memref<1x1600xi32, #tpu.memory_space<vmem>>
            %dma_start3A_315 = tpu.memref_squeeze %dma_start3A_314 : memref<1x1600xi32, #tpu.memory_space<vmem>> -> memref<1600xi32, #tpu.memory_space<vmem>>
            %dma_start3A_316 = arith.constant 0 : i32
            %dma_start3A_317 = arith.constant 0 : i32
            %dma_start3A_318 = tpu.memref_slice %arg2[%dma_start3A_316, %dma_start3A_317] : memref<50000x16xf32, #tpu.memory_space<hbm>> -> memref<50000x16xf32, #tpu.memory_space<hbm>>
            tpu.enqueue_indirect_dma source(%dma_start3A_318 : memref<50000x16xf32, #tpu.memory_space<hbm>>) target(%dma_start3A_308 : memref<1600x16xf32, #tpu.memory_space<vmem>>) offsets(%dma_start3A_315 : memref<1600xi32, #tpu.memory_space<vmem>>) semaphore(%run_scoped3A_304 : memref<!tpu.dma_semaphore, #tpu.memory_space<semaphore_mem>>)
            %dma_wait3A = arith.constant 0 : i32
            %dma_wait3A_319 = arith.constant 0 : i32
            %dma_wait3A_320 = tpu.memref_slice %run_scoped3A_18[%rem3A_232, %dma_wait3A, %dma_wait3A_319] : memref<2x1600x16xf32, #tpu.memory_space<vmem>> -> memref<1x1600x16xf32, #tpu.memory_space<vmem>>
            %dma_wait3A_321 = tpu.memref_squeeze %dma_wait3A_320 : memref<1x1600x16xf32, #tpu.memory_space<vmem>> -> memref<1600x16xf32, #tpu.memory_space<vmem>>
            %dma_wait3A_322 = arith.constant 0 : i32
            %dma_wait3A_323 = arith.constant 0 : i32
            %dma_wait3A_324 = tpu.memref_slice %run_scoped3A[%rem3A_230, %dma_wait3A_322, %dma_wait3A_323] : memref<2x1x1600xi32, #tpu.memory_space<vmem>> -> memref<1x1x1600xi32, #tpu.memory_space<vmem>>
            %dma_wait3A_325 = tpu.memref_squeeze %dma_wait3A_324 : memref<1x1x1600xi32, #tpu.memory_space<vmem>> -> memref<1x1600xi32, #tpu.memory_space<vmem>>
            %dma_wait3A_326 = arith.constant 0 : i32
            %dma_wait3A_327 = tpu.memref_slice %dma_wait3A_325[%run_scoped3A_233, %dma_wait3A_326] : memref<1x1600xi32, #tpu.memory_space<vmem>> -> memref<1x1600xi32, #tpu.memory_space<vmem>>
            %dma_wait3A_328 = tpu.memref_squeeze %dma_wait3A_327 : memref<1x1600xi32, #tpu.memory_space<vmem>> -> memref<1600xi32, #tpu.memory_space<vmem>>
            %dma_wait3A_329 = arith.constant 0 : i32
            %dma_wait3A_330 = arith.constant 0 : i32
            %dma_wait3A_331 = tpu.memref_slice %arg2[%dma_wait3A_329, %dma_wait3A_330] : memref<50000x16xf32, #tpu.memory_space<hbm>> -> memref<50000x16xf32, #tpu.memory_space<hbm>>
            tpu.wait_indirect_dma semaphore(%run_scoped3A_304 : memref<!tpu.dma_semaphore, #tpu.memory_space<semaphore_mem>>) src(%dma_wait3A_331 : memref<50000x16xf32, #tpu.memory_space<hbm>>) dst(%dma_wait3A_321 : memref<1600x16xf32, #tpu.memory_space<vmem>>)
            tpu.yield
          }) : () -> ()
          "tpu.trace_stop"() : () -> ()
          %ne3A_234 = arith.cmpi ne, %add3A_155, %add3A_173 : i32
          %or3A_235 = arith.constant false
          %or3A_236 = arith.ori %or3A_235, %ne3A_234 : i1
          %or3A_237 = arith.constant false
          %or3A_238 = arith.ori %or3A_236, %or3A_237 : i1
          %or3A_239 = arith.ori %or3A_238, %eq3A_154 : i1
          %convert_element_type3A_240 = arith.extui %or3A_239 : i1 to i32
          %cond3A_241 = arith.constant 0 : i32
          %cond3A_242 = arith.cmpi ne, %convert_element_type3A_240, %cond3A_241 : i32
          scf.if %cond3A_242 {
          } else {
          }
          %and3A_243 = arith.constant false
          %and3A_244 = arith.andi %or3A_239, %and3A_243 : i1
          %ne3A_245 = arith.cmpi ne, %add3A_155, %add3A_173 : i32
          %or3A_246 = arith.constant false
          %or3A_247 = arith.ori %or3A_246, %ne3A_245 : i1
          %or3A_248 = arith.constant false
          %or3A_249 = arith.ori %or3A_247, %or3A_248 : i1
          %or3A_250 = arith.ori %or3A_249, %eq3A_154 : i1
          %convert_element_type3A_251 = arith.extui %or3A_250 : i1 to i32
          %cond3A_252 = arith.constant 0 : i32
          %cond3A_253 = arith.cmpi ne, %convert_element_type3A_251, %cond3A_252 : i32
          scf.if %cond3A_253 {
            "tpu.trace_start"() <{level = 10 : i32, message = "ep_copy_out"}> : () -> ()
            %rem3A_304 = arith.constant 2 : i32
            %rem3A_305 = arith.remui %while3A_145, %rem3A_304 : i32
            %mul3A_306 = arith.constant 1600 : i32
            %mul3A_307 = arith.muli %mul3A_306, %add3A_155 : i32
            %dma_start3A_308 = arith.constant 0 : i32
            %dma_start3A_309 = arith.constant 0 : i32
            %dma_start3A_310 = tpu.memref_slice %run_scoped3A_18[%rem3A_305, %dma_start3A_308, %dma_start3A_309] : memref<2x1600x16xf32, #tpu.memory_space<vmem>> -> memref<1x1600x16xf32, #tpu.memory_space<vmem>>
            %dma_start3A_311 = tpu.memref_squeeze %dma_start3A_310 : memref<1x1600x16xf32, #tpu.memory_space<vmem>> -> memref<1600x16xf32, #tpu.memory_space<vmem>>
            %dma_start3A_312 = arith.constant 0 : i32
            %dma_start3A_313 = tpu.memref_slice %arg4[%mul3A_307, %dma_start3A_312] : memref<1600000x16xf32, #tpu.memory_space<hbm>> -> memref<1600x16xf32, #tpu.memory_space<hbm>>
            %dma_start3A_314 = tpu.memref_slice %run_scoped3A_19[%rem3A_305] : memref<2x!tpu.dma_semaphore, #tpu.memory_space<semaphore_mem>> -> memref<1x!tpu.dma_semaphore, #tpu.memory_space<semaphore_mem>>
            %dma_start3A_315 = tpu.memref_squeeze %dma_start3A_314 : memref<1x!tpu.dma_semaphore, #tpu.memory_space<semaphore_mem>> -> memref<!tpu.dma_semaphore, #tpu.memory_space<semaphore_mem>>
            %dma_start3A_316 = arith.constant 0 : i32
            %dma_start3A_317 = tpu.memref_slice %arg4[%mul3A_307, %dma_start3A_316] : memref<1600000x16xf32, #tpu.memory_space<hbm>> -> memref<1600x16xf32, #tpu.memory_space<hbm>>
            %dma_start3A_318 = arith.constant 0 : i32
            %dma_start3A_319 = arith.constant 0 : i32
            %dma_start3A_320 = tpu.memref_slice %run_scoped3A_18[%rem3A_305, %dma_start3A_318, %dma_start3A_319] : memref<2x1600x16xf32, #tpu.memory_space<vmem>> -> memref<1x1600x16xf32, #tpu.memory_space<vmem>>
            %dma_start3A_321 = tpu.memref_squeeze %dma_start3A_320 : memref<1x1600x16xf32, #tpu.memory_space<vmem>> -> memref<1600x16xf32, #tpu.memory_space<vmem>>
            tpu.enqueue_dma source(%dma_start3A_321 : memref<1600x16xf32, #tpu.memory_space<vmem>>) target(%dma_start3A_317 : memref<1600x16xf32, #tpu.memory_space<hbm>>) target_semaphore(%dma_start3A_315 : memref<!tpu.dma_semaphore, #tpu.memory_space<semaphore_mem>>)
            "tpu.trace_stop"() : () -> ()
          } else {
          }
          %and3A_254 = arith.constant true
          %and3A_255 = arith.andi %or3A_250, %and3A_254 : i1
          %add3A_256 = arith.constant 1 : i32
          %add3A_257 = arith.addi %while3A_145, %add3A_256 : i32
          %select_n3A_258 = arith.select %and3A_255, %add3A_257, %while3A_145 : i32
          %ne3A_259 = arith.cmpi ne, %add3A_155, %add3A_165 : i32
          %or3A_260 = arith.constant false
          %or3A_261 = arith.ori %or3A_260, %ne3A_259 : i1
          %or3A_262 = arith.constant false
          %or3A_263 = arith.ori %or3A_261, %or3A_262 : i1
          %not3A_264 = arith.constant true
          %not3A_265 = arith.xori %eq3A_151, %not3A_264 : i1
          %and3A_266 = arith.andi %or3A_263, %not3A_265 : i1
          %convert_element_type3A_267 = arith.extui %and3A_266 : i1 to i32
          %cond3A_268 = arith.constant 0 : i32
          %cond3A_269 = arith.cmpi ne, %convert_element_type3A_267, %cond3A_268 : i32
          scf.if %cond3A_269 {
          } else {
          }
          %and3A_270 = arith.constant false
          %and3A_271 = arith.andi %and3A_266, %and3A_270 : i1
          %ne3A_272 = arith.cmpi ne, %add3A_155, %add3A_165 : i32
          %or3A_273 = arith.constant false
          %or3A_274 = arith.ori %or3A_273, %ne3A_272 : i1
          %or3A_275 = arith.constant false
          %or3A_276 = arith.ori %or3A_274, %or3A_275 : i1
          %not3A_277 = arith.constant true
          %not3A_278 = arith.xori %eq3A_151, %not3A_277 : i1
          %and3A_279 = arith.andi %or3A_276, %not3A_278 : i1
          %convert_element_type3A_280 = arith.extui %and3A_279 : i1 to i32
          %cond3A_281 = arith.constant 0 : i32
          %cond3A_282 = arith.cmpi ne, %convert_element_type3A_280, %cond3A_281 : i32
          scf.if %cond3A_282 {
            "tpu.trace_start"() <{level = 10 : i32, message = "ep_wait_out"}> : () -> ()
            %rem3A_304 = arith.constant 2 : i32
            %rem3A_305 = arith.remui %while3A_146, %rem3A_304 : i32
            %mul3A_306 = arith.constant 1600 : i32
            %mul3A_307 = arith.muli %mul3A_306, %add3A_165 : i32
            %dma_wait3A = arith.constant 0 : i32
            %dma_wait3A_308 = arith.constant 0 : i32
            %dma_wait3A_309 = tpu.memref_slice %run_scoped3A_18[%rem3A_305, %dma_wait3A, %dma_wait3A_308] : memref<2x1600x16xf32, #tpu.memory_space<vmem>> -> memref<1x1600x16xf32, #tpu.memory_space<vmem>>
            %dma_wait3A_310 = tpu.memref_squeeze %dma_wait3A_309 : memref<1x1600x16xf32, #tpu.memory_space<vmem>> -> memref<1600x16xf32, #tpu.memory_space<vmem>>
            %dma_wait3A_311 = arith.constant 0 : i32
            %dma_wait3A_312 = tpu.memref_slice %arg4[%mul3A_307, %dma_wait3A_311] : memref<1600000x16xf32, #tpu.memory_space<hbm>> -> memref<1600x16xf32, #tpu.memory_space<hbm>>
            %dma_wait3A_313 = tpu.memref_slice %run_scoped3A_19[%rem3A_305] : memref<2x!tpu.dma_semaphore, #tpu.memory_space<semaphore_mem>> -> memref<1x!tpu.dma_semaphore, #tpu.memory_space<semaphore_mem>>
            %dma_wait3A_314 = tpu.memref_squeeze %dma_wait3A_313 : memref<1x!tpu.dma_semaphore, #tpu.memory_space<semaphore_mem>> -> memref<!tpu.dma_semaphore, #tpu.memory_space<semaphore_mem>>
            %dma_wait3A_315 = arith.constant 0 : i32
            %dma_wait3A_316 = tpu.memref_slice %arg4[%mul3A_307, %dma_wait3A_315] : memref<1600000x16xf32, #tpu.memory_space<hbm>> -> memref<1600x16xf32, #tpu.memory_space<hbm>>
            %dma_wait3A_317 = arith.constant 0 : i32
            %dma_wait3A_318 = arith.constant 0 : i32
            %dma_wait3A_319 = tpu.memref_slice %run_scoped3A_18[%rem3A_305, %dma_wait3A_317, %dma_wait3A_318] : memref<2x1600x16xf32, #tpu.memory_space<vmem>> -> memref<1x1600x16xf32, #tpu.memory_space<vmem>>
            %dma_wait3A_320 = tpu.memref_squeeze %dma_wait3A_319 : memref<1x1600x16xf32, #tpu.memory_space<vmem>> -> memref<1600x16xf32, #tpu.memory_space<vmem>>
            tpu.wait_dma2 semaphore(%dma_wait3A_314 : memref<!tpu.dma_semaphore, #tpu.memory_space<semaphore_mem>>) src(%dma_wait3A_320 : memref<1600x16xf32, #tpu.memory_space<vmem>>) dst(%dma_wait3A_316 : memref<1600x16xf32, #tpu.memory_space<hbm>>)
            "tpu.trace_stop"() : () -> ()
          } else {
          }
          %and3A_283 = arith.constant true
          %and3A_284 = arith.andi %and3A_279, %and3A_283 : i1
          %add3A_285 = arith.constant 1 : i32
          %add3A_286 = arith.addi %while3A_146, %add3A_285 : i32
          %select_n3A_287 = arith.select %and3A_284, %add3A_286, %while3A_146 : i32
          %ne3A_288 = arith.cmpi ne, %add3A_155, %add3A_173 : i32
          %or3A_289 = arith.constant false
          %or3A_290 = arith.ori %or3A_289, %ne3A_288 : i1
          %or3A_291 = arith.constant false
          %or3A_292 = arith.ori %or3A_290, %or3A_291 : i1
          %or3A_293 = arith.ori %or3A_292, %eq3A_154 : i1
          %add3A_294 = arith.constant 1 : i32
          %add3A_295 = arith.addi %while3A_144, %add3A_294 : i32
          %select_n3A_296 = arith.select %or3A_293, %add3A_295, %while3A_144 : i32
          %add3A_297 = arith.constant 1 : i32
          %add3A_298 = arith.addi %while3A_147, %add3A_297 : i32
          %select_n3A_299 = arith.constant true
          %select_n3A_300 = arith.select %select_n3A_299, %add3A_298, %while3A_147 : i32
          %eq3A_301 = arith.cmpi eq, %select_n3A_300, %select_n3A : i32
          %select_n3A_302 = arith.constant 0 : i32
          %select_n3A_303 = arith.select %eq3A_301, %select_n3A_302, %select_n3A_300 : i32
          scf.yield %select_n3A_197, %select_n3A_296, %select_n3A_258, %select_n3A_287, %select_n3A_303 : i32, i32, i32, i32, i32
        }
        %while3A_89 = arith.constant 1 : i32
        %while3A_90:5 = scf.for %while3A_142 = %while3A_86 to %while3A_82 step %while3A_89 iter_args(%while3A_143 = %while3A_88#0, %while3A_144 = %while3A_88#1, %while3A_145 = %while3A_88#2, %while3A_146 = %while3A_88#3, %while3A_147 = %while3A_88#4) -> (i32, i32, i32, i32, i32)  : i32 {
          %mul3A_148 = arith.constant 1 : i32
          %mul3A_149 = arith.muli %mul3A_148, %select_n3A : i32
          %eq3A_150 = arith.constant 0 : i32
          %eq3A_151 = arith.cmpi eq, %while3A_142, %eq3A_150 : i32
          %sub3A_152 = arith.constant 1 : i32
          %sub3A_153 = arith.subi %mul3A_149, %sub3A_152 : i32
          %eq3A_154 = arith.cmpi eq, %while3A_142, %sub3A_153 : i32
          %add3A_155 = arith.addi %while3A_147, %select_n3A_14 : i32
          %sub3A_156 = arith.constant 1 : i32
          %sub3A_157 = arith.subi %while3A_147, %sub3A_156 : i32
          %select_n3A_158 = arith.constant true
          %select_n3A_159 = arith.select %select_n3A_158, %sub3A_157, %while3A_147 : i32
          %eq3A_160 = arith.constant -1 : i32
          %eq3A_161 = arith.cmpi eq, %select_n3A_159, %eq3A_160 : i32
          %sub3A_162 = arith.constant 1 : i32
          %sub3A_163 = arith.subi %select_n3A, %sub3A_162 : i32
          %select_n3A_164 = arith.select %eq3A_161, %sub3A_163, %select_n3A_159 : i32
          %add3A_165 = arith.addi %select_n3A_164, %select_n3A_14 : i32
          %add3A_166 = arith.constant 1 : i32
          %add3A_167 = arith.addi %while3A_147, %add3A_166 : i32
          %select_n3A_168 = arith.constant true
          %select_n3A_169 = arith.select %select_n3A_168, %add3A_167, %while3A_147 : i32
          %eq3A_170 = arith.cmpi eq, %select_n3A_169, %select_n3A : i32
          %select_n3A_171 = arith.constant 0 : i32
          %select_n3A_172 = arith.select %eq3A_170, %select_n3A_171, %select_n3A_169 : i32
          %add3A_173 = arith.addi %select_n3A_172, %select_n3A_14 : i32
          %add3A_174 = arith.constant 1 : i32
          %add3A_175 = arith.addi %select_n3A_172, %add3A_174 : i32
          %select_n3A_176 = arith.constant true
          %select_n3A_177 = arith.select %select_n3A_176, %add3A_175, %select_n3A_172 : i32
          %eq3A_178 = arith.cmpi eq, %select_n3A_177, %select_n3A : i32
          %select_n3A_179 = arith.constant 0 : i32
          %select_n3A_180 = arith.select %eq3A_178, %select_n3A_179, %select_n3A_177 : i32
          %add3A_181 = arith.addi %select_n3A_180, %select_n3A_14 : i32
          %ne3A = arith.cmpi ne, %add3A_155, %add3A_173 : i32
          %or3A = arith.constant false
          %or3A_182 = arith.ori %or3A, %ne3A : i1
          %or3A_183 = arith.constant false
          %or3A_184 = arith.ori %or3A_182, %or3A_183 : i1
          %sub3A_185 = arith.constant 2 : i32
          %sub3A_186 = arith.subi %mul3A_149, %sub3A_185 : i32
          %add3A_187 = arith.constant 1 : i32
          %add3A_188 = arith.addi %sub3A_186, %add3A_187 : i32
          %ge3A = arith.cmpi sge, %while3A_142, %add3A_188 : i32
          %not3A = arith.constant true
          %not3A_189 = arith.xori %ge3A, %not3A : i1
          %and3A = arith.andi %or3A_184, %not3A_189 : i1
          %convert_element_type3A_190 = arith.extui %and3A : i1 to i32
          %cond3A_191 = arith.constant 0 : i32
          %cond3A_192 = arith.cmpi ne, %convert_element_type3A_190, %cond3A_191 : i32
          scf.if %cond3A_192 {
            "tpu.trace_start"() <{level = 10 : i32, message = "ep_copy_in"}> : () -> ()
            %rem3A_304 = arith.constant 2 : i32
            %rem3A_305 = arith.remui %while3A_143, %rem3A_304 : i32
            %mul3A_306 = arith.constant 1 : i32
            %mul3A_307 = arith.muli %mul3A_306, %add3A_173 : i32
            %dma_start3A_308 = arith.constant 0 : i32
            %dma_start3A_309 = arith.constant 0 : i32
            %dma_start3A_310 = tpu.memref_slice %run_scoped3A[%rem3A_305, %dma_start3A_308, %dma_start3A_309] : memref<2x1x1600xi32, #tpu.memory_space<vmem>> -> memref<1x1x1600xi32, #tpu.memory_space<vmem>>
            %dma_start3A_311 = tpu.memref_squeeze %dma_start3A_310 : memref<1x1x1600xi32, #tpu.memory_space<vmem>> -> memref<1x1600xi32, #tpu.memory_space<vmem>>
            %dma_start3A_312 = arith.constant 0 : i32
            %dma_start3A_313 = tpu.memref_slice %arg3[%mul3A_307, %dma_start3A_312] : memref<1000x1600xi32, #tpu.memory_space<hbm>> -> memref<1x1600xi32, #tpu.memory_space<hbm>>
            %dma_start3A_314 = tpu.memref_slice %run_scoped3A_17[%rem3A_305] : memref<2x!tpu.dma_semaphore, #tpu.memory_space<semaphore_mem>> -> memref<1x!tpu.dma_semaphore, #tpu.memory_space<semaphore_mem>>
            %dma_start3A_315 = tpu.memref_squeeze %dma_start3A_314 : memref<1x!tpu.dma_semaphore, #tpu.memory_space<semaphore_mem>> -> memref<!tpu.dma_semaphore, #tpu.memory_space<semaphore_mem>>
            %dma_start3A_316 = arith.constant 0 : i32
            %dma_start3A_317 = arith.constant 0 : i32
            %dma_start3A_318 = tpu.memref_slice %run_scoped3A[%rem3A_305, %dma_start3A_316, %dma_start3A_317] : memref<2x1x1600xi32, #tpu.memory_space<vmem>> -> memref<1x1x1600xi32, #tpu.memory_space<vmem>>
            %dma_start3A_319 = tpu.memref_squeeze %dma_start3A_318 : memref<1x1x1600xi32, #tpu.memory_space<vmem>> -> memref<1x1600xi32, #tpu.memory_space<vmem>>
            %dma_start3A_320 = arith.constant 0 : i32
            %dma_start3A_321 = tpu.memref_slice %arg3[%mul3A_307, %dma_start3A_320] : memref<1000x1600xi32, #tpu.memory_space<hbm>> -> memref<1x1600xi32, #tpu.memory_space<hbm>>
            tpu.enqueue_dma source(%dma_start3A_321 : memref<1x1600xi32, #tpu.memory_space<hbm>>) target(%dma_start3A_319 : memref<1x1600xi32, #tpu.memory_space<vmem>>) target_semaphore(%dma_start3A_315 : memref<!tpu.dma_semaphore, #tpu.memory_space<semaphore_mem>>)
            "tpu.trace_stop"() : () -> ()
          } else {
          }
          %and3A_193 = arith.constant true
          %and3A_194 = arith.andi %and3A, %and3A_193 : i1
          %add3A_195 = arith.constant 1 : i32
          %add3A_196 = arith.addi %while3A_143, %add3A_195 : i32
          %select_n3A_197 = arith.select %and3A_194, %add3A_196, %while3A_143 : i32
          %ne3A_198 = arith.cmpi ne, %add3A_155, %add3A_173 : i32
          %or3A_199 = arith.constant false
          %or3A_200 = arith.ori %or3A_199, %ne3A_198 : i1
          %or3A_201 = arith.constant false
          %or3A_202 = arith.ori %or3A_200, %or3A_201 : i1
          %sub3A_203 = arith.constant 2 : i32
          %sub3A_204 = arith.subi %mul3A_149, %sub3A_203 : i32
          %add3A_205 = arith.constant 1 : i32
          %add3A_206 = arith.addi %sub3A_204, %add3A_205 : i32
          %ge3A_207 = arith.cmpi sge, %while3A_142, %add3A_206 : i32
          %not3A_208 = arith.constant true
          %not3A_209 = arith.xori %ge3A_207, %not3A_208 : i1
          %and3A_210 = arith.andi %or3A_202, %not3A_209 : i1
          %ne3A_211 = arith.cmpi ne, %add3A_155, %add3A_165 : i32
          %or3A_212 = arith.constant false
          %or3A_213 = arith.ori %or3A_212, %ne3A_211 : i1
          %or3A_214 = arith.constant false
          %or3A_215 = arith.ori %or3A_213, %or3A_214 : i1
          %or3A_216 = arith.ori %or3A_215, %eq3A_151 : i1
          %convert_element_type3A_217 = arith.extui %or3A_216 : i1 to i32
          %cond3A_218 = arith.constant 0 : i32
          %cond3A_219 = arith.cmpi ne, %convert_element_type3A_217, %cond3A_218 : i32
          scf.if %cond3A_219 {
            "tpu.trace_start"() <{level = 10 : i32, message = "ep_wait_in"}> : () -> ()
            %mul3A_304 = arith.constant 1 : i32
            %mul3A_305 = arith.muli %mul3A_304, %add3A_155 : i32
            %rem3A_306 = arith.constant 2 : i32
            %rem3A_307 = arith.remui %while3A_144, %rem3A_306 : i32
            %dma_wait3A = arith.constant 0 : i32
            %dma_wait3A_308 = arith.constant 0 : i32
            %dma_wait3A_309 = tpu.memref_slice %run_scoped3A[%rem3A_307, %dma_wait3A, %dma_wait3A_308] : memref<2x1x1600xi32, #tpu.memory_space<vmem>> -> memref<1x1x1600xi32, #tpu.memory_space<vmem>>
            %dma_wait3A_310 = tpu.memref_squeeze %dma_wait3A_309 : memref<1x1x1600xi32, #tpu.memory_space<vmem>> -> memref<1x1600xi32, #tpu.memory_space<vmem>>
            %dma_wait3A_311 = arith.constant 0 : i32
            %dma_wait3A_312 = tpu.memref_slice %arg3[%mul3A_305, %dma_wait3A_311] : memref<1000x1600xi32, #tpu.memory_space<hbm>> -> memref<1x1600xi32, #tpu.memory_space<hbm>>
            %dma_wait3A_313 = tpu.memref_slice %run_scoped3A_17[%rem3A_307] : memref<2x!tpu.dma_semaphore, #tpu.memory_space<semaphore_mem>> -> memref<1x!tpu.dma_semaphore, #tpu.memory_space<semaphore_mem>>
            %dma_wait3A_314 = tpu.memref_squeeze %dma_wait3A_313 : memref<1x!tpu.dma_semaphore, #tpu.memory_space<semaphore_mem>> -> memref<!tpu.dma_semaphore, #tpu.memory_space<semaphore_mem>>
            %dma_wait3A_315 = arith.constant 0 : i32
            %dma_wait3A_316 = arith.constant 0 : i32
            %dma_wait3A_317 = tpu.memref_slice %run_scoped3A[%rem3A_307, %dma_wait3A_315, %dma_wait3A_316] : memref<2x1x1600xi32, #tpu.memory_space<vmem>> -> memref<1x1x1600xi32, #tpu.memory_space<vmem>>
            %dma_wait3A_318 = tpu.memref_squeeze %dma_wait3A_317 : memref<1x1x1600xi32, #tpu.memory_space<vmem>> -> memref<1x1600xi32, #tpu.memory_space<vmem>>
            %dma_wait3A_319 = arith.constant 0 : i32
            %dma_wait3A_320 = tpu.memref_slice %arg3[%mul3A_305, %dma_wait3A_319] : memref<1000x1600xi32, #tpu.memory_space<hbm>> -> memref<1x1600xi32, #tpu.memory_space<hbm>>
            tpu.wait_dma2 semaphore(%dma_wait3A_314 : memref<!tpu.dma_semaphore, #tpu.memory_space<semaphore_mem>>) src(%dma_wait3A_320 : memref<1x1600xi32, #tpu.memory_space<hbm>>) dst(%dma_wait3A_318 : memref<1x1600xi32, #tpu.memory_space<vmem>>)
            "tpu.trace_stop"() : () -> ()
          } else {
          }
          %ne3A_220 = arith.cmpi ne, %add3A_155, %add3A_165 : i32
          %or3A_221 = arith.constant false
          %or3A_222 = arith.ori %or3A_221, %ne3A_220 : i1
          %or3A_223 = arith.constant false
          %or3A_224 = arith.ori %or3A_222, %or3A_223 : i1
          %or3A_225 = arith.ori %or3A_224, %eq3A_151 : i1
          %convert_element_type3A_226 = arith.extui %or3A_225 : i1 to i32
          %cond3A_227 = arith.constant 0 : i32
          %cond3A_228 = arith.cmpi ne, %convert_element_type3A_226, %cond3A_227 : i32
          scf.if %cond3A_228 {
          } else {
          }
          %rem3A_229 = arith.constant 2 : i32
          %rem3A_230 = arith.remui %while3A_144, %rem3A_229 : i32
          %rem3A_231 = arith.constant 2 : i32
          %rem3A_232 = arith.remui %while3A_145, %rem3A_231 : i32
          %run_scoped3A_233 = arith.constant 0 : i32
          "tpu.trace_start"() <{level = 10 : i32, message = "ep_run_kernel"}> : () -> ()
          "tpu.region"() ({
            %run_scoped3A_304 = tpu.sem_alloc : memref<!tpu.dma_semaphore, #tpu.memory_space<semaphore_mem>>
            %dma_start3A_305 = arith.constant 0 : i32
            %dma_start3A_306 = arith.constant 0 : i32
            %dma_start3A_307 = tpu.memref_slice %run_scoped3A_18[%rem3A_232, %dma_start3A_305, %dma_start3A_306] : memref<2x1600x16xf32, #tpu.memory_space<vmem>> -> memref<1x1600x16xf32, #tpu.memory_space<vmem>>
            %dma_start3A_308 = tpu.memref_squeeze %dma_start3A_307 : memref<1x1600x16xf32, #tpu.memory_space<vmem>> -> memref<1600x16xf32, #tpu.memory_space<vmem>>
            %dma_start3A_309 = arith.constant 0 : i32
            %dma_start3A_310 = arith.constant 0 : i32
            %dma_start3A_311 = tpu.memref_slice %run_scoped3A[%rem3A_230, %dma_start3A_309, %dma_start3A_310] : memref<2x1x1600xi32, #tpu.memory_space<vmem>> -> memref<1x1x1600xi32, #tpu.memory_space<vmem>>
            %dma_start3A_312 = tpu.memref_squeeze %dma_start3A_311 : memref<1x1x1600xi32, #tpu.memory_space<vmem>> -> memref<1x1600xi32, #tpu.memory_space<vmem>>
            %dma_start3A_313 = arith.constant 0 : i32
            %dma_start3A_314 = tpu.memref_slice %dma_start3A_312[%run_scoped3A_233, %dma_start3A_313] : memref<1x1600xi32, #tpu.memory_space<vmem>> -> memref<1x1600xi32, #tpu.memory_space<vmem>>
            %dma_start3A_315 = tpu.memref_squeeze %dma_start3A_314 : memref<1x1600xi32, #tpu.memory_space<vmem>> -> memref<1600xi32, #tpu.memory_space<vmem>>
            %dma_start3A_316 = arith.constant 0 : i32
            %dma_start3A_317 = arith.constant 0 : i32
            %dma_start3A_318 = tpu.memref_slice %arg2[%dma_start3A_316, %dma_start3A_317] : memref<50000x16xf32, #tpu.memory_space<hbm>> -> memref<50000x16xf32, #tpu.memory_space<hbm>>
            tpu.enqueue_indirect_dma source(%dma_start3A_318 : memref<50000x16xf32, #tpu.memory_space<hbm>>) target(%dma_start3A_308 : memref<1600x16xf32, #tpu.memory_space<vmem>>) offsets(%dma_start3A_315 : memref<1600xi32, #tpu.memory_space<vmem>>) semaphore(%run_scoped3A_304 : memref<!tpu.dma_semaphore, #tpu.memory_space<semaphore_mem>>)
            %dma_wait3A = arith.constant 0 : i32
            %dma_wait3A_319 = arith.constant 0 : i32
            %dma_wait3A_320 = tpu.memref_slice %run_scoped3A_18[%rem3A_232, %dma_wait3A, %dma_wait3A_319] : memref<2x1600x16xf32, #tpu.memory_space<vmem>> -> memref<1x1600x16xf32, #tpu.memory_space<vmem>>
            %dma_wait3A_321 = tpu.memref_squeeze %dma_wait3A_320 : memref<1x1600x16xf32, #tpu.memory_space<vmem>> -> memref<1600x16xf32, #tpu.memory_space<vmem>>
            %dma_wait3A_322 = arith.constant 0 : i32
            %dma_wait3A_323 = arith.constant 0 : i32
            %dma_wait3A_324 = tpu.memref_slice %run_scoped3A[%rem3A_230, %dma_wait3A_322, %dma_wait3A_323] : memref<2x1x1600xi32, #tpu.memory_space<vmem>> -> memref<1x1x1600xi32, #tpu.memory_space<vmem>>
            %dma_wait3A_325 = tpu.memref_squeeze %dma_wait3A_324 : memref<1x1x1600xi32, #tpu.memory_space<vmem>> -> memref<1x1600xi32, #tpu.memory_space<vmem>>
            %dma_wait3A_326 = arith.constant 0 : i32
            %dma_wait3A_327 = tpu.memref_slice %dma_wait3A_325[%run_scoped3A_233, %dma_wait3A_326] : memref<1x1600xi32, #tpu.memory_space<vmem>> -> memref<1x1600xi32, #tpu.memory_space<vmem>>
            %dma_wait3A_328 = tpu.memref_squeeze %dma_wait3A_327 : memref<1x1600xi32, #tpu.memory_space<vmem>> -> memref<1600xi32, #tpu.memory_space<vmem>>
            %dma_wait3A_329 = arith.constant 0 : i32
            %dma_wait3A_330 = arith.constant 0 : i32
            %dma_wait3A_331 = tpu.memref_slice %arg2[%dma_wait3A_329, %dma_wait3A_330] : memref<50000x16xf32, #tpu.memory_space<hbm>> -> memref<50000x16xf32, #tpu.memory_space<hbm>>
            tpu.wait_indirect_dma semaphore(%run_scoped3A_304 : memref<!tpu.dma_semaphore, #tpu.memory_space<semaphore_mem>>) src(%dma_wait3A_331 : memref<50000x16xf32, #tpu.memory_space<hbm>>) dst(%dma_wait3A_321 : memref<1600x16xf32, #tpu.memory_space<vmem>>)
            tpu.yield
          }) : () -> ()
          "tpu.trace_stop"() : () -> ()
          %ne3A_234 = arith.cmpi ne, %add3A_155, %add3A_173 : i32
          %or3A_235 = arith.constant false
          %or3A_236 = arith.ori %or3A_235, %ne3A_234 : i1
          %or3A_237 = arith.constant false
          %or3A_238 = arith.ori %or3A_236, %or3A_237 : i1
          %or3A_239 = arith.ori %or3A_238, %eq3A_154 : i1
          %convert_element_type3A_240 = arith.extui %or3A_239 : i1 to i32
          %cond3A_241 = arith.constant 0 : i32
          %cond3A_242 = arith.cmpi ne, %convert_element_type3A_240, %cond3A_241 : i32
          scf.if %cond3A_242 {
          } else {
          }
          %and3A_243 = arith.constant false
          %and3A_244 = arith.andi %or3A_239, %and3A_243 : i1
          %ne3A_245 = arith.cmpi ne, %add3A_155, %add3A_173 : i32
          %or3A_246 = arith.constant false
          %or3A_247 = arith.ori %or3A_246, %ne3A_245 : i1
          %or3A_248 = arith.constant false
          %or3A_249 = arith.ori %or3A_247, %or3A_248 : i1
          %or3A_250 = arith.ori %or3A_249, %eq3A_154 : i1
          %convert_element_type3A_251 = arith.extui %or3A_250 : i1 to i32
          %cond3A_252 = arith.constant 0 : i32
          %cond3A_253 = arith.cmpi ne, %convert_element_type3A_251, %cond3A_252 : i32
          scf.if %cond3A_253 {
            "tpu.trace_start"() <{level = 10 : i32, message = "ep_copy_out"}> : () -> ()
            %rem3A_304 = arith.constant 2 : i32
            %rem3A_305 = arith.remui %while3A_145, %rem3A_304 : i32
            %mul3A_306 = arith.constant 1600 : i32
            %mul3A_307 = arith.muli %mul3A_306, %add3A_155 : i32
            %dma_start3A_308 = arith.constant 0 : i32
            %dma_start3A_309 = arith.constant 0 : i32
            %dma_start3A_310 = tpu.memref_slice %run_scoped3A_18[%rem3A_305, %dma_start3A_308, %dma_start3A_309] : memref<2x1600x16xf32, #tpu.memory_space<vmem>> -> memref<1x1600x16xf32, #tpu.memory_space<vmem>>
            %dma_start3A_311 = tpu.memref_squeeze %dma_start3A_310 : memref<1x1600x16xf32, #tpu.memory_space<vmem>> -> memref<1600x16xf32, #tpu.memory_space<vmem>>
            %dma_start3A_312 = arith.constant 0 : i32
            %dma_start3A_313 = tpu.memref_slice %arg4[%mul3A_307, %dma_start3A_312] : memref<1600000x16xf32, #tpu.memory_space<hbm>> -> memref<1600x16xf32, #tpu.memory_space<hbm>>
            %dma_start3A_314 = tpu.memref_slice %run_scoped3A_19[%rem3A_305] : memref<2x!tpu.dma_semaphore, #tpu.memory_space<semaphore_mem>> -> memref<1x!tpu.dma_semaphore, #tpu.memory_space<semaphore_mem>>
            %dma_start3A_315 = tpu.memref_squeeze %dma_start3A_314 : memref<1x!tpu.dma_semaphore, #tpu.memory_space<semaphore_mem>> -> memref<!tpu.dma_semaphore, #tpu.memory_space<semaphore_mem>>
            %dma_start3A_316 = arith.constant 0 : i32
            %dma_start3A_317 = tpu.memref_slice %arg4[%mul3A_307, %dma_start3A_316] : memref<1600000x16xf32, #tpu.memory_space<hbm>> -> memref<1600x16xf32, #tpu.memory_space<hbm>>
            %dma_start3A_318 = arith.constant 0 : i32
            %dma_start3A_319 = arith.constant 0 : i32
            %dma_start3A_320 = tpu.memref_slice %run_scoped3A_18[%rem3A_305, %dma_start3A_318, %dma_start3A_319] : memref<2x1600x16xf32, #tpu.memory_space<vmem>> -> memref<1x1600x16xf32, #tpu.memory_space<vmem>>
            %dma_start3A_321 = tpu.memref_squeeze %dma_start3A_320 : memref<1x1600x16xf32, #tpu.memory_space<vmem>> -> memref<1600x16xf32, #tpu.memory_space<vmem>>
            tpu.enqueue_dma source(%dma_start3A_321 : memref<1600x16xf32, #tpu.memory_space<vmem>>) target(%dma_start3A_317 : memref<1600x16xf32, #tpu.memory_space<hbm>>) target_semaphore(%dma_start3A_315 : memref<!tpu.dma_semaphore, #tpu.memory_space<semaphore_mem>>)
            "tpu.trace_stop"() : () -> ()
          } else {
          }
          %and3A_254 = arith.constant true
          %and3A_255 = arith.andi %or3A_250, %and3A_254 : i1
          %add3A_256 = arith.constant 1 : i32
          %add3A_257 = arith.addi %while3A_145, %add3A_256 : i32
          %select_n3A_258 = arith.select %and3A_255, %add3A_257, %while3A_145 : i32
          %ne3A_259 = arith.cmpi ne, %add3A_155, %add3A_165 : i32
          %or3A_260 = arith.constant false
          %or3A_261 = arith.ori %or3A_260, %ne3A_259 : i1
          %or3A_262 = arith.constant false
          %or3A_263 = arith.ori %or3A_261, %or3A_262 : i1
          %not3A_264 = arith.constant true
          %not3A_265 = arith.xori %eq3A_151, %not3A_264 : i1
          %and3A_266 = arith.andi %or3A_263, %not3A_265 : i1
          %convert_element_type3A_267 = arith.extui %and3A_266 : i1 to i32
          %cond3A_268 = arith.constant 0 : i32
          %cond3A_269 = arith.cmpi ne, %convert_element_type3A_267, %cond3A_268 : i32
          scf.if %cond3A_269 {
          } else {
          }
          %and3A_270 = arith.constant false
          %and3A_271 = arith.andi %and3A_266, %and3A_270 : i1
          %ne3A_272 = arith.cmpi ne, %add3A_155, %add3A_165 : i32
          %or3A_273 = arith.constant false
          %or3A_274 = arith.ori %or3A_273, %ne3A_272 : i1
          %or3A_275 = arith.constant false
          %or3A_276 = arith.ori %or3A_274, %or3A_275 : i1
          %not3A_277 = arith.constant true
          %not3A_278 = arith.xori %eq3A_151, %not3A_277 : i1
          %and3A_279 = arith.andi %or3A_276, %not3A_278 : i1
          %convert_element_type3A_280 = arith.extui %and3A_279 : i1 to i32
          %cond3A_281 = arith.constant 0 : i32
          %cond3A_282 = arith.cmpi ne, %convert_element_type3A_280, %cond3A_281 : i32
          scf.if %cond3A_282 {
            "tpu.trace_start"() <{level = 10 : i32, message = "ep_wait_out"}> : () -> ()
            %rem3A_304 = arith.constant 2 : i32
            %rem3A_305 = arith.remui %while3A_146, %rem3A_304 : i32
            %mul3A_306 = arith.constant 1600 : i32
            %mul3A_307 = arith.muli %mul3A_306, %add3A_165 : i32
            %dma_wait3A = arith.constant 0 : i32
            %dma_wait3A_308 = arith.constant 0 : i32
            %dma_wait3A_309 = tpu.memref_slice %run_scoped3A_18[%rem3A_305, %dma_wait3A, %dma_wait3A_308] : memref<2x1600x16xf32, #tpu.memory_space<vmem>> -> memref<1x1600x16xf32, #tpu.memory_space<vmem>>
            %dma_wait3A_310 = tpu.memref_squeeze %dma_wait3A_309 : memref<1x1600x16xf32, #tpu.memory_space<vmem>> -> memref<1600x16xf32, #tpu.memory_space<vmem>>
            %dma_wait3A_311 = arith.constant 0 : i32
            %dma_wait3A_312 = tpu.memref_slice %arg4[%mul3A_307, %dma_wait3A_311] : memref<1600000x16xf32, #tpu.memory_space<hbm>> -> memref<1600x16xf32, #tpu.memory_space<hbm>>
            %dma_wait3A_313 = tpu.memref_slice %run_scoped3A_19[%rem3A_305] : memref<2x!tpu.dma_semaphore, #tpu.memory_space<semaphore_mem>> -> memref<1x!tpu.dma_semaphore, #tpu.memory_space<semaphore_mem>>
            %dma_wait3A_314 = tpu.memref_squeeze %dma_wait3A_313 : memref<1x!tpu.dma_semaphore, #tpu.memory_space<semaphore_mem>> -> memref<!tpu.dma_semaphore, #tpu.memory_space<semaphore_mem>>
            %dma_wait3A_315 = arith.constant 0 : i32
            %dma_wait3A_316 = tpu.memref_slice %arg4[%mul3A_307, %dma_wait3A_315] : memref<1600000x16xf32, #tpu.memory_space<hbm>> -> memref<1600x16xf32, #tpu.memory_space<hbm>>
            %dma_wait3A_317 = arith.constant 0 : i32
            %dma_wait3A_318 = arith.constant 0 : i32
            %dma_wait3A_319 = tpu.memref_slice %run_scoped3A_18[%rem3A_305, %dma_wait3A_317, %dma_wait3A_318] : memref<2x1600x16xf32, #tpu.memory_space<vmem>> -> memref<1x1600x16xf32, #tpu.memory_space<vmem>>
            %dma_wait3A_320 = tpu.memref_squeeze %dma_wait3A_319 : memref<1x1600x16xf32, #tpu.memory_space<vmem>> -> memref<1600x16xf32, #tpu.memory_space<vmem>>
            tpu.wait_dma2 semaphore(%dma_wait3A_314 : memref<!tpu.dma_semaphore, #tpu.memory_space<semaphore_mem>>) src(%dma_wait3A_320 : memref<1600x16xf32, #tpu.memory_space<vmem>>) dst(%dma_wait3A_316 : memref<1600x16xf32, #tpu.memory_space<hbm>>)
            "tpu.trace_stop"() : () -> ()
          } else {
          }
          %and3A_283 = arith.constant true
          %and3A_284 = arith.andi %and3A_279, %and3A_283 : i1
          %add3A_285 = arith.constant 1 : i32
          %add3A_286 = arith.addi %while3A_146, %add3A_285 : i32
          %select_n3A_287 = arith.select %and3A_284, %add3A_286, %while3A_146 : i32
          %ne3A_288 = arith.cmpi ne, %add3A_155, %add3A_173 : i32
          %or3A_289 = arith.constant false
          %or3A_290 = arith.ori %or3A_289, %ne3A_288 : i1
          %or3A_291 = arith.constant false
          %or3A_292 = arith.ori %or3A_290, %or3A_291 : i1
          %or3A_293 = arith.ori %or3A_292, %eq3A_154 : i1
          %add3A_294 = arith.constant 1 : i32
          %add3A_295 = arith.addi %while3A_144, %add3A_294 : i32
          %select_n3A_296 = arith.select %or3A_293, %add3A_295, %while3A_144 : i32
          %add3A_297 = arith.constant 1 : i32
          %add3A_298 = arith.addi %while3A_147, %add3A_297 : i32
          %select_n3A_299 = arith.constant true
          %select_n3A_300 = arith.select %select_n3A_299, %add3A_298, %while3A_147 : i32
          %eq3A_301 = arith.cmpi eq, %select_n3A_300, %select_n3A : i32
          %select_n3A_302 = arith.constant 0 : i32
          %select_n3A_303 = arith.select %eq3A_301, %select_n3A_302, %select_n3A_300 : i32
          scf.yield %select_n3A_197, %select_n3A_296, %select_n3A_258, %select_n3A_287, %select_n3A_303 : i32, i32, i32, i32, i32
        }
        %sub3A_91 = arith.constant 1 : i32
        %sub3A_92 = arith.subi %while3A_90#4, %sub3A_91 : i32
        %select_n3A_93 = arith.constant true
        %select_n3A_94 = arith.select %select_n3A_93, %sub3A_92, %while3A_90#4 : i32
        %eq3A_95 = arith.constant -1 : i32
        %eq3A_96 = arith.cmpi eq, %select_n3A_94, %eq3A_95 : i32
        %sub3A_97 = arith.constant 1 : i32
        %sub3A_98 = arith.subi %select_n3A, %sub3A_97 : i32
        %select_n3A_99 = arith.select %eq3A_96, %sub3A_98, %select_n3A_94 : i32
        %sub3A_100 = arith.constant 1 : i32
        %sub3A_101 = arith.subi %mul3A_16, %sub3A_100 : i32
        %mul3A_102 = arith.constant 1 : i32
        %mul3A_103 = arith.muli %mul3A_102, %select_n3A : i32
        %eq3A_104 = arith.constant 0 : i32
        %eq3A_105 = arith.cmpi eq, %sub3A_101, %eq3A_104 : i32
        %sub3A_106 = arith.constant 1 : i32
        %sub3A_107 = arith.subi %mul3A_103, %sub3A_106 : i32
        %eq3A_108 = arith.cmpi eq, %sub3A_101, %sub3A_107 : i32
        %add3A_109 = arith.addi %select_n3A_99, %select_n3A_14 : i32
        %sub3A_110 = arith.constant 1 : i32
        %sub3A_111 = arith.subi %select_n3A_99, %sub3A_110 : i32
        %select_n3A_112 = arith.constant true
        %select_n3A_113 = arith.select %select_n3A_112, %sub3A_111, %select_n3A_99 : i32
        %eq3A_114 = arith.constant -1 : i32
        %eq3A_115 = arith.cmpi eq, %select_n3A_113, %eq3A_114 : i32
        %sub3A_116 = arith.constant 1 : i32
        %sub3A_117 = arith.subi %select_n3A, %sub3A_116 : i32
        %select_n3A_118 = arith.select %eq3A_115, %sub3A_117, %select_n3A_113 : i32
        %add3A_119 = arith.addi %select_n3A_118, %select_n3A_14 : i32
        %add3A_120 = arith.constant 1 : i32
        %add3A_121 = arith.addi %select_n3A_99, %add3A_120 : i32
        %select_n3A_122 = arith.constant true
        %select_n3A_123 = arith.select %select_n3A_122, %add3A_121, %select_n3A_99 : i32
        %eq3A_124 = arith.cmpi eq, %select_n3A_123, %select_n3A : i32
        %select_n3A_125 = arith.constant 0 : i32
        %select_n3A_126 = arith.select %eq3A_124, %select_n3A_125, %select_n3A_123 : i32
        %add3A_127 = arith.addi %select_n3A_126, %select_n3A_14 : i32
        %add3A_128 = arith.constant 1 : i32
        %add3A_129 = arith.addi %select_n3A_126, %add3A_128 : i32
        %select_n3A_130 = arith.constant true
        %select_n3A_131 = arith.select %select_n3A_130, %add3A_129, %select_n3A_126 : i32
        %eq3A_132 = arith.cmpi eq, %select_n3A_131, %select_n3A : i32
        %select_n3A_133 = arith.constant 0 : i32
        %select_n3A_134 = arith.select %eq3A_132, %select_n3A_133, %select_n3A_131 : i32
        %add3A_135 = arith.addi %select_n3A_134, %select_n3A_14 : i32
        %convert_element_type3A_136 = arith.extui %eq3A_108 : i1 to i32
        %cond3A_137 = arith.constant 0 : i32
        %cond3A_138 = arith.cmpi ne, %convert_element_type3A_136, %cond3A_137 : i32
        scf.if %cond3A_138 {
        } else {
        }
        %convert_element_type3A_139 = arith.extui %eq3A_108 : i1 to i32
        %cond3A_140 = arith.constant 0 : i32
        %cond3A_141 = arith.cmpi ne, %convert_element_type3A_139, %cond3A_140 : i32
        scf.if %cond3A_141 {
          "tpu.trace_start"() <{level = 10 : i32, message = "ep_finalize"}> : () -> ()
          %rem3A_142 = arith.constant 2 : i32
          %rem3A_143 = arith.remui %while3A_90#3, %rem3A_142 : i32
          %mul3A_144 = arith.constant 1600 : i32
          %mul3A_145 = arith.muli %mul3A_144, %add3A_109 : i32
          %dma_wait3A = arith.constant 0 : i32
          %dma_wait3A_146 = arith.constant 0 : i32
          %dma_wait3A_147 = tpu.memref_slice %run_scoped3A_18[%rem3A_143, %dma_wait3A, %dma_wait3A_146] : memref<2x1600x16xf32, #tpu.memory_space<vmem>> -> memref<1x1600x16xf32, #tpu.memory_space<vmem>>
          %dma_wait3A_148 = tpu.memref_squeeze %dma_wait3A_147 : memref<1x1600x16xf32, #tpu.memory_space<vmem>> -> memref<1600x16xf32, #tpu.memory_space<vmem>>
          %dma_wait3A_149 = arith.constant 0 : i32
          %dma_wait3A_150 = tpu.memref_slice %arg4[%mul3A_145, %dma_wait3A_149] : memref<1600000x16xf32, #tpu.memory_space<hbm>> -> memref<1600x16xf32, #tpu.memory_space<hbm>>
          %dma_wait3A_151 = tpu.memref_slice %run_scoped3A_19[%rem3A_143] : memref<2x!tpu.dma_semaphore, #tpu.memory_space<semaphore_mem>> -> memref<1x!tpu.dma_semaphore, #tpu.memory_space<semaphore_mem>>
          %dma_wait3A_152 = tpu.memref_squeeze %dma_wait3A_151 : memref<1x!tpu.dma_semaphore, #tpu.memory_space<semaphore_mem>> -> memref<!tpu.dma_semaphore, #tpu.memory_space<semaphore_mem>>
          %dma_wait3A_153 = arith.constant 0 : i32
          %dma_wait3A_154 = tpu.memref_slice %arg4[%mul3A_145, %dma_wait3A_153] : memref<1600000x16xf32, #tpu.memory_space<hbm>> -> memref<1600x16xf32, #tpu.memory_space<hbm>>
          %dma_wait3A_155 = arith.constant 0 : i32
          %dma_wait3A_156 = arith.constant 0 : i32
          %dma_wait3A_157 = tpu.memref_slice %run_scoped3A_18[%rem3A_143, %dma_wait3A_155, %dma_wait3A_156] : memref<2x1600x16xf32, #tpu.memory_space<vmem>> -> memref<1x1600x16xf32, #tpu.memory_space<vmem>>
          %dma_wait3A_158 = tpu.memref_squeeze %dma_wait3A_157 : memref<1x1600x16xf32, #tpu.memory_space<vmem>> -> memref<1600x16xf32, #tpu.memory_space<vmem>>
          tpu.wait_dma2 semaphore(%dma_wait3A_152 : memref<!tpu.dma_semaphore, #tpu.memory_space<semaphore_mem>>) src(%dma_wait3A_158 : memref<1600x16xf32, #tpu.memory_space<vmem>>) dst(%dma_wait3A_154 : memref<1600x16xf32, #tpu.memory_space<hbm>>)
          "tpu.trace_stop"() : () -> ()
        } else {
        }
      } else {
      }
      tpu.yield
    }) : () -> ()
    return
  }
}

module attributes {stable_mosaic.version = 14 : i64} {
  func.func @_embed_body(%arg0: i32, %arg1: memref<2000x128xf32, #tpu.memory_space<vmem>>, %arg2: memref<128x16xf32, #tpu.memory_space<vmem>>, %arg3: memref<1x16xf32, #tpu.memory_space<vmem>>, %arg4: memref<1x16xf32, #tpu.memory_space<vmem>>, %arg5: memref<1x16xf32, #tpu.memory_space<vmem>>, %arg6: memref<16x16xf32, #tpu.memory_space<vmem>>, %arg7: memref<16x16xf32, #tpu.memory_space<vmem>>, %arg8: memref<1x16xf32, #tpu.memory_space<vmem>>, %arg9: memref<2000x16xf32, #tpu.memory_space<vmem>>, %arg10: memref<2000x16xf32, #tpu.memory_space<vmem>>, %arg11: memref<2000x16xf32, #tpu.memory_space<vmem>>) attributes {dimension_semantics = [#tpu.dimension_semantics<arbitrary>], iteration_bounds = array<i64: 25>, scalar_prefetch = 0 : i64, scratch_operands = 0 : i64, tpu.core_type = #tpu.core_type<tc>, window_params = [{transform_indices = @transform_0, window_bounds = array<i64: 2000, 128>}, {pipeline_mode = #tpu.pipeline_mode<synchronous>, transform_indices = @transform_1, window_bounds = array<i64: 128, 16>}, {pipeline_mode = #tpu.pipeline_mode<synchronous>, transform_indices = @transform_2, window_bounds = array<i64: 1, 16>}, {pipeline_mode = #tpu.pipeline_mode<synchronous>, transform_indices = @transform_3, window_bounds = array<i64: 1, 16>}, {pipeline_mode = #tpu.pipeline_mode<synchronous>, transform_indices = @transform_4, window_bounds = array<i64: 1, 16>}, {pipeline_mode = #tpu.pipeline_mode<synchronous>, transform_indices = @transform_5, window_bounds = array<i64: 16, 16>}, {pipeline_mode = #tpu.pipeline_mode<synchronous>, transform_indices = @transform_6, window_bounds = array<i64: 16, 16>}, {pipeline_mode = #tpu.pipeline_mode<synchronous>, transform_indices = @transform_7, window_bounds = array<i64: 1, 16>}, {transform_indices = @transform_8, window_bounds = array<i64: 2000, 16>}, {transform_indices = @transform_9, window_bounds = array<i64: 2000, 16>}, {transform_indices = @transform_10, window_bounds = array<i64: 2000, 16>}]} {
    %get3A = arith.constant 0 : index
    %get3A_0 = arith.constant 0 : index
    %get3A_1 = vector.load %arg1[%get3A, %get3A_0] : memref<2000x128xf32, #tpu.memory_space<vmem>>, vector<2000x128xf32>
    %get3A_2 = arith.constant 0 : index
    %get3A_3 = arith.constant 0 : index
    %get3A_4 = vector.load %arg2[%get3A_2, %get3A_3] : memref<128x16xf32, #tpu.memory_space<vmem>>, vector<128x16xf32>
    %dot_general3A = arith.constant dense<0.000000e+00> : vector<2000x16xf32>
    %dot_general3A_5 = tpu.matmul %get3A_1, %get3A_4, %dot_general3A {dimension_numbers = #tpu.dot_dimension_numbers<[1], [0], [0], [1], [0, 0, 1, 1], [], []>, transpose_lhs_hint = false} : vector<2000x128xf32>, vector<128x16xf32>, vector<2000x16xf32> -> vector<2000x16xf32>
    %get3A_6 = arith.constant 0 : index
    %get3A_7 = arith.constant 0 : index
    %get3A_8 = vector.load %arg3[%get3A_6, %get3A_7] : memref<1x16xf32, #tpu.memory_space<vmem>>, vector<1x16xf32>
    %add3A = vector.broadcast %get3A_8 : vector<1x16xf32> to vector<2000x16xf32>
    %add3A_9 = arith.addf %dot_general3A_5, %add3A : vector<2000x16xf32>
    %swap3A = arith.constant 0 : index
    %swap3A_10 = arith.constant 0 : index
    %swap3A_11 = vector.load %arg9[%swap3A, %swap3A_10] : memref<2000x16xf32, #tpu.memory_space<vmem>>, vector<2000x16xf32>
    tpu.vector_store %arg9[%swap3A, %swap3A_10], %add3A_9 {strides = array<i32>} : memref<2000x16xf32, #tpu.memory_space<vmem>>, vector<2000x16xf32>,
    %get3A_12 = arith.constant 0 : index
    %get3A_13 = arith.constant 0 : index
    %get3A_14 = vector.load %arg4[%get3A_12, %get3A_13] : memref<1x16xf32, #tpu.memory_space<vmem>>, vector<1x16xf32>
    %get3A_15 = arith.constant 0 : index
    %get3A_16 = arith.constant 0 : index
    %get3A_17 = vector.load %arg5[%get3A_15, %get3A_16] : memref<1x16xf32, #tpu.memory_space<vmem>>, vector<1x16xf32>
    %reduce_sum3A = arith.constant dense<0.000000e+00> : vector<2000xf32>
    %reduce_sum3A_18 = vector.multi_reduction <add>, %add3A_9, %reduce_sum3A [1] : vector<2000x16xf32> to vector<2000xf32>
    %broadcast_in_dim3A = vector.shape_cast %reduce_sum3A_18 : vector<2000xf32> to vector<2000x1xf32>
    %div3A = arith.constant 1.600000e+01 : f32
    %div3A_19 = vector.broadcast %div3A : f32 to vector<2000x1xf32>
    %div3A_20 = arith.divf %broadcast_in_dim3A, %div3A_19 : vector<2000x1xf32>
    %jit3A = arith.constant 0 : i32
    %reduce_sum3A_21 = arith.constant dense<0.000000e+00> : vector<2000xf32>
    %reduce_sum3A_22 = vector.multi_reduction <add>, %add3A_9, %reduce_sum3A_21 [1] : vector<2000x16xf32> to vector<2000xf32>
    %broadcast_in_dim3A_23 = vector.shape_cast %reduce_sum3A_22 : vector<2000xf32> to vector<2000x1xf32>
    %div3A_24 = arith.constant 1.600000e+01 : f32
    %div3A_25 = vector.broadcast %div3A_24 : f32 to vector<2000x1xf32>
    %div3A_26 = arith.divf %broadcast_in_dim3A_23, %div3A_25 : vector<2000x1xf32>
    %sub3A = vector.broadcast %div3A_26 : vector<2000x1xf32> to vector<2000x16xf32>
    %sub3A_27 = arith.subf %add3A_9, %sub3A : vector<2000x16xf32>
    %square3A = arith.mulf %sub3A_27, %sub3A_27 : vector<2000x16xf32>
    %convert_element_type3A = arith.sitofp %jit3A : i32 to f32
    %sub3A_28 = arith.constant 1.600000e+01 : f32
    %sub3A_29 = arith.subf %sub3A_28, %convert_element_type3A : f32
    %reduce_sum3A_30 = arith.constant dense<0.000000e+00> : vector<2000xf32>
    %reduce_sum3A_31 = vector.multi_reduction <add>, %square3A, %reduce_sum3A_30 [1] : vector<2000x16xf32> to vector<2000xf32>
    %broadcast_in_dim3A_32 = vector.shape_cast %reduce_sum3A_31 : vector<2000xf32> to vector<2000x1xf32>
    %div3A_33 = vector.broadcast %sub3A_29 : f32 to vector<2000x1xf32>
    %div3A_34 = arith.divf %broadcast_in_dim3A_32, %div3A_33 : vector<2000x1xf32>
    %gt3A = arith.constant 0.000000e+00 : f32
    %gt3A_35 = arith.cmpf ogt, %sub3A_29, %gt3A : f32
    %jit3A_36 = arith.constant 0x7FC00000 : f32
    %broadcast_in_dim3A_37 = vector.broadcast %jit3A_36 : f32 to vector<2000x1xf32>
    %select_n3A = arith.select %gt3A_35, %div3A_34, %broadcast_in_dim3A_37 : vector<2000x1xf32>
    %sub3A_38 = vector.broadcast %div3A_20 : vector<2000x1xf32> to vector<2000x16xf32>
    %sub3A_39 = arith.subf %add3A_9, %sub3A_38 : vector<2000x16xf32>
    %add3A_40 = arith.constant 9.99999997E-7 : f32
    %add3A_41 = vector.broadcast %add3A_40 : f32 to vector<2000x1xf32>
    %add3A_42 = arith.addf %select_n3A, %add3A_41 : vector<2000x1xf32>
    %sqrt3A = math.sqrt %add3A_42 : vector<2000x1xf32>
    %div3A_43 = vector.broadcast %sqrt3A : vector<2000x1xf32> to vector<2000x16xf32>
    %div3A_44 = arith.divf %sub3A_39, %div3A_43 : vector<2000x16xf32>
    %mul3A = vector.broadcast %get3A_14 : vector<1x16xf32> to vector<2000x16xf32>
    %mul3A_45 = arith.mulf %div3A_44, %mul3A : vector<2000x16xf32>
    %add3A_46 = vector.broadcast %get3A_17 : vector<1x16xf32> to vector<2000x16xf32>
    %add3A_47 = arith.addf %mul3A_45, %add3A_46 : vector<2000x16xf32>
    %get3A_48 = arith.constant 0 : index
    %get3A_49 = arith.constant 0 : index
    %get3A_50 = vector.load %arg6[%get3A_48, %get3A_49] : memref<16x16xf32, #tpu.memory_space<vmem>>, vector<16x16xf32>
    %dot_general3A_51 = arith.constant dense<0.000000e+00> : vector<2000x16xf32>
    %dot_general3A_52 = tpu.matmul %add3A_47, %get3A_50, %dot_general3A_51 {dimension_numbers = #tpu.dot_dimension_numbers<[1], [0], [0], [1], [0, 0, 1, 1], [], []>, transpose_lhs_hint = false} : vector<2000x16xf32>, vector<16x16xf32>, vector<2000x16xf32> -> vector<2000x16xf32>
    %get3A_53 = arith.constant 0 : index
    %get3A_54 = arith.constant 0 : index
    %get3A_55 = vector.load %arg8[%get3A_53, %get3A_54] : memref<1x16xf32, #tpu.memory_space<vmem>>, vector<1x16xf32>
    %add3A_56 = vector.broadcast %get3A_55 : vector<1x16xf32> to vector<2000x16xf32>
    %add3A_57 = arith.addf %dot_general3A_52, %add3A_56 : vector<2000x16xf32>
    %swap3A_58 = arith.constant 0 : index
    %swap3A_59 = arith.constant 0 : index
    %swap3A_60 = vector.load %arg10[%swap3A_58, %swap3A_59] : memref<2000x16xf32, #tpu.memory_space<vmem>>, vector<2000x16xf32>
    tpu.vector_store %arg10[%swap3A_58, %swap3A_59], %add3A_57 {strides = array<i32>} : memref<2000x16xf32, #tpu.memory_space<vmem>>, vector<2000x16xf32>,
    %get3A_61 = arith.constant 0 : index
    %get3A_62 = arith.constant 0 : index
    %get3A_63 = vector.load %arg7[%get3A_61, %get3A_62] : memref<16x16xf32, #tpu.memory_space<vmem>>, vector<16x16xf32>
    %dot_general3A_64 = arith.constant dense<0.000000e+00> : vector<2000x16xf32>
    %dot_general3A_65 = tpu.matmul %add3A_47, %get3A_63, %dot_general3A_64 {dimension_numbers = #tpu.dot_dimension_numbers<[1], [0], [0], [1], [0, 0, 1, 1], [], []>, transpose_lhs_hint = false} : vector<2000x16xf32>, vector<16x16xf32>, vector<2000x16xf32> -> vector<2000x16xf32>
    %swap3A_66 = arith.constant 0 : index
    %swap3A_67 = arith.constant 0 : index
    %swap3A_68 = vector.load %arg11[%swap3A_66, %swap3A_67] : memref<2000x16xf32, #tpu.memory_space<vmem>>, vector<2000x16xf32>
    tpu.vector_store %arg11[%swap3A_66, %swap3A_67], %dot_general3A_65 {strides = array<i32>} : memref<2000x16xf32, #tpu.memory_space<vmem>>, vector<2000x16xf32>,
    return
  }
  func.func @transform_0(%arg0: i32) -> (i32, i32) {
    %c0_i32 = arith.constant 0 : i32
    %c0_i32_0 = arith.constant 0 : i32
    return %arg0, %c0_i32 : i32, i32
  }
  func.func @transform_1(%arg0: i32) -> (i32, i32) {
    %c0_i32 = arith.constant 0 : i32
    %c0_i32_0 = arith.constant 0 : i32
    %c0_i32_1 = arith.constant 0 : i32
    return %c0_i32, %c0_i32_0 : i32, i32
  }
  func.func @transform_2(%arg0: i32) -> (i32, i32) {
    %c0_i32 = arith.constant 0 : i32
    %c0_i32_0 = arith.constant 0 : i32
    %c0_i32_1 = arith.constant 0 : i32
    return %c0_i32, %c0_i32_0 : i32, i32
  }
  func.func @transform_3(%arg0: i32) -> (i32, i32) {
    %c0_i32 = arith.constant 0 : i32
    %c0_i32_0 = arith.constant 0 : i32
    %c0_i32_1 = arith.constant 0 : i32
    return %c0_i32, %c0_i32_0 : i32, i32
  }
  func.func @transform_4(%arg0: i32) -> (i32, i32) {
    %c0_i32 = arith.constant 0 : i32
    %c0_i32_0 = arith.constant 0 : i32
    %c0_i32_1 = arith.constant 0 : i32
    return %c0_i32, %c0_i32_0 : i32, i32
  }
  func.func @transform_5(%arg0: i32) -> (i32, i32) {
    %c0_i32 = arith.constant 0 : i32
    %c0_i32_0 = arith.constant 0 : i32
    %c0_i32_1 = arith.constant 0 : i32
    return %c0_i32, %c0_i32_0 : i32, i32
  }
  func.func @transform_6(%arg0: i32) -> (i32, i32) {
    %c0_i32 = arith.constant 0 : i32
    %c0_i32_0 = arith.constant 0 : i32
    %c0_i32_1 = arith.constant 0 : i32
    return %c0_i32, %c0_i32_0 : i32, i32
  }
  func.func @transform_7(%arg0: i32) -> (i32, i32) {
    %c0_i32 = arith.constant 0 : i32
    %c0_i32_0 = arith.constant 0 : i32
    %c0_i32_1 = arith.constant 0 : i32
    return %c0_i32, %c0_i32_0 : i32, i32
  }
  func.func @transform_8(%arg0: i32) -> (i32, i32) {
    %c0_i32 = arith.constant 0 : i32
    %c0_i32_0 = arith.constant 0 : i32
    return %arg0, %c0_i32 : i32, i32
  }
  func.func @transform_9(%arg0: i32) -> (i32, i32) {
    %c0_i32 = arith.constant 0 : i32
    %c0_i32_0 = arith.constant 0 : i32
    return %arg0, %c0_i32 : i32, i32
  }
  func.func @transform_10(%arg0: i32) -> (i32, i32) {
    %c0_i32 = arith.constant 0 : i32
    %c0_i32_0 = arith.constant 0 : i32
    return %arg0, %c0_i32 : i32, i32
  }
}

module attributes {stable_mosaic.version = 14 : i64} {
  func.func @_layer_body(%arg0: i32, %arg1: memref<8000x128xbf16, #tpu.memory_space<vmem>>, %arg2: memref<8000x128xf32, #tpu.memory_space<vmem>>, %arg3: memref<2000x16xf32, #tpu.memory_space<vmem>>, %arg4: memref<2000x16xf32, #tpu.memory_space<vmem>>, %arg5: memref<128x128xbf16, #tpu.memory_space<vmem>>, %arg6: memref<16x128xbf16, #tpu.memory_space<vmem>>, %arg7: memref<128x16xbf16, #tpu.memory_space<vmem>>, %arg8: memref<1x16xf32, #tpu.memory_space<vmem>>, %arg9: memref<1x16xf32, #tpu.memory_space<vmem>>, %arg10: memref<1x16xf32, #tpu.memory_space<vmem>>, %arg11: memref<16x16xf32, #tpu.memory_space<vmem>>, %arg12: memref<16x16xf32, #tpu.memory_space<vmem>>, %arg13: memref<1x16xf32, #tpu.memory_space<vmem>>, %arg14: memref<2000x16xf32, #tpu.memory_space<vmem>>, %arg15: memref<2000x16xf32, #tpu.memory_space<vmem>>, %arg16: memref<2000x16xf32, #tpu.memory_space<vmem>>) attributes {dimension_semantics = [#tpu.dimension_semantics<arbitrary>], iteration_bounds = array<i64: 25>, scalar_prefetch = 0 : i64, scratch_operands = 0 : i64, tpu.core_type = #tpu.core_type<tc>, window_params = [{transform_indices = @transform_0, window_bounds = array<i64: 8000, 128>}, {transform_indices = @transform_1, window_bounds = array<i64: 8000, 128>}, {transform_indices = @transform_2, window_bounds = array<i64: 2000, 16>}, {transform_indices = @transform_3, window_bounds = array<i64: 2000, 16>}, {pipeline_mode = #tpu.pipeline_mode<synchronous>, transform_indices = @transform_4, window_bounds = array<i64: 128, 128>}, {pipeline_mode = #tpu.pipeline_mode<synchronous>, transform_indices = @transform_5, window_bounds = array<i64: 16, 128>}, {pipeline_mode = #tpu.pipeline_mode<synchronous>, transform_indices = @transform_6, window_bounds = array<i64: 128, 16>}, {pipeline_mode = #tpu.pipeline_mode<synchronous>, transform_indices = @transform_7, window_bounds = array<i64: 1, 16>}, {pipeline_mode = #tpu.pipeline_mode<synchronous>, transform_indices = @transform_8, window_bounds = array<i64: 1, 16>}, {pipeline_mode = #tpu.pipeline_mode<synchronous>, transform_indices = @transform_9, window_bounds = array<i64: 1, 16>}, {pipeline_mode = #tpu.pipeline_mode<synchronous>, transform_indices = @transform_10, window_bounds = array<i64: 16, 16>}, {pipeline_mode = #tpu.pipeline_mode<synchronous>, transform_indices = @transform_11, window_bounds = array<i64: 16, 16>}, {pipeline_mode = #tpu.pipeline_mode<synchronous>, transform_indices = @transform_12, window_bounds = array<i64: 1, 16>}, {transform_indices = @transform_13, window_bounds = array<i64: 2000, 16>}, {transform_indices = @transform_14, window_bounds = array<i64: 2000, 16>}, {transform_indices = @transform_15, window_bounds = array<i64: 2000, 16>}]} {
    %get3A = arith.constant 0 : index
    %get3A_0 = arith.constant 0 : index
    %get3A_1 = vector.load %arg3[%get3A, %get3A_0] : memref<2000x16xf32, #tpu.memory_space<vmem>>, vector<2000x16xf32>
    %convert_element_type3A = arith.truncf %get3A_1 : vector<2000x16xf32> to vector<2000x16xbf16>
    %get3A_2 = arith.constant 0 : index
    %get3A_3 = arith.constant 0 : index
    %get3A_4 = vector.load %arg6[%get3A_2, %get3A_3] : memref<16x128xbf16, #tpu.memory_space<vmem>>, vector<16x128xbf16>
    %dot_general3A = arith.constant dense<0.000000e+00> : vector<2000x128xf32>
    %dot_general3A_5 = tpu.matmul %convert_element_type3A, %get3A_4, %dot_general3A {dimension_numbers = #tpu.dot_dimension_numbers<[1], [0], [0], [1], [0, 0, 1, 1], [], []>, transpose_lhs_hint = false} : vector<2000x16xbf16>, vector<16x128xbf16>, vector<2000x128xf32> -> vector<2000x128xf32>
    %broadcast_in_dim3A = vector.shape_cast %dot_general3A_5 : vector<2000x128xf32> to vector<2000x1x128xf32>
    %broadcast_in_dim3A_6 = vector.shape_cast %broadcast_in_dim3A : vector<2000x1x128xf32> to vector<2000x1x128xf32>
    %broadcast_in_dim3A_7 = vector.broadcast %broadcast_in_dim3A_6 : vector<2000x1x128xf32> to vector<2000x4x128xf32>
    %get3A_8 = arith.constant 0 : index
    %get3A_9 = arith.constant 0 : index
    %get3A_10 = vector.load %arg1[%get3A_8, %get3A_9] : memref<8000x128xbf16, #tpu.memory_space<vmem>>, vector<8000x128xbf16>
    %get3A_11 = arith.constant 0 : index
    %get3A_12 = arith.constant 0 : index
    %get3A_13 = vector.load %arg5[%get3A_11, %get3A_12] : memref<128x128xbf16, #tpu.memory_space<vmem>>, vector<128x128xbf16>
    %dot_general3A_14 = arith.constant dense<0.000000e+00> : vector<8000x128xf32>
    %dot_general3A_15 = tpu.matmul %get3A_10, %get3A_13, %dot_general3A_14 {dimension_numbers = #tpu.dot_dimension_numbers<[1], [0], [0], [1], [0, 0, 1, 1], [], []>, transpose_lhs_hint = false} : vector<8000x128xbf16>, vector<128x128xbf16>, vector<8000x128xf32> -> vector<8000x128xf32>
    %get3A_16 = arith.constant 0 : index
    %get3A_17 = arith.constant 0 : index
    %get3A_18 = vector.load %arg2[%get3A_16, %get3A_17] : memref<8000x128xf32, #tpu.memory_space<vmem>>, vector<8000x128xf32>
    %add3A = arith.addf %dot_general3A_15, %get3A_18 : vector<8000x128xf32>
    %reshape3A = vector.shape_cast %broadcast_in_dim3A_7 : vector<2000x4x128xf32> to vector<8000x128xf32>
    %add3A_19 = arith.addf %add3A, %reshape3A : vector<8000x128xf32>
    %mul3A = arith.constant 5.000000e-01 : f32
    %mul3A_20 = vector.broadcast %mul3A : f32 to vector<8000x128xf32>
    %mul3A_21 = arith.mulf %mul3A_20, %add3A_19 : vector<8000x128xf32>
    %tanh3A = math.tanh %mul3A_21 : vector<8000x128xf32>
    %mul3A_22 = arith.constant 5.000000e-01 : f32
    %mul3A_23 = vector.broadcast %mul3A_22 : f32 to vector<8000x128xf32>
    %mul3A_24 = arith.mulf %mul3A_23, %tanh3A : vector<8000x128xf32>
    %add3A_25 = arith.constant 5.000000e-01 : f32
    %add3A_26 = vector.broadcast %add3A_25 : f32 to vector<8000x128xf32>
    %add3A_27 = arith.addf %add3A_26, %mul3A_24 : vector<8000x128xf32>
    %mul3A_28 = arith.mulf %add3A_19, %add3A_27 : vector<8000x128xf32>
    %reshape3A_29 = vector.shape_cast %mul3A_28 : vector<8000x128xf32> to vector<2000x4x128xf32>
    %reduce_sum3A = arith.constant dense<0.000000e+00> : vector<2000x128xf32>
    %reduce_sum3A_30 = vector.multi_reduction <add>, %reshape3A_29, %reduce_sum3A [1] : vector<2000x4x128xf32> to vector<2000x128xf32>
    %convert_element_type3A_31 = arith.truncf %reduce_sum3A_30 : vector<2000x128xf32> to vector<2000x128xbf16>
    %get3A_32 = arith.constant 0 : index
    %get3A_33 = arith.constant 0 : index
    %get3A_34 = vector.load %arg7[%get3A_32, %get3A_33] : memref<128x16xbf16, #tpu.memory_space<vmem>>, vector<128x16xbf16>
    %dot_general3A_35 = arith.constant dense<0.000000e+00> : vector<2000x16xf32>
    %dot_general3A_36 = tpu.matmul %convert_element_type3A_31, %get3A_34, %dot_general3A_35 {dimension_numbers = #tpu.dot_dimension_numbers<[1], [0], [0], [1], [0, 0, 1, 1], [], []>, transpose_lhs_hint = false} : vector<2000x128xbf16>, vector<128x16xbf16>, vector<2000x16xf32> -> vector<2000x16xf32>
    %get3A_37 = arith.constant 0 : index
    %get3A_38 = arith.constant 0 : index
    %get3A_39 = vector.load %arg4[%get3A_37, %get3A_38] : memref<2000x16xf32, #tpu.memory_space<vmem>>, vector<2000x16xf32>
    %add3A_40 = arith.addf %get3A_39, %dot_general3A_36 : vector<2000x16xf32>
    %get3A_41 = arith.constant 0 : index
    %get3A_42 = arith.constant 0 : index
    %get3A_43 = vector.load %arg8[%get3A_41, %get3A_42] : memref<1x16xf32, #tpu.memory_space<vmem>>, vector<1x16xf32>
    %add3A_44 = vector.broadcast %get3A_43 : vector<1x16xf32> to vector<2000x16xf32>
    %add3A_45 = arith.addf %add3A_40, %add3A_44 : vector<2000x16xf32>
    %swap3A = arith.constant 0 : index
    %swap3A_46 = arith.constant 0 : index
    %swap3A_47 = vector.load %arg14[%swap3A, %swap3A_46] : memref<2000x16xf32, #tpu.memory_space<vmem>>, vector<2000x16xf32>
    tpu.vector_store %arg14[%swap3A, %swap3A_46], %add3A_45 {strides = array<i32>} : memref<2000x16xf32, #tpu.memory_space<vmem>>, vector<2000x16xf32>,
    %get3A_48 = arith.constant 0 : index
    %get3A_49 = arith.constant 0 : index
    %get3A_50 = vector.load %arg9[%get3A_48, %get3A_49] : memref<1x16xf32, #tpu.memory_space<vmem>>, vector<1x16xf32>
    %get3A_51 = arith.constant 0 : index
    %get3A_52 = arith.constant 0 : index
    %get3A_53 = vector.load %arg10[%get3A_51, %get3A_52] : memref<1x16xf32, #tpu.memory_space<vmem>>, vector<1x16xf32>
    %reduce_sum3A_54 = arith.constant dense<0.000000e+00> : vector<2000xf32>
    %reduce_sum3A_55 = vector.multi_reduction <add>, %add3A_45, %reduce_sum3A_54 [1] : vector<2000x16xf32> to vector<2000xf32>
    %broadcast_in_dim3A_56 = vector.shape_cast %reduce_sum3A_55 : vector<2000xf32> to vector<2000x1xf32>
    %div3A = arith.constant 1.600000e+01 : f32
    %div3A_57 = vector.broadcast %div3A : f32 to vector<2000x1xf32>
    %div3A_58 = arith.divf %broadcast_in_dim3A_56, %div3A_57 : vector<2000x1xf32>
    %jit3A = arith.constant 0 : i32
    %reduce_sum3A_59 = arith.constant dense<0.000000e+00> : vector<2000xf32>
    %reduce_sum3A_60 = vector.multi_reduction <add>, %add3A_45, %reduce_sum3A_59 [1] : vector<2000x16xf32> to vector<2000xf32>
    %broadcast_in_dim3A_61 = vector.shape_cast %reduce_sum3A_60 : vector<2000xf32> to vector<2000x1xf32>
    %div3A_62 = arith.constant 1.600000e+01 : f32
    %div3A_63 = vector.broadcast %div3A_62 : f32 to vector<2000x1xf32>
    %div3A_64 = arith.divf %broadcast_in_dim3A_61, %div3A_63 : vector<2000x1xf32>
    %sub3A = vector.broadcast %div3A_64 : vector<2000x1xf32> to vector<2000x16xf32>
    %sub3A_65 = arith.subf %add3A_45, %sub3A : vector<2000x16xf32>
    %square3A = arith.mulf %sub3A_65, %sub3A_65 : vector<2000x16xf32>
    %convert_element_type3A_66 = arith.sitofp %jit3A : i32 to f32
    %sub3A_67 = arith.constant 1.600000e+01 : f32
    %sub3A_68 = arith.subf %sub3A_67, %convert_element_type3A_66 : f32
    %reduce_sum3A_69 = arith.constant dense<0.000000e+00> : vector<2000xf32>
    %reduce_sum3A_70 = vector.multi_reduction <add>, %square3A, %reduce_sum3A_69 [1] : vector<2000x16xf32> to vector<2000xf32>
    %broadcast_in_dim3A_71 = vector.shape_cast %reduce_sum3A_70 : vector<2000xf32> to vector<2000x1xf32>
    %div3A_72 = vector.broadcast %sub3A_68 : f32 to vector<2000x1xf32>
    %div3A_73 = arith.divf %broadcast_in_dim3A_71, %div3A_72 : vector<2000x1xf32>
    %gt3A = arith.constant 0.000000e+00 : f32
    %gt3A_74 = arith.cmpf ogt, %sub3A_68, %gt3A : f32
    %jit3A_75 = arith.constant 0x7FC00000 : f32
    %broadcast_in_dim3A_76 = vector.broadcast %jit3A_75 : f32 to vector<2000x1xf32>
    %select_n3A = arith.select %gt3A_74, %div3A_73, %broadcast_in_dim3A_76 : vector<2000x1xf32>
    %sub3A_77 = vector.broadcast %div3A_58 : vector<2000x1xf32> to vector<2000x16xf32>
    %sub3A_78 = arith.subf %add3A_45, %sub3A_77 : vector<2000x16xf32>
    %add3A_79 = arith.constant 9.99999997E-7 : f32
    %add3A_80 = vector.broadcast %add3A_79 : f32 to vector<2000x1xf32>
    %add3A_81 = arith.addf %select_n3A, %add3A_80 : vector<2000x1xf32>
    %sqrt3A = math.sqrt %add3A_81 : vector<2000x1xf32>
    %div3A_82 = vector.broadcast %sqrt3A : vector<2000x1xf32> to vector<2000x16xf32>
    %div3A_83 = arith.divf %sub3A_78, %div3A_82 : vector<2000x16xf32>
    %mul3A_84 = vector.broadcast %get3A_50 : vector<1x16xf32> to vector<2000x16xf32>
    %mul3A_85 = arith.mulf %div3A_83, %mul3A_84 : vector<2000x16xf32>
    %add3A_86 = vector.broadcast %get3A_53 : vector<1x16xf32> to vector<2000x16xf32>
    %add3A_87 = arith.addf %mul3A_85, %add3A_86 : vector<2000x16xf32>
    %get3A_88 = arith.constant 0 : index
    %get3A_89 = arith.constant 0 : index
    %get3A_90 = vector.load %arg11[%get3A_88, %get3A_89] : memref<16x16xf32, #tpu.memory_space<vmem>>, vector<16x16xf32>
    %dot_general3A_91 = arith.constant dense<0.000000e+00> : vector<2000x16xf32>
    %dot_general3A_92 = tpu.matmul %add3A_87, %get3A_90, %dot_general3A_91 {dimension_numbers = #tpu.dot_dimension_numbers<[1], [0], [0], [1], [0, 0, 1, 1], [], []>, transpose_lhs_hint = false} : vector<2000x16xf32>, vector<16x16xf32>, vector<2000x16xf32> -> vector<2000x16xf32>
    %get3A_93 = arith.constant 0 : index
    %get3A_94 = arith.constant 0 : index
    %get3A_95 = vector.load %arg13[%get3A_93, %get3A_94] : memref<1x16xf32, #tpu.memory_space<vmem>>, vector<1x16xf32>
    %add3A_96 = vector.broadcast %get3A_95 : vector<1x16xf32> to vector<2000x16xf32>
    %add3A_97 = arith.addf %dot_general3A_92, %add3A_96 : vector<2000x16xf32>
    %swap3A_98 = arith.constant 0 : index
    %swap3A_99 = arith.constant 0 : index
    %swap3A_100 = vector.load %arg15[%swap3A_98, %swap3A_99] : memref<2000x16xf32, #tpu.memory_space<vmem>>, vector<2000x16xf32>
    tpu.vector_store %arg15[%swap3A_98, %swap3A_99], %add3A_97 {strides = array<i32>} : memref<2000x16xf32, #tpu.memory_space<vmem>>, vector<2000x16xf32>,
    %get3A_101 = arith.constant 0 : index
    %get3A_102 = arith.constant 0 : index
    %get3A_103 = vector.load %arg12[%get3A_101, %get3A_102] : memref<16x16xf32, #tpu.memory_space<vmem>>, vector<16x16xf32>
    %dot_general3A_104 = arith.constant dense<0.000000e+00> : vector<2000x16xf32>
    %dot_general3A_105 = tpu.matmul %add3A_87, %get3A_103, %dot_general3A_104 {dimension_numbers = #tpu.dot_dimension_numbers<[1], [0], [0], [1], [0, 0, 1, 1], [], []>, transpose_lhs_hint = false} : vector<2000x16xf32>, vector<16x16xf32>, vector<2000x16xf32> -> vector<2000x16xf32>
    %swap3A_106 = arith.constant 0 : index
    %swap3A_107 = arith.constant 0 : index
    %swap3A_108 = vector.load %arg16[%swap3A_106, %swap3A_107] : memref<2000x16xf32, #tpu.memory_space<vmem>>, vector<2000x16xf32>
    tpu.vector_store %arg16[%swap3A_106, %swap3A_107], %dot_general3A_105 {strides = array<i32>} : memref<2000x16xf32, #tpu.memory_space<vmem>>, vector<2000x16xf32>,
    return
  }
  func.func @transform_0(%arg0: i32) -> (i32, i32) {
    %c0_i32 = arith.constant 0 : i32
    %c0_i32_0 = arith.constant 0 : i32
    return %arg0, %c0_i32 : i32, i32
  }
  func.func @transform_1(%arg0: i32) -> (i32, i32) {
    %c0_i32 = arith.constant 0 : i32
    %c0_i32_0 = arith.constant 0 : i32
    return %arg0, %c0_i32 : i32, i32
  }
  func.func @transform_2(%arg0: i32) -> (i32, i32) {
    %c0_i32 = arith.constant 0 : i32
    %c0_i32_0 = arith.constant 0 : i32
    return %arg0, %c0_i32 : i32, i32
  }
  func.func @transform_3(%arg0: i32) -> (i32, i32) {
    %c0_i32 = arith.constant 0 : i32
    %c0_i32_0 = arith.constant 0 : i32
    return %arg0, %c0_i32 : i32, i32
  }
  func.func @transform_4(%arg0: i32) -> (i32, i32) {
    %c0_i32 = arith.constant 0 : i32
    %c0_i32_0 = arith.constant 0 : i32
    %c0_i32_1 = arith.constant 0 : i32
    return %c0_i32, %c0_i32_0 : i32, i32
  }
  func.func @transform_5(%arg0: i32) -> (i32, i32) {
    %c0_i32 = arith.constant 0 : i32
    %c0_i32_0 = arith.constant 0 : i32
    %c0_i32_1 = arith.constant 0 : i32
    return %c0_i32, %c0_i32_0 : i32, i32
  }
  func.func @transform_6(%arg0: i32) -> (i32, i32) {
    %c0_i32 = arith.constant 0 : i32
    %c0_i32_0 = arith.constant 0 : i32
    %c0_i32_1 = arith.constant 0 : i32
    return %c0_i32, %c0_i32_0 : i32, i32
  }
  func.func @transform_7(%arg0: i32) -> (i32, i32) {
    %c0_i32 = arith.constant 0 : i32
    %c0_i32_0 = arith.constant 0 : i32
    %c0_i32_1 = arith.constant 0 : i32
    return %c0_i32, %c0_i32_0 : i32, i32
  }
  func.func @transform_8(%arg0: i32) -> (i32, i32) {
    %c0_i32 = arith.constant 0 : i32
    %c0_i32_0 = arith.constant 0 : i32
    %c0_i32_1 = arith.constant 0 : i32
    return %c0_i32, %c0_i32_0 : i32, i32
  }
  func.func @transform_9(%arg0: i32) -> (i32, i32) {
    %c0_i32 = arith.constant 0 : i32
    %c0_i32_0 = arith.constant 0 : i32
    %c0_i32_1 = arith.constant 0 : i32
    return %c0_i32, %c0_i32_0 : i32, i32
  }
  func.func @transform_10(%arg0: i32) -> (i32, i32) {
    %c0_i32 = arith.constant 0 : i32
    %c0_i32_0 = arith.constant 0 : i32
    %c0_i32_1 = arith.constant 0 : i32
    return %c0_i32, %c0_i32_0 : i32, i32
  }
  func.func @transform_11(%arg0: i32) -> (i32, i32) {
    %c0_i32 = arith.constant 0 : i32
    %c0_i32_0 = arith.constant 0 : i32
    %c0_i32_1 = arith.constant 0 : i32
    return %c0_i32, %c0_i32_0 : i32, i32
  }
  func.func @transform_12(%arg0: i32) -> (i32, i32) {
    %c0_i32 = arith.constant 0 : i32
    %c0_i32_0 = arith.constant 0 : i32
    %c0_i32_1 = arith.constant 0 : i32
    return %c0_i32, %c0_i32_0 : i32, i32
  }
  func.func @transform_13(%arg0: i32) -> (i32, i32) {
    %c0_i32 = arith.constant 0 : i32
    %c0_i32_0 = arith.constant 0 : i32
    return %arg0, %c0_i32 : i32, i32
  }
  func.func @transform_14(%arg0: i32) -> (i32, i32) {
    %c0_i32 = arith.constant 0 : i32
    %c0_i32_0 = arith.constant 0 : i32
    return %arg0, %c0_i32 : i32, i32
  }
  func.func @transform_15(%arg0: i32) -> (i32, i32) {
    %c0_i32 = arith.constant 0 : i32
    %c0_i32_0 = arith.constant 0 : i32
    return %arg0, %c0_i32 : i32, i32
  }
}

module attributes {stable_mosaic.version = 14 : i64} {
  func.func @_final_body(%arg0: i32, %arg1: memref<8000x128xbf16, #tpu.memory_space<vmem>>, %arg2: memref<8000x128xf32, #tpu.memory_space<vmem>>, %arg3: memref<2000x16xf32, #tpu.memory_space<vmem>>, %arg4: memref<2000x16xf32, #tpu.memory_space<vmem>>, %arg5: memref<128x128xbf16, #tpu.memory_space<vmem>>, %arg6: memref<16x128xbf16, #tpu.memory_space<vmem>>, %arg7: memref<128x16xbf16, #tpu.memory_space<vmem>>, %arg8: memref<1x16xf32, #tpu.memory_space<vmem>>, %arg9: memref<16x32xf32, #tpu.memory_space<vmem>>, %arg10: memref<1x32xf32, #tpu.memory_space<vmem>>, %arg11: memref<32x16xf32, #tpu.memory_space<vmem>>, %arg12: memref<1x16xf32, #tpu.memory_space<vmem>>, %arg13: memref<16x1xf32, #tpu.memory_space<vmem>>, %arg14: memref<1x1xf32, #tpu.memory_space<vmem>>, %arg15: memref<1x1xf32, #tpu.memory_space<vmem>>) attributes {dimension_semantics = [#tpu.dimension_semantics<arbitrary>], iteration_bounds = array<i64: 25>, scalar_prefetch = 0 : i64, scratch_operands = 0 : i64, tpu.core_type = #tpu.core_type<tc>, window_params = [{transform_indices = @transform_0, window_bounds = array<i64: 8000, 128>}, {transform_indices = @transform_1, window_bounds = array<i64: 8000, 128>}, {transform_indices = @transform_2, window_bounds = array<i64: 2000, 16>}, {transform_indices = @transform_3, window_bounds = array<i64: 2000, 16>}, {pipeline_mode = #tpu.pipeline_mode<synchronous>, transform_indices = @transform_4, window_bounds = array<i64: 128, 128>}, {pipeline_mode = #tpu.pipeline_mode<synchronous>, transform_indices = @transform_5, window_bounds = array<i64: 16, 128>}, {pipeline_mode = #tpu.pipeline_mode<synchronous>, transform_indices = @transform_6, window_bounds = array<i64: 128, 16>}, {pipeline_mode = #tpu.pipeline_mode<synchronous>, transform_indices = @transform_7, window_bounds = array<i64: 1, 16>}, {pipeline_mode = #tpu.pipeline_mode<synchronous>, transform_indices = @transform_8, window_bounds = array<i64: 16, 32>}, {pipeline_mode = #tpu.pipeline_mode<synchronous>, transform_indices = @transform_9, window_bounds = array<i64: 1, 32>}, {pipeline_mode = #tpu.pipeline_mode<synchronous>, transform_indices = @transform_10, window_bounds = array<i64: 32, 16>}, {pipeline_mode = #tpu.pipeline_mode<synchronous>, transform_indices = @transform_11, window_bounds = array<i64: 1, 16>}, {pipeline_mode = #tpu.pipeline_mode<synchronous>, transform_indices = @transform_12, window_bounds = array<i64: 16, 1>}, {pipeline_mode = #tpu.pipeline_mode<synchronous>, transform_indices = @transform_13, window_bounds = array<i64: 1, 1>}, {pipeline_mode = #tpu.pipeline_mode<synchronous>, transform_indices = @transform_14, window_bounds = array<i64: 1, 1>}]} {
    %get3A = arith.constant 0 : index
    %get3A_0 = arith.constant 0 : index
    %get3A_1 = vector.load %arg3[%get3A, %get3A_0] : memref<2000x16xf32, #tpu.memory_space<vmem>>, vector<2000x16xf32>
    %convert_element_type3A = arith.truncf %get3A_1 : vector<2000x16xf32> to vector<2000x16xbf16>
    %get3A_2 = arith.constant 0 : index
    %get3A_3 = arith.constant 0 : index
    %get3A_4 = vector.load %arg6[%get3A_2, %get3A_3] : memref<16x128xbf16, #tpu.memory_space<vmem>>, vector<16x128xbf16>
    %dot_general3A = arith.constant dense<0.000000e+00> : vector<2000x128xf32>
    %dot_general3A_5 = tpu.matmul %convert_element_type3A, %get3A_4, %dot_general3A {dimension_numbers = #tpu.dot_dimension_numbers<[1], [0], [0], [1], [0, 0, 1, 1], [], []>, transpose_lhs_hint = false} : vector<2000x16xbf16>, vector<16x128xbf16>, vector<2000x128xf32> -> vector<2000x128xf32>
    %broadcast_in_dim3A = vector.shape_cast %dot_general3A_5 : vector<2000x128xf32> to vector<2000x1x128xf32>
    %broadcast_in_dim3A_6 = vector.shape_cast %broadcast_in_dim3A : vector<2000x1x128xf32> to vector<2000x1x128xf32>
    %broadcast_in_dim3A_7 = vector.broadcast %broadcast_in_dim3A_6 : vector<2000x1x128xf32> to vector<2000x4x128xf32>
    %get3A_8 = arith.constant 0 : index
    %get3A_9 = arith.constant 0 : index
    %get3A_10 = vector.load %arg1[%get3A_8, %get3A_9] : memref<8000x128xbf16, #tpu.memory_space<vmem>>, vector<8000x128xbf16>
    %get3A_11 = arith.constant 0 : index
    %get3A_12 = arith.constant 0 : index
    %get3A_13 = vector.load %arg5[%get3A_11, %get3A_12] : memref<128x128xbf16, #tpu.memory_space<vmem>>, vector<128x128xbf16>
    %dot_general3A_14 = arith.constant dense<0.000000e+00> : vector<8000x128xf32>
    %dot_general3A_15 = tpu.matmul %get3A_10, %get3A_13, %dot_general3A_14 {dimension_numbers = #tpu.dot_dimension_numbers<[1], [0], [0], [1], [0, 0, 1, 1], [], []>, transpose_lhs_hint = false} : vector<8000x128xbf16>, vector<128x128xbf16>, vector<8000x128xf32> -> vector<8000x128xf32>
    %get3A_16 = arith.constant 0 : index
    %get3A_17 = arith.constant 0 : index
    %get3A_18 = vector.load %arg2[%get3A_16, %get3A_17] : memref<8000x128xf32, #tpu.memory_space<vmem>>, vector<8000x128xf32>
    %add3A = arith.addf %dot_general3A_15, %get3A_18 : vector<8000x128xf32>
    %reshape3A = vector.shape_cast %broadcast_in_dim3A_7 : vector<2000x4x128xf32> to vector<8000x128xf32>
    %add3A_19 = arith.addf %add3A, %reshape3A : vector<8000x128xf32>
    %mul3A = arith.constant 5.000000e-01 : f32
    %mul3A_20 = vector.broadcast %mul3A : f32 to vector<8000x128xf32>
    %mul3A_21 = arith.mulf %mul3A_20, %add3A_19 : vector<8000x128xf32>
    %tanh3A = math.tanh %mul3A_21 : vector<8000x128xf32>
    %mul3A_22 = arith.constant 5.000000e-01 : f32
    %mul3A_23 = vector.broadcast %mul3A_22 : f32 to vector<8000x128xf32>
    %mul3A_24 = arith.mulf %mul3A_23, %tanh3A : vector<8000x128xf32>
    %add3A_25 = arith.constant 5.000000e-01 : f32
    %add3A_26 = vector.broadcast %add3A_25 : f32 to vector<8000x128xf32>
    %add3A_27 = arith.addf %add3A_26, %mul3A_24 : vector<8000x128xf32>
    %mul3A_28 = arith.mulf %add3A_19, %add3A_27 : vector<8000x128xf32>
    %reshape3A_29 = vector.shape_cast %mul3A_28 : vector<8000x128xf32> to vector<2000x4x128xf32>
    %reduce_sum3A = arith.constant dense<0.000000e+00> : vector<2000x128xf32>
    %reduce_sum3A_30 = vector.multi_reduction <add>, %reshape3A_29, %reduce_sum3A [1] : vector<2000x4x128xf32> to vector<2000x128xf32>
    %convert_element_type3A_31 = arith.truncf %reduce_sum3A_30 : vector<2000x128xf32> to vector<2000x128xbf16>
    %get3A_32 = arith.constant 0 : index
    %get3A_33 = arith.constant 0 : index
    %get3A_34 = vector.load %arg7[%get3A_32, %get3A_33] : memref<128x16xbf16, #tpu.memory_space<vmem>>, vector<128x16xbf16>
    %dot_general3A_35 = arith.constant dense<0.000000e+00> : vector<2000x16xf32>
    %dot_general3A_36 = tpu.matmul %convert_element_type3A_31, %get3A_34, %dot_general3A_35 {dimension_numbers = #tpu.dot_dimension_numbers<[1], [0], [0], [1], [0, 0, 1, 1], [], []>, transpose_lhs_hint = false} : vector<2000x128xbf16>, vector<128x16xbf16>, vector<2000x16xf32> -> vector<2000x16xf32>
    %get3A_37 = arith.constant 0 : index
    %get3A_38 = arith.constant 0 : index
    %get3A_39 = vector.load %arg4[%get3A_37, %get3A_38] : memref<2000x16xf32, #tpu.memory_space<vmem>>, vector<2000x16xf32>
    %add3A_40 = arith.addf %get3A_39, %dot_general3A_36 : vector<2000x16xf32>
    %get3A_41 = arith.constant 0 : index
    %get3A_42 = arith.constant 0 : index
    %get3A_43 = vector.load %arg8[%get3A_41, %get3A_42] : memref<1x16xf32, #tpu.memory_space<vmem>>, vector<1x16xf32>
    %add3A_44 = vector.broadcast %get3A_43 : vector<1x16xf32> to vector<2000x16xf32>
    %add3A_45 = arith.addf %add3A_40, %add3A_44 : vector<2000x16xf32>
    %get3A_46 = arith.constant 0 : index
    %get3A_47 = arith.constant 0 : index
    %get3A_48 = vector.load %arg9[%get3A_46, %get3A_47] : memref<16x32xf32, #tpu.memory_space<vmem>>, vector<16x32xf32>
    %dot_general3A_49 = arith.constant dense<0.000000e+00> : vector<2000x32xf32>
    %dot_general3A_50 = tpu.matmul %add3A_45, %get3A_48, %dot_general3A_49 {dimension_numbers = #tpu.dot_dimension_numbers<[1], [0], [0], [1], [0, 0, 1, 1], [], []>, transpose_lhs_hint = false} : vector<2000x16xf32>, vector<16x32xf32>, vector<2000x32xf32> -> vector<2000x32xf32>
    %get3A_51 = arith.constant 0 : index
    %get3A_52 = arith.constant 0 : index
    %get3A_53 = vector.load %arg10[%get3A_51, %get3A_52] : memref<1x32xf32, #tpu.memory_space<vmem>>, vector<1x32xf32>
    %add3A_54 = vector.broadcast %get3A_53 : vector<1x32xf32> to vector<2000x32xf32>
    %add3A_55 = arith.addf %dot_general3A_50, %add3A_54 : vector<2000x32xf32>
    %max3A = arith.constant 0.000000e+00 : f32
    %max3A_56 = vector.broadcast %max3A : f32 to vector<2000x32xf32>
    %max3A_57 = arith.maximumf %add3A_55, %max3A_56 : vector<2000x32xf32>
    %abs3A = math.absf %add3A_55 : vector<2000x32xf32>
    %neg3A = arith.constant 0.000000e+00 : f32
    %neg3A_58 = vector.broadcast %neg3A : f32 to vector<2000x32xf32>
    %neg3A_59 = arith.subf %neg3A_58, %abs3A : vector<2000x32xf32>
    %exp3A = math.exp %neg3A_59 : vector<2000x32xf32>
    %log1p3A = math.log1p %exp3A : vector<2000x32xf32>
    %add3A_60 = arith.addf %max3A_57, %log1p3A : vector<2000x32xf32>
    %get3A_61 = arith.constant 0 : index
    %get3A_62 = arith.constant 0 : index
    %get3A_63 = vector.load %arg11[%get3A_61, %get3A_62] : memref<32x16xf32, #tpu.memory_space<vmem>>, vector<32x16xf32>
    %dot_general3A_64 = arith.constant dense<0.000000e+00> : vector<2000x16xf32>
    %dot_general3A_65 = tpu.matmul %add3A_60, %get3A_63, %dot_general3A_64 {dimension_numbers = #tpu.dot_dimension_numbers<[1], [0], [0], [1], [0, 0, 1, 1], [], []>, transpose_lhs_hint = false} : vector<2000x32xf32>, vector<32x16xf32>, vector<2000x16xf32> -> vector<2000x16xf32>
    %get3A_66 = arith.constant 0 : index
    %get3A_67 = arith.constant 0 : index
    %get3A_68 = vector.load %arg12[%get3A_66, %get3A_67] : memref<1x16xf32, #tpu.memory_space<vmem>>, vector<1x16xf32>
    %add3A_69 = vector.broadcast %get3A_68 : vector<1x16xf32> to vector<2000x16xf32>
    %add3A_70 = arith.addf %dot_general3A_65, %add3A_69 : vector<2000x16xf32>
    %max3A_71 = arith.constant 0.000000e+00 : f32
    %max3A_72 = vector.broadcast %max3A_71 : f32 to vector<2000x16xf32>
    %max3A_73 = arith.maximumf %add3A_70, %max3A_72 : vector<2000x16xf32>
    %abs3A_74 = math.absf %add3A_70 : vector<2000x16xf32>
    %neg3A_75 = arith.constant 0.000000e+00 : f32
    %neg3A_76 = vector.broadcast %neg3A_75 : f32 to vector<2000x16xf32>
    %neg3A_77 = arith.subf %neg3A_76, %abs3A_74 : vector<2000x16xf32>
    %exp3A_78 = math.exp %neg3A_77 : vector<2000x16xf32>
    %log1p3A_79 = math.log1p %exp3A_78 : vector<2000x16xf32>
    %add3A_80 = arith.addf %max3A_73, %log1p3A_79 : vector<2000x16xf32>
    %get3A_81 = arith.constant 0 : index
    %get3A_82 = arith.constant 0 : index
    %get3A_83 = vector.load %arg13[%get3A_81, %get3A_82] : memref<16x1xf32, #tpu.memory_space<vmem>>, vector<16x1xf32>
    %dot_general3A_84 = arith.constant dense<0.000000e+00> : vector<2000x1xf32>
    %dot_general3A_85 = tpu.matmul %add3A_80, %get3A_83, %dot_general3A_84 {dimension_numbers = #tpu.dot_dimension_numbers<[1], [0], [0], [1], [0, 0, 1, 1], [], []>, transpose_lhs_hint = false} : vector<2000x16xf32>, vector<16x1xf32>, vector<2000x1xf32> -> vector<2000x1xf32>
    %reduce_sum3A_86 = vector.shape_cast %dot_general3A_85 : vector<2000x1xf32> to vector<1x2000x1xf32>
    %reduce_sum3A_87 = arith.constant dense<0.000000e+00> : vector<1xf32>
    %reduce_sum3A_88 = vector.multi_reduction <add>, %reduce_sum3A_86, %reduce_sum3A_87 [1, 2] : vector<1x2000x1xf32> to vector<1xf32>
    %reduce_sum3A_89 = vector.shape_cast %reduce_sum3A_88 : vector<1xf32> to vector<1x1x1xf32>
    %reduce_sum3A_90 = vector.extract %reduce_sum3A_89[0, 0, 0] : f32 from vector<1x1x1xf32>
    %broadcast_in_dim3A_91 = vector.broadcast %reduce_sum3A_90 : f32 to vector<1x1xf32>
    %get3A_92 = arith.constant 0 : index
    %get3A_93 = arith.constant 0 : index
    %get3A_94 = vector.load %arg14[%get3A_92, %get3A_93] : memref<1x1xf32, #tpu.memory_space<vmem>>, vector<1x1xf32>
    %mul3A_95 = arith.constant 2.000000e+03 : f32
    %mul3A_96 = vector.broadcast %mul3A_95 : f32 to vector<1x1xf32>
    %mul3A_97 = arith.mulf %mul3A_96, %get3A_94 : vector<1x1xf32>
    %add3A_98 = arith.addf %broadcast_in_dim3A_91, %mul3A_97 : vector<1x1xf32>
    %eq3A = arith.constant 0 : i32
    %eq3A_99 = arith.cmpi eq, %arg0, %eq3A : i32
    %convert_element_type3A_100 = arith.extui %eq3A_99 : i1 to i32
    %cond3A = arith.constant 0 : i32
    %cond3A_101 = arith.cmpi ne, %convert_element_type3A_100, %cond3A : i32
    scf.if %cond3A_101 {
      %swap3A = arith.constant 0 : index
      %swap3A_106 = arith.constant 0 : index
      %swap3A_107 = vector.load %arg15[%swap3A, %swap3A_106] : memref<1x1xf32, #tpu.memory_space<vmem>>, vector<1x1xf32>
      tpu.vector_store %arg15[%swap3A, %swap3A_106], %add3A_98 {strides = array<i32>} : memref<1x1xf32, #tpu.memory_space<vmem>>, vector<1x1xf32>,
    } else {
    }
    %gt3A = arith.constant 0 : i32
    %gt3A_102 = arith.cmpi sgt, %arg0, %gt3A : i32
    %convert_element_type3A_103 = arith.extui %gt3A_102 : i1 to i32
    %cond3A_104 = arith.constant 0 : i32
    %cond3A_105 = arith.cmpi ne, %convert_element_type3A_103, %cond3A_104 : i32
    scf.if %cond3A_105 {
      %get3A_106 = arith.constant 0 : index
      %get3A_107 = arith.constant 0 : index
      %get3A_108 = vector.load %arg15[%get3A_106, %get3A_107] : memref<1x1xf32, #tpu.memory_space<vmem>>, vector<1x1xf32>
      %add3A_109 = arith.addf %get3A_108, %add3A_98 : vector<1x1xf32>
      %swap3A = arith.constant 0 : index
      %swap3A_110 = arith.constant 0 : index
      %swap3A_111 = vector.load %arg15[%swap3A, %swap3A_110] : memref<1x1xf32, #tpu.memory_space<vmem>>, vector<1x1xf32>
      tpu.vector_store %arg15[%swap3A, %swap3A_110], %add3A_109 {strides = array<i32>} : memref<1x1xf32, #tpu.memory_space<vmem>>, vector<1x1xf32>,
    } else {
    }
    return
  }
  func.func @transform_0(%arg0: i32) -> (i32, i32) {
    %c0_i32 = arith.constant 0 : i32
    %c0_i32_0 = arith.constant 0 : i32
    return %arg0, %c0_i32 : i32, i32
  }
  func.func @transform_1(%arg0: i32) -> (i32, i32) {
    %c0_i32 = arith.constant 0 : i32
    %c0_i32_0 = arith.constant 0 : i32
    return %arg0, %c0_i32 : i32, i32
  }
  func.func @transform_2(%arg0: i32) -> (i32, i32) {
    %c0_i32 = arith.constant 0 : i32
    %c0_i32_0 = arith.constant 0 : i32
    return %arg0, %c0_i32 : i32, i32
  }
  func.func @transform_3(%arg0: i32) -> (i32, i32) {
    %c0_i32 = arith.constant 0 : i32
    %c0_i32_0 = arith.constant 0 : i32
    return %arg0, %c0_i32 : i32, i32
  }
  func.func @transform_4(%arg0: i32) -> (i32, i32) {
    %c0_i32 = arith.constant 0 : i32
    %c0_i32_0 = arith.constant 0 : i32
    %c0_i32_1 = arith.constant 0 : i32
    return %c0_i32, %c0_i32_0 : i32, i32
  }
  func.func @transform_5(%arg0: i32) -> (i32, i32) {
    %c0_i32 = arith.constant 0 : i32
    %c0_i32_0 = arith.constant 0 : i32
    %c0_i32_1 = arith.constant 0 : i32
    return %c0_i32, %c0_i32_0 : i32, i32
  }
  func.func @transform_6(%arg0: i32) -> (i32, i32) {
    %c0_i32 = arith.constant 0 : i32
    %c0_i32_0 = arith.constant 0 : i32
    %c0_i32_1 = arith.constant 0 : i32
    return %c0_i32, %c0_i32_0 : i32, i32
  }
  func.func @transform_7(%arg0: i32) -> (i32, i32) {
    %c0_i32 = arith.constant 0 : i32
    %c0_i32_0 = arith.constant 0 : i32
    %c0_i32_1 = arith.constant 0 : i32
    return %c0_i32, %c0_i32_0 : i32, i32
  }
  func.func @transform_8(%arg0: i32) -> (i32, i32) {
    %c0_i32 = arith.constant 0 : i32
    %c0_i32_0 = arith.constant 0 : i32
    %c0_i32_1 = arith.constant 0 : i32
    return %c0_i32, %c0_i32_0 : i32, i32
  }
  func.func @transform_9(%arg0: i32) -> (i32, i32) {
    %c0_i32 = arith.constant 0 : i32
    %c0_i32_0 = arith.constant 0 : i32
    %c0_i32_1 = arith.constant 0 : i32
    return %c0_i32, %c0_i32_0 : i32, i32
  }
  func.func @transform_10(%arg0: i32) -> (i32, i32) {
    %c0_i32 = arith.constant 0 : i32
    %c0_i32_0 = arith.constant 0 : i32
    %c0_i32_1 = arith.constant 0 : i32
    return %c0_i32, %c0_i32_0 : i32, i32
  }
  func.func @transform_11(%arg0: i32) -> (i32, i32) {
    %c0_i32 = arith.constant 0 : i32
    %c0_i32_0 = arith.constant 0 : i32
    %c0_i32_1 = arith.constant 0 : i32
    return %c0_i32, %c0_i32_0 : i32, i32
  }
  func.func @transform_12(%arg0: i32) -> (i32, i32) {
    %c0_i32 = arith.constant 0 : i32
    %c0_i32_0 = arith.constant 0 : i32
    %c0_i32_1 = arith.constant 0 : i32
    return %c0_i32, %c0_i32_0 : i32, i32
  }
  func.func @transform_13(%arg0: i32) -> (i32, i32) {
    %c0_i32 = arith.constant 0 : i32
    %c0_i32_0 = arith.constant 0 : i32
    %c0_i32_1 = arith.constant 0 : i32
    return %c0_i32, %c0_i32_0 : i32, i32
  }
  func.func @transform_14(%arg0: i32) -> (i32, i32) {
    %c0_i32 = arith.constant 0 : i32
    %c0_i32_0 = arith.constant 0 : i32
    %c0_i32_1 = arith.constant 0 : i32
    return %c0_i32, %c0_i32_0 : i32, i32
  }
}

</mosaic_0001>

<sc_bundles>
// kernel: kernel.10.cloned.1.call-start
scs
__scs_entry_jumppad:
0x0: {  	(pc) =	sbr.rel $0x88, $3  }
0x1: {  	(tag) =	ssettag $0x0;
	lr =	simm.s32 $0x1  }
0x2: {  	[smem:$0x3F88] =	sst lr;
	_ =	strace $0xD0000000  }
0x3: {  	_ = 	snop  }
0x4: {  	_ = 	snop  }
0x5: {  	_ = 	snop  }
0x6: {  	_ = 	snop  }
0x7: {  	_ = 	snop  }
__scs_overlays_trampoline_lowered:
0x8: {  	[smem:$0x3F97] =	sst s0  }
0x9: {  	[smem:$0x3F98] =	sst s1  }
0xa: {  	[smem:$0x3F99] =	sst s2  }
0xb: {  	[smem:$0x3F9A] =	sst s3  }
0xc: {  	[smem:$0x3F9B] =	sst s4  }
0xd: {  	[smem:$0x3F9C] =	sst s5  }
0xe: {  	[smem:$0x3F9D] =	sst s6  }
0xf: {  	[smem:$0x3F9E] =	sst s7  }
0x10: {  	[smem:$0x3F9F] =	sst s8  }
0x11: {  	[smem:$0x3FA0] =	sst s9;
	s0 =	simm.s32 @!p0 $0x0  }
0x12: {  	s1 =	sld [smem:$0x3F86];
	s0 =	simm.s32 @p0 $0x1  }
0x13: {  	[smem:$0x3FA1] =	sst s0;
	s0 =	simm.s32 @!p1 $0x0  }
0x14: {  	s2 =	sld [smem:$0x3F85];
	s0 =	simm.s32 @p1 $0x1  }
0x15: {  	[smem:$0x3FA2] =	sst s0;
	s0 =	simm.s32 @!p2 $0x0  }
0x16: {  	s3 =	sld [smem:$0x3FDB];
	s0 =	simm.s32 @p2 $0x1  }
0x17: {  	s4 =	simm.s32 $0x1BF5;
	[smem:$0x3FA4] =	sst s0  }
0x18: {  	s0 =	sld [smem:$0x3F87];
	_ =	swait.ge [sflag:s4], $0x0  }
0x19: {  	s7 =	sld [smem:$0x3F88]  }
0x1a: {  	s8 =	sadd.s32 $0xFFFFE003, lr  }
0x1b: {  	s9 =	sadd.s32 $0xFFFFFEF7, lr;
	s5 =	simm.s32 $0xFFFFFFFF;
	p2 =	slt.u32 s8, $0xFFFFF086  }
0x1c: {  	p1 =	slt.u32 s9, $0xF7A;
	s5 =	simm.s32 @!p2 $0x0  }
0x1d: {  	s5 =	simm.s32 @p1 $0x1;
	p0 =	seq.s32 s7, s2  }
0x1e: {  	s7 =	smul.u32 @!p0 $0xF7A, s2;
	p2 =	seq.s32 @!p0 s5, $0x0  }
0x1f: {  	s9 =	smul.u32 $0xF7A, s1;
	s8 =	simm.s32 @!p0 $0x1BF5;
	p2 =	por !p2, p0  }
0x20: {  	[sflag:s8] =	ssyncset.s32 @!p0 $0xFFFFF086;
	s6 =	sadd.s32 @!p0 s3, s7;
	s7 =	simm.s32 @!p0 $0x108  }
0x21: {  	s3 =	sadd.s32 s3, s9;
	s6 =	sadd.s32 @!p0 $0x88, s6;
	s7 =	simm.s32 @p2 $0x1082  }
0x22: {  	[simem:s7], [sflag:s8] =	dma.local @!p0 [hbm:s6], $0xF7A  }
0x23: {  	s9 =	sor.u32 $0xD0000000, s2;
	s6 =	simm.s32 $0x108;
	_ =	swait.ge @!p0 [sflag:s8], $0x0  }
0x24: {  	s3 =	sadd.s32 $0x88, s3;
	s6 =	simm.s32 @!p1 $0x1082;
	[sflag:s4] =	ssyncset.s32 $0xFFFFF086  }
0x25: {  	[simem:s6], [sflag:s4] =	dma.local [hbm:s3], $0xF7A  }
0x26: {  	[smem:$0x3F88] =	sst s1;
	(tag) =	ssettag s2;
	_ =	strace s9  }
0x27: {  	s1 =	sld [smem:$0x3F98]  }
0x28: {  	s2 =	sld [smem:$0x3F99]  }
0x29: {  	s4 =	sld [smem:$0x3F9B]  }
0x2a: {  	p0 =	seq.s32 s5, $0x0;
	s5 =	sld [smem:$0x3F9C]  }
0x2b: {  	s6 =	sld [smem:$0x3F9D]  }
0x2c: {  	s7 =	sld [smem:$0x3F9E]  }
0x2d: {  	s3 =	simm.s32 $0x108;
	s8 =	sld [smem:$0x3F9F]  }
0x2e: {  	s3 =	simm.s32 @!p0 $0x1082;
	s9 =	sld [smem:$0x3FA0]  }
0x2f: {  	lr =	sadd.s32 s0, s3;
	s0 =	sld [smem:$0x3F97]  }
0x30: {  	s3 =	sld [smem:$0x3F9A]  }
0x31: {  	[smem:$0x3FA3] =	sst s10  }
0x32: {  	s10 =	sld [smem:$0x3FA1];
	_ =	sdelay $0x3  }
0x33: {  	p0 =	seq.s32 s10, $0x1;
	s10 =	sld [smem:$0x3FA3];
	_ =	sdelay $0x3  }
0x34: {  	[smem:$0x3FA3] =	sst s10  }
0x35: {  	s10 =	sld [smem:$0x3FA2];
	_ =	sdelay $0x3  }
0x36: {  	p1 =	seq.s32 s10, $0x1;
	s10 =	sld [smem:$0x3FA3];
	_ =	sdelay $0x3  }
0x37: {  	[smem:$0x3FA3] =	sst s10  }
0x38: {  	s10 =	sld [smem:$0x3FA4]  }
0x39: {  	_ = 	snop;
	(pc) =	sbr.ind lr, $3  }
0x3a: {  	_ = 	snop  }
0x3b: {  	_ = 	snop  }
0x3c: {  	p2 =	seq.s32 s10, $0x1;
	s10 =	sld [smem:$0x3FA3]  }
0x3d: {  	_ =	shalt  }
0x3e: {  	_ =	shalt  }
0x3f: {  	_ =	shalt  }
0x40: {  	_ =	shalt  }
0x41: {  	_ =	shalt  }
0x42: {  	_ =	shalt  }
0x43: {  	_ =	shalt  }
0x44: {  	_ =	shalt  }
0x45: {  	_ =	shalt  }
0x46: {  	_ =	shalt  }
0x47: {  	_ =	shalt  }
0x48: {  	_ =	shalt  }
0x49: {  	_ =	shalt  }
0x4a: {  	_ =	shalt  }
0x4b: {  	_ =	shalt  }
0x4c: {  	_ =	shalt  }
0x4d: {  	_ =	shalt  }
0x4e: {  	_ =	shalt  }
0x4f: {  	_ =	shalt  }
0x50: {  	_ =	shalt  }
0x51: {  	_ =	shalt  }
0x52: {  	_ =	shalt  }
0x53: {  	_ =	shalt  }
0x54: {  	_ =	shalt  }
0x55: {  	_ =	shalt  }
0x56: {  	_ =	shalt  }
0x57: {  	_ =	shalt  }
0x58: {  	_ =	shalt  }
0x59: {  	_ =	shalt  }
0x5a: {  	_ =	shalt  }
0x5b: {  	_ =	shalt  }
0x5c: {  	_ =	shalt  }
0x5d: {  	_ =	shalt  }
0x5e: {  	_ =	shalt  }
0x5f: {  	_ =	shalt  }
0x60: {  	_ =	shalt  }
0x61: {  	_ =	shalt  }
0x62: {  	_ =	shalt  }
0x63: {  	_ =	shalt  }
0x64: {  	_ =	shalt  }
0x65: {  	_ =	shalt  }
0x66: {  	_ =	shalt  }
0x67: {  	_ =	shalt  }
0x68: {  	_ =	shalt  }
0x69: {  	_ =	shalt  }
0x6a: {  	_ =	shalt  }
0x6b: {  	_ =	shalt  }
0x6c: {  	_ =	shalt  }
0x6d: {  	_ =	shalt  }
0x6e: {  	_ =	shalt  }
0x6f: {  	_ =	shalt  }
0x70: {  	_ =	shalt  }
0x71: {  	_ =	shalt  }
0x72: {  	_ =	shalt  }
0x73: {  	_ =	shalt  }
0x74: {  	_ =	shalt  }
0x75: {  	_ =	shalt  }
0x76: {  	_ =	shalt  }
0x77: {  	_ =	shalt  }
0x78: {  	_ =	shalt  }
0x79: {  	_ =	shalt  }
0x7a: {  	_ =	shalt  }
0x7b: {  	_ =	shalt  }
0x7c: {  	_ =	shalt  }
0x7d: {  	_ =	shalt  }
0x7e: {  	_ =	shalt  }
0x7f: {  	_ =	shalt  }
0x80: {  	_ =	shalt  }
0x81: {  	_ =	shalt  }
0x82: {  	_ =	shalt  }
0x83: {  	_ =	shalt  }
0x84: {  	_ =	shalt  }
0x85: {  	_ =	shalt  }
0x86: {  	_ =	shalt  }
0x87: {  	_ =	shalt  }
.Lfunc_end0:
.L_simem_size_0:
called_computation.2_lowered:
.L_overlay_start_0:
0x88: {  	s2 =	sld [smem:$0x3FD9]  }
0x89: {  	s3 =	sld [smem:$0x3FFE];
	_ =	sdelay $0x1  }
0x8a: {  	s1 =	srdreg.scid  }
0x8b: {  	s0 =	sand.u32 $0x1, s1  }
0x8c: {  	s16 =	sshll.u32 s0, $0xA;
	s2 =	sadd.s32 s3, s2  }
0x8d: {  	s2 =	sadd.s32 s2, s16  }
0x8e: {  	[smem:$0x3FAF] =	sst s2  }
0x8f: {  	_ = 	snop  }
0x90: {  	(tm) =	ssettm $0x1  }
0x91: {  	s17 =	sld [smem:$0x3FFB];
	_ =	sdelay $0x3  }
0x92: {  	_ =	strace s17  }
0x93: {  	s2 =	sld [smem:$0x3FFC];
	_ =	sdelay $0x3  }
0x94: {  	_ =	strace s2  }
0x95: {  	s2 =	sld [smem:$0x3FFD];
	_ =	sdelay $0x3  }
0x96: {  	_ =	strace s2  }
0x97: {  	_ =	strace $0x8FFFFFFF  }
0x98: {  	s18 =	sld [smem:$0x3FDB];
	_ =	sdelay $0x1  }
0x99: {  	s19 =	simm.s32 $_scs_section_size  }
0x9a: {  	s4 =	simm.s32 $_size__tile_overlayer_lowered;
	s5 =	simm.s32 $_tile_overlayer_lowered  }
0x9b: {  	s22 =	simm.s32 $0x1BFF;
	s21 =	sshll.u32 s5, $0x1;
	s2 =	sadd.s32 s19, s18  }
0x9c: {  	s6 =	simm.s32 $0x0;
	s20 =	sshll.u32 s4, $0x1;
	s4 =	sadd.s32 s21, s2  }
0x9d: {  	[timem:s6], [sflag:s22] =	dma.local [hbm:s4], s20  }
0x9e: {  	_ =	swait.ge [sflag:s22], s20  }
0x9f: {  	s3 =	ssub.s32 $0x0, s20;
	[sflag:s22] =	ssyncset.done $0x0  }
0xa0: {  	[sflag:s22] =	ssyncadd.s32 s3;
	_ =	sdelay $0x1  }
0xa1: {  	s23 =	simm.s32 $0x1B8B  }
0xa2: {  	_ =	swait.ge [sflag:s23], $0x1  }
0xa3: {  	[sflag:s23] =	ssyncset.done $0x0  }
0xa4: {  	s25 =	simm.s32 $0x1B8E;
	s24 =	sld [smem:$0x3FFE];
	[sflag:s23] =	ssyncadd.s32 $0xFFFFFFFF  }
0xa5: {  	s26 =	simm.s32 $execute0_lowered;
	[smem:$0x3FD2] =	sst s25  }
0xa6: {  	s4 =	sshll.u32 s26, $0x1;
	_ =	strace $0x80000053;
	[dreg:$0x1] =	wrdreg $0xFFFFFFFF  }
0xa7: {  	s28 =	simm.s32 $_size_execute0_lowered;
	s2 =	sadd.s32 s2, s4;
	[dreg:$0x0] =	wrdreg $0x0  }
0xa8: {  	s4 =	sshll.u32 s28, $0x1;
	[dreg:$0x2] =	wrdreg s2  }
0xa9: {  	[dreg:$0x3] =	wrdreg s4  }
0xaa: {  	[dreg:$0x4] =	wrdreg $0xC0  }
0xab: {  	_ =	task [dreg:s6], $0x5FFFF  }
0xac: {  	[dreg:$0x1] =	wrdreg $0xFFFFFFFF  }
0xad: {  	[dreg:$0x0] =	wrdreg $0x60  }
0xae: {  	[dreg:$0x2] =	wrdreg s24  }
0xaf: {  	[dreg:$0x3] =	wrdreg $0x9  }
0xb0: {  	_ =	task.clear_ibuf [dreg:s6], $0x4FFFF;
	_ =	strace $0x90000053  }
0xb1: {  	s29 =	simm.s32 $0x9;
	_ =	strace $0x8000005C  }
0xb2: {  	_ =	swait.ge [sflag:s29], $0x1  }
0xb3: {  	[sflag:s29] =	ssyncadd.s32 $0xFFFFFFFF  }
0xb4: {  	_ =	strace $0x9000005C  }
0xb5: {  	_ =	sfence  }
0xb6: {  	s30 =	sld [smem:$0x0];
	_ =	sdelay $0x2  }
0xb7: {  	s31 =	sshll.u32 s1, $0xD;
	s1 =	sshrl.u32 s1, $0x2  }
0xb8: {  	s3 =	sand.u32 $0x4000, s31;
	s1 =	sadd.s32 s1, s30  }
0xb9: {  	s0 =	sor.u32 s3, s0;
	s1 =	sshll.u32 s1, $0x11  }
0xba: {  	s0 =	sor.u32 s1, s0  }
0xbb: {  	s0 =	sadd.s32 $0x8F2B, s0  }
0xbc: {  	[sflag:s0] =	ssyncadd.remote.s32 $0x1  }
0xbd: {  	_ =	sfence.sel $0xFFFF  }
0xbe: {  	[dreg:$0x0] =	wrdreg $0xFFFFFFFF;
	(pc) =	sbr.abs _section_cstart, $3  }
0xbf: {  	[dreg:$0x1] =	wrdreg $0xFFFFFFFF  }
0xc0: {  	_ =	task.clear_ibuf [dreg:s6], $0x2FFFF;
	_ =	strace $0x9FFFFFFF  }
0xc1: {  	(tm) =	ssettm $0x7FFFFFFF  }
tec
execute0_lowered:
.L_overlay_start_1:
0x0: {  	(tag) =	ssettag $0x1  }
0x1: {  	s0 =	srdreg.scid;
	s6 =	rddreg [dreg:$0x0]  }
0x2: {  	s29 =	stileid.u32;
	s2 =	simm.s32 $0x0;
	s5 =	sand.u32 $0x1, s0  }
0x3: {  	s10 =	simm.s32 $0x640;
	s11 =	simm.s32 $0x5;
	s3 =	sshll.u32 s5, $0x4  }
0x4: {  	[smem:$0x7FF] =	sst s2;
	s7 =	sadd.s32 $0x345400, s6;
	s3 =	sor.u32 s29, s3  }
0x5: {  	s12 =	simm.s32 $0x0;
	_ =	strace $0x80000054;
	s4 =	smul.u32 $0x1F, s3  }
0x6: {  	[dreg:$0x2] =	wrdreg s7;
	s30 =	ssub.s32 $0x2, s5;
	s5 =	simm.s32 $0x20  }
0x7: {  	p0 =	slt.u32 s3, $0x8;
	s8 =	sshll.u32 s3, $0x5;
	s3 =	sadd.s32 $0x8, s4  }
0x8: {  	s31 =	sshrl.u32 s30, $0x1;
	s4 =	sadd.s32 $0x312600, s6;
	s3 =	smov.u32 @p0 s8  }
0x9: {  	s5 =	simm.s32 @!p0 $0x1F;
	s6 =	sadd.s32 $0x35DC00, s6;
	s8 =	smul.u32 $0xC8, s3  }
0xa: {  	s9 =	ssub.s32 s30, s31;
	s7 =	sadd.s32 $0xFFFFFFFF, s5;
	[dreg:$0x3] =	wrdreg s6  }
0xb: {  	s6 =	sadd.s32 s4, s8;
	s8 =	smax.u32 s9, $0x1;
	s9 =	simm.s32 $0x1  }
.LBB2_1:
0xc: {  	_ =	strace $0x80000055  }
0xd: {  	p0 =	seq.s32 s5, $0x1;
	s14 =	simm.s32 $0x1;
	p1 =	sne.s32 s5, $0x1  }
0xe: {  	[tilespmem:s2], [sflag:$0x1] =	stream.linear.gather [hbm4b:s6+s2], $0x640, $0x200038;
	[tilespmem:$0xD480] =	vst v63  }
.Ltmp0:
0xf: {  	s14 =	simm.s32 @p0 $0x0;
	(pc) =	sbr.rel @!p1 .LBB2_2-.Ltmp0, $4  }
0x10: {  	p6 =	sgt.s32 s7, $0x0;
	s13 =	simm.s32 $0x1;
	p3 =	sne.s32 s14, $0x0  }
0x11: {  	s15 =	simm.s32 $0x1;
	_ =	strace $0x90000055;
	p0 =	por !p6, !p3  }
0x12: {  	p6 =	por $0x0, $0x0;
	p4 =	por !p0, !p0;
	p0 =	por $0x1, $0x1  }
0x13: {  	s25 =	sadd.s32 @p4 s3, s14;
	s15 =	simm.s32 @!p4 $0x0;
	s24 =	sand.u32 @p4 $0x1, s9  }
0x14: {  	s16 =	smul.u32 @p4 $0x640, s25  }
0x15: {  	s17 =	smul.u32 @p4 $0x1900, s24;
	s18 =	sadd.s32 @p4 $0x1, s24;
	s19 =	simm.s32 @p4 $0x0  }
0x16: {  	_ =	strace @p4 $0x80000056;
	s22 =	sand.u32 $0x1, s2;
	p1 =	por p3, p3  }
0x17: {  	p5 =	sne.s32 s5, $0x2;
	p2 =	por p0, p0;
	s24 =	simm.s32 $0x640  }
0x18: {  	p6 =	seq.s32 s7, $0x0;
	s31 =	simm.s32 $0x1;
	s25 =	sadd.s32 $0x1, s22  }
0x19: {  	p3 =	seq.s32 s22, $0x1;
	s26 =	smul.u32 $0x19000, s22;
	s16 =	sshrl.u32 @p4 s16, $0x3  }
0x1a: {  	p1 =	por p6, p1;
	s17 =	sshrl.u32 @p4 s17, $0x2;
	s16 =	sadd.s32 @p4 s4, s16  }
0x1b: {  	[tilespmem:s17], [sflag:s18] =	stream.linear.gather @p4 [hbm4b:s16+s19], $0x640, $0x200038;
	[tilespmem:$0xD480] =	vst v63  }
0x1c: {  	s24 =	simm.s32 @!p3 $0x0;
	s28 =	simm.s32 @p1 $0x0;
	_ =	strace @p4 $0x90000056  }
0x1d: {  	s19 =	sand.u32 @!p0 $0x1, s2;
	s16 =	sadd.s32 $0x1, s15;
	_ =	strace $0x80000057  }
0x1e: {  	s17 =	simm.s32 $0x2;
	s18 =	sadd.s32 $0x0, s3;
	_ =	swait.ge [sflag:s25], $0x640  }
0x1f: {  	s15 =	sshrl.u32 s26, $0x2;
	p0 =	por $0x0, $0x0;
	[sflag:s25] =	ssyncset.done $0x0  }
0x20: {  	s20 =	sadd.s32 @!p2 $0x3, s19;
	s19 =	sadd.s32 $0x1, s14;
	[sflag:s25] =	ssyncadd.s32 $0xFFFFF9C0  }
0x21: {  	s23 =	sadd.s32 $0xC80, s15;
	s15 =	simm.s32 $0x1;
	_ =	strace $0x90000057  }
0x22: {  	s30 =	smul.u32 @p1 $0x6400, s18;
	s18 =	simm.s32 $0x0;
	_ =	strace $0x80000058  }
0x23: {  	s15 =	simm.s32 @!p0 $0x0;
	p4 =	seq.s32 s19, s5;
	s21 =	rddreg [dreg:$0x2]  }
0x24: {  	[tilespmem:s23], [sflag:$0x5] =	stream.indirect.gather [hbm4b:s21+s10], $0x10, s24, s10, $0x2000b8;
	[tilespmem:$0xD480] =	vst v63  }
0x25: {  	s19 =	simm.s32 @p4 $0x0;
	p4 =	sgt.s32 s7, $0x1;
	_ =	swait.ge [sflag:s11], $0x6400  }
.Ltmp1:
0x26: {  	p3 =	sne.s32 s14, s19;
	[sflag:s11] =	ssyncset.done $0x0;
	(pc) =	sbr.rel @!p5 .LBB2_4-.Ltmp1, $4  }
0x27: {  	p0 =	por $0x0, $0x0;
	p4 =	por !p4, !p3;
	[sflag:s11] =	ssyncadd.s32 $0xFFFF9C00  }
0x28: {  	s15 =	sadd.s32 $0x0, s15;
	p4 =	por !p4, !p4;
	_ =	strace $0x90000058  }
0x29: {  	s25 =	sadd.s32 @p4 s3, s19;
	s31 =	simm.s32 @!p4 $0x0;
	_ =	strace @p1 $0x80000059  }
0x2a: {  	s24 =	sand.u32 @p4 $0x1, s16;
	s21 =	simm.s32 $0x0;
	s29 =	rddreg [dreg:$0x3]  }
.LBB2_5:
0x2b: {  	s0 =	smul.u32 @p4 $0x640, s25;
	s26 =	sand.u32 @!p0 $0x1, s15  }
0x2c: {  	s22 =	sadd.s32 @p1 $0x3, s22;
	s25 =	smov.u32 s13;
	s30 =	sshrl.u32 @p1 s30, $0x3  }
0x2d: {  	s13 =	smov.u32 s17;
	s1 =	smov.u32 s14;
	s29 =	sadd.s32 @p1 s29, s30  }
0x2e: {  	[hbm4b:s29+s28] =	stream.linear.scatter @p1 [tilespmem:s23], [sflag:s22], $0x6400, $0x200038;
	[tilespmem:$0xD480] =	vst v63  }
0x2f: {  	p5 =	por p3, p3;
	s14 =	smul.u32 @p4 $0x1900, s24;
	_ =	strace @p1 $0x90000059  }
0x30: {  	s16 =	sadd.s32 s31, s16;
	s17 =	sadd.s32 $0x1, s17;
	_ =	strace @!p2 $0x8000005A  }
0x31: {  	s31 =	simm.s32 $0x1;
	p6 =	sne.s32 s5, s17;
	_ =	swait.ge @!p2 [sflag:s20], $0x6400  }
0x32: {  	s0 =	sshrl.u32 @p4 s0, $0x3;
	s30 =	simm.s32 $0x1;
	[sflag:s20] =	ssyncset.done @!p2 $0x0  }
0x33: {  	s30 =	simm.s32 @!p1 $0x0;
	s23 =	sshrl.u32 @p4 s14, $0x2;
	[sflag:s20] =	ssyncadd.s32 @!p2 $0xFFFF9C00  }
0x34: {  	s0 =	sadd.s32 @p4 s4, s0;
	s21 =	sadd.s32 s30, s21;
	_ =	strace @!p2 $0x9000005A  }
0x35: {  	s20 =	sadd.s32 @p4 $0x1, s24;
	s24 =	simm.s32 @p4 $0x0;
	_ =	strace @p4 $0x80000056  }
0x36: {  	[tilespmem:s23], [sflag:s20] =	stream.linear.gather @p4 [hbm4b:s0+s24], $0x640, $0x200038;
	[tilespmem:$0xD480] =	vst v63  }
0x37: {  	s1 =	sadd.s32 s3, s1;
	s22 =	sand.u32 $0x1, s21;
	_ =	strace @p4 $0x90000056  }
0x38: {  	p1 =	seq.s32 s22, $0x1;
	s22 =	sadd.s32 $0x1, s22;
	_ =	strace $0x80000057  }
0x39: {  	p3 =	sne.s32 s25, $0x0;
	s14 =	smov.u32 s19;
	_ =	swait.ge [sflag:s22], $0x640  }
0x3a: {  	s19 =	sadd.s32 $0x1, s19;
	s18 =	sadd.s32 s30, s18;
	[sflag:s22] =	ssyncset.done $0x0  }
0x3b: {  	p2 =	por p0, p0;
	[sflag:s22] =	ssyncadd.s32 $0xFFFFF9C0;
	s22 =	sand.u32 $0x1, s18  }
0x3c: {  	s20 =	sadd.s32 @!p2 $0x3, s26;
	s26 =	simm.s32 $0x640;
	s23 =	smul.u32 $0x19000, s22  }
0x3d: {  	p0 =	seq.s32 s13, $0x0;
	s26 =	simm.s32 @!p1 $0x0;
	p1 =	seq.s32 s7, s25  }
0x3e: {  	p4 =	slt.s32 s13, s7;
	_ =	strace $0x90000057;
	s0 =	sshrl.u32 s23, $0x2  }
0x3f: {  	_ =	strace $0x80000058;
	s23 =	sadd.s32 $0xC80, s0;
	s0 =	simm.s32 $0x1  }
0x40: {  	s24 =	rddreg [dreg:$0x2];
	s0 =	simm.s32 @!p3 $0x0;
	p3 =	seq.s32 s19, s5  }
0x41: {  	[tilespmem:s23], [sflag:$0x5] =	stream.indirect.gather [hbm4b:s24+s10], $0x10, s26, s10, $0x2000b8;
	[tilespmem:$0xD480] =	vst v63  }
0x42: {  	p1 =	por p1, p5;
	s19 =	simm.s32 @p3 $0x0;
	_ =	swait.ge [sflag:s11], $0x6400  }
.Ltmp2:
0x43: {  	p3 =	sne.s32 s14, s19;
	[sflag:s11] =	ssyncset.done $0x0;
	(pc) =	sbr.rel @p6 .LBB2_5-.Ltmp2, $4  }
0x44: {  	s28 =	simm.s32 @p1 $0x0;
	p4 =	por !p4, !p3;
	[sflag:s11] =	ssyncadd.s32 $0xFFFF9C00  }
0x45: {  	s30 =	smul.u32 @p1 $0x6400, s1;
	p4 =	por !p4, !p4;
	_ =	strace $0x90000058  }
0x46: {  	s15 =	sadd.s32 s0, s15;
	s25 =	sadd.s32 @p4 s3, s19;
	_ =	strace @p1 $0x80000059  }
0x47: {  	s31 =	simm.s32 @!p4 $0x0;
	s24 =	sand.u32 @p4 $0x1, s16;
	s29 =	rddreg [dreg:$0x3]  }
0x48: {  	p6 =	por $0x1, $0x1  }
.LBB2_7:
0x49: {  	p5 =	por !p1, !p6  }
0x4a: {  	s0 =	sshrl.u32 @!p5 s30, $0x3  }
0x4b: {  	s1 =	sadd.s32 @!p5 $0x3, s22;
	s0 =	sadd.s32 @!p5 s29, s0  }
0x4c: {  	[hbm4b:s0+s28] =	stream.linear.scatter @!p5 [tilespmem:s23], [sflag:s1], $0x6400, $0x200038;
	[tilespmem:$0xD480] =	vst v63  }
0x4d: {  	p1 =	por p2, !p6;
	_ =	strace @!p5 $0x90000059  }
0x4e: {  	s16 =	smul.u32 @p4 $0x1900, s24;
	s19 =	simm.s32 $0x0;
	_ =	strace @!p1 $0x8000005A  }
0x4f: {  	s0 =	smul.u32 @p4 $0x640, s25;
	s1 =	simm.s32 $0x1;
	_ =	swait.ge @!p1 [sflag:s20], $0x6400  }
0x50: {  	s16 =	sshrl.u32 @p4 s16, $0x2;
	s1 =	simm.s32 @p5 $0x0;
	[sflag:s20] =	ssyncset.done @!p1 $0x0  }
0x51: {  	s17 =	sadd.s32 @p6 s1, s21;
	s0 =	sshrl.u32 @p4 s0, $0x3;
	[sflag:s20] =	ssyncadd.s32 @!p1 $0xFFFF9C00  }
0x52: {  	s19 =	smov.u32 @p6 s17;
	s0 =	sadd.s32 @p4 s4, s0;
	_ =	strace @!p1 $0x9000005A  }
0x53: {  	s17 =	sadd.s32 @p4 $0x1, s24;
	s20 =	simm.s32 @p4 $0x0;
	_ =	strace @p4 $0x80000056  }
0x54: {  	[tilespmem:s16], [sflag:s17] =	stream.linear.gather @p4 [hbm4b:s0+s20], $0x640, $0x200038;
	[tilespmem:$0xD480] =	vst v63  }
0x55: {  	s1 =	sadd.s32 @p6 s1, s18;
	s25 =	sand.u32 $0x1, s19;
	_ =	strace @p4 $0x90000056  }
0x56: {  	s26 =	sadd.s32 $0x1, s25;
	s17 =	simm.s32 $0x0;
	_ =	strace $0x80000057  }
0x57: {  	s17 =	smov.u32 @p6 s1;
	_ =	swait.ge [sflag:s26], $0x640  }
0x58: {  	s1 =	sand.u32 $0x1, s17;
	[sflag:s26] =	ssyncset.done $0x0  }
0x59: {  	s28 =	smul.u32 $0x19000, s1;
	[sflag:s26] =	ssyncadd.s32 $0xFFFFF9C0  }
0x5a: {  	p1 =	seq.s32 s25, $0x1;
	_ =	strace $0x90000057  }
0x5b: {  	s16 =	simm.s32 $0x640;
	s30 =	sshrl.u32 s28, $0x2;
	_ =	strace $0x80000058  }
0x5c: {  	s16 =	simm.s32 @!p1 $0x0;
	s0 =	sadd.s32 $0xC80, s30;
	s29 =	rddreg [dreg:$0x2]  }
0x5d: {  	[tilespmem:s0], [sflag:$0x5] =	stream.indirect.gather [hbm4b:s29+s10], $0x10, s16, s10, $0x2000b8;
	[tilespmem:$0xD480] =	vst v63  }
0x5e: {  	_ =	swait.ge [sflag:s11], $0x6400  }
0x5f: {  	p5 =	por p3, p3;
	p6 =	seq.s32 s7, s13;
	[sflag:s11] =	ssyncset.done $0x0  }
0x60: {  	s14 =	sadd.s32 s3, s14;
	p1 =	por p6, p5;
	[sflag:s11] =	ssyncadd.s32 $0xFFFF9C00  }
0x61: {  	s14 =	smul.u32 @p1 $0x6400, s14;
	_ =	strace $0x90000058  }
0x62: {  	_ =	strace @p1 $0x80000059  }
0x63: {  	s14 =	sshrl.u32 @p1 s14, $0x3;
	s16 =	rddreg [dreg:$0x3]  }
0x64: {  	s17 =	simm.s32 @p1 $0x0;
	s1 =	sadd.s32 @p1 $0x3, s1;
	s14 =	sadd.s32 @p1 s16, s14  }
0x65: {  	[hbm4b:s14+s17] =	stream.linear.scatter @p1 [tilespmem:s0], [sflag:s1], $0x6400, $0x200038;
	[tilespmem:$0xD480] =	vst v63  }
0x66: {  	s0 =	sand.u32 @!p0 $0x1, s15;
	p0 =	por p0, p0;
	_ =	strace @p1 $0x90000059  }
0x67: {  	s0 =	sadd.s32 @!p0 $0x3, s0;
	_ =	strace @!p0 $0x8000005A  }
0x68: {  	s1 =	simm.s32 $0x1;
	p1 =	sne.s32 s13, $0x0;
	_ =	swait.ge @!p0 [sflag:s0], $0x6400  }
0x69: {  	s1 =	simm.s32 @!p1 $0x0;
	[sflag:s0] =	ssyncset.done @!p0 $0x0  }
0x6a: {  	s12 =	sadd.s32 $0x1, s12;
	s1 =	sadd.s32 s1, s15;
	[sflag:s0] =	ssyncadd.s32 @!p0 $0xFFFF9C00  }
0x6b: {  	s31 =	sand.u32 $0x1, s1;
	_ =	strace @!p0 $0x9000005A;
	p0 =	sne.s32 s12, s8  }
.Ltmp3:
0x6c: {  	s0 =	sadd.s32 $0x3, s31;
	_ =	strace $0x8000005B;
	(pc) =	sbr.rel @p0 .LBB2_1-.Ltmp3, $4  }
.Ltmp4:
0x6d: {  	_ =	swait.ge [sflag:s0], $0x6400;
	(pc) =	sbr.rel @!p0 .LBB2_8-.Ltmp4, $4  }
0x6e: {  	[sflag:s0] =	ssyncset.done $0x0  }
0x6f: {  	[sflag:s0] =	ssyncadd.s32 $0xFFFF9C00  }
0x70: {  	_ =	strace $0x9000005B  }
0x71: {  	_ = 	snop  }
.LBB2_2:
.Ltmp5:
0x72: {  	(pc) =	sbr.rel .LBB2_7-.Ltmp5, $3  }
0x73: {  	_ =	sdelay $0x1  }
0x74: {  	s15 =	simm.s32 $0x0;
	s13 =	simm.s32 $0x0  }
0x75: {  	s14 =	simm.s32 $0x0;
	s18 =	simm.s32 $0x0;
	s21 =	simm.s32 $0x0  }
.LBB2_4:
.Ltmp6:
0x76: {  	(pc) =	sbr.rel .LBB2_7-.Ltmp6, $2  }
0x77: {  	_ =	sdelay $0x2  }
0x78: {  	s18 =	simm.s32 $0x0;
	s21 =	simm.s32 $0x0;
	p6 =	por $0x1, $0x1  }
.LBB2_8:
0x79: {  	_ =	sfence.sel $0x180000  }
0x7a: {  	[bflag:$0x0] =	sbarrier.arrive $0xFFFF  }
0x7b: {  	_ =	strace $0x90000054  }
0x7c: {  	s0 =	stileid.u32;
	[bflag:$0x2] =	sbarrier.arrive $0xFFFF  }
0x7d: {  	p0 =	sne.s32 s0, $0x0;
	s0 =	rddreg [dreg:$0x1]  }
0x7e: {  	s0 =	sadd.s32 @!p0 $0x100000, s0  }
0x7f: {  	[sflag:s0] =	ssyncadd.tile.s32 @!p0 $0x1;
	_ =	shalt  }
.Lfunc_end2:
_tile_overlayer_lowered:
.L_overlay_start_2:
0x80: {  	(tag) =	ssettag $0x2  }
0x81: {  	s0 =	rddreg [dreg:$0x0];
	s2 =	stileid.u32  }
0x82: {  	s1 =	rddreg [dreg:$0x1];
	p0 =	sne.s32 s2, $0x0  }
0x83: {  	s3 =	rddreg [dreg:$0x2];
	[bflag:$0x3] =	sbarrier.arrive $0xFFFF;
	s2 =	simm.s32 @!p0 $0x1C01  }
0x84: {  	[timem:s3], [sflag:s2] =	dma.local @!p0 [hbm:s0], s1  }
0x85: {  	s0 =	simm.s32 @!p0 $0x1  }
0x86: {  	_ =	swait.ge @!p0 [sflag:s0], s1  }
0x87: {  	s1 =	ssub.s32 @!p0 $0x0, s1;
	[sflag:s0] =	ssyncset.done @!p0 $0x0  }
0x88: {  	[sflag:s0] =	ssyncadd.s32 @!p0 s1  }
0x89: {  	[bflag:$0x3] =	sbarrier.arrive $0xFFFF  }
0x8a: {  	_ =	shalt  }

// kernel: kernel.7.cloned.1.call-start
scs
__scs_entry_jumppad:
0x0: {  	(pc) =	sbr.rel $0x88, $3  }
0x1: {  	(tag) =	ssettag $0x0;
	lr =	simm.s32 $0x1  }
0x2: {  	[smem:$0x3F88] =	sst lr;
	_ =	strace $0xD0000000  }
0x3: {  	_ = 	snop  }
0x4: {  	_ = 	snop  }
0x5: {  	_ = 	snop  }
0x6: {  	_ = 	snop  }
0x7: {  	_ = 	snop  }
__scs_overlays_trampoline_lowered:
0x8: {  	[smem:$0x3F97] =	sst s0  }
0x9: {  	[smem:$0x3F98] =	sst s1  }
0xa: {  	[smem:$0x3F99] =	sst s2  }
0xb: {  	[smem:$0x3F9A] =	sst s3  }
0xc: {  	[smem:$0x3F9B] =	sst s4  }
0xd: {  	[smem:$0x3F9C] =	sst s5  }
0xe: {  	[smem:$0x3F9D] =	sst s6  }
0xf: {  	[smem:$0x3F9E] =	sst s7  }
0x10: {  	[smem:$0x3F9F] =	sst s8  }
0x11: {  	[smem:$0x3FA0] =	sst s9;
	s0 =	simm.s32 @!p0 $0x0  }
0x12: {  	s1 =	sld [smem:$0x3F86];
	s0 =	simm.s32 @p0 $0x1  }
0x13: {  	[smem:$0x3FA1] =	sst s0;
	s0 =	simm.s32 @!p1 $0x0  }
0x14: {  	s2 =	sld [smem:$0x3F85];
	s0 =	simm.s32 @p1 $0x1  }
0x15: {  	[smem:$0x3FA2] =	sst s0;
	s0 =	simm.s32 @!p2 $0x0  }
0x16: {  	s3 =	sld [smem:$0x3FDB];
	s0 =	simm.s32 @p2 $0x1  }
0x17: {  	s4 =	simm.s32 $0x1BF5;
	[smem:$0x3FA4] =	sst s0  }
0x18: {  	s0 =	sld [smem:$0x3F87];
	_ =	swait.ge [sflag:s4], $0x0  }
0x19: {  	s7 =	sld [smem:$0x3F88]  }
0x1a: {  	s8 =	sadd.s32 $0xFFFFE003, lr  }
0x1b: {  	s9 =	sadd.s32 $0xFFFFFEF7, lr;
	s5 =	simm.s32 $0xFFFFFFFF;
	p2 =	slt.u32 s8, $0xFFFFF086  }
0x1c: {  	p1 =	slt.u32 s9, $0xF7A;
	s5 =	simm.s32 @!p2 $0x0  }
0x1d: {  	s5 =	simm.s32 @p1 $0x1;
	p0 =	seq.s32 s7, s2  }
0x1e: {  	s7 =	smul.u32 @!p0 $0xF7A, s2;
	p2 =	seq.s32 @!p0 s5, $0x0  }
0x1f: {  	s9 =	smul.u32 $0xF7A, s1;
	s8 =	simm.s32 @!p0 $0x1BF5;
	p2 =	por !p2, p0  }
0x20: {  	[sflag:s8] =	ssyncset.s32 @!p0 $0xFFFFF086;
	s6 =	sadd.s32 @!p0 s3, s7;
	s7 =	simm.s32 @!p0 $0x108  }
0x21: {  	s3 =	sadd.s32 s3, s9;
	s6 =	sadd.s32 @!p0 $0x88, s6;
	s7 =	simm.s32 @p2 $0x1082  }
0x22: {  	[simem:s7], [sflag:s8] =	dma.local @!p0 [hbm:s6], $0xF7A  }
0x23: {  	s9 =	sor.u32 $0xD0000000, s2;
	s6 =	simm.s32 $0x108;
	_ =	swait.ge @!p0 [sflag:s8], $0x0  }
0x24: {  	s3 =	sadd.s32 $0x88, s3;
	s6 =	simm.s32 @!p1 $0x1082;
	[sflag:s4] =	ssyncset.s32 $0xFFFFF086  }
0x25: {  	[simem:s6], [sflag:s4] =	dma.local [hbm:s3], $0xF7A  }
0x26: {  	[smem:$0x3F88] =	sst s1;
	(tag) =	ssettag s2;
	_ =	strace s9  }
0x27: {  	s1 =	sld [smem:$0x3F98]  }
0x28: {  	s2 =	sld [smem:$0x3F99]  }
0x29: {  	s4 =	sld [smem:$0x3F9B]  }
0x2a: {  	p0 =	seq.s32 s5, $0x0;
	s5 =	sld [smem:$0x3F9C]  }
0x2b: {  	s6 =	sld [smem:$0x3F9D]  }
0x2c: {  	s7 =	sld [smem:$0x3F9E]  }
0x2d: {  	s3 =	simm.s32 $0x108;
	s8 =	sld [smem:$0x3F9F]  }
0x2e: {  	s3 =	simm.s32 @!p0 $0x1082;
	s9 =	sld [smem:$0x3FA0]  }
0x2f: {  	lr =	sadd.s32 s0, s3;
	s0 =	sld [smem:$0x3F97]  }
0x30: {  	s3 =	sld [smem:$0x3F9A]  }
0x31: {  	[smem:$0x3FA3] =	sst s10  }
0x32: {  	s10 =	sld [smem:$0x3FA1];
	_ =	sdelay $0x3  }
0x33: {  	p0 =	seq.s32 s10, $0x1;
	s10 =	sld [smem:$0x3FA3];
	_ =	sdelay $0x3  }
0x34: {  	[smem:$0x3FA3] =	sst s10  }
0x35: {  	s10 =	sld [smem:$0x3FA2];
	_ =	sdelay $0x3  }
0x36: {  	p1 =	seq.s32 s10, $0x1;
	s10 =	sld [smem:$0x3FA3];
	_ =	sdelay $0x3  }
0x37: {  	[smem:$0x3FA3] =	sst s10  }
0x38: {  	s10 =	sld [smem:$0x3FA4]  }
0x39: {  	_ = 	snop;
	(pc) =	sbr.ind lr, $3  }
0x3a: {  	_ = 	snop  }
0x3b: {  	_ = 	snop  }
0x3c: {  	p2 =	seq.s32 s10, $0x1;
	s10 =	sld [smem:$0x3FA3]  }
0x3d: {  	_ =	shalt  }
0x3e: {  	_ =	shalt  }
0x3f: {  	_ =	shalt  }
0x40: {  	_ =	shalt  }
0x41: {  	_ =	shalt  }
0x42: {  	_ =	shalt  }
0x43: {  	_ =	shalt  }
0x44: {  	_ =	shalt  }
0x45: {  	_ =	shalt  }
0x46: {  	_ =	shalt  }
0x47: {  	_ =	shalt  }
0x48: {  	_ =	shalt  }
0x49: {  	_ =	shalt  }
0x4a: {  	_ =	shalt  }
0x4b: {  	_ =	shalt  }
0x4c: {  	_ =	shalt  }
0x4d: {  	_ =	shalt  }
0x4e: {  	_ =	shalt  }
0x4f: {  	_ =	shalt  }
0x50: {  	_ =	shalt  }
0x51: {  	_ =	shalt  }
0x52: {  	_ =	shalt  }
0x53: {  	_ =	shalt  }
0x54: {  	_ =	shalt  }
0x55: {  	_ =	shalt  }
0x56: {  	_ =	shalt  }
0x57: {  	_ =	shalt  }
0x58: {  	_ =	shalt  }
0x59: {  	_ =	shalt  }
0x5a: {  	_ =	shalt  }
0x5b: {  	_ =	shalt  }
0x5c: {  	_ =	shalt  }
0x5d: {  	_ =	shalt  }
0x5e: {  	_ =	shalt  }
0x5f: {  	_ =	shalt  }
0x60: {  	_ =	shalt  }
0x61: {  	_ =	shalt  }
0x62: {  	_ =	shalt  }
0x63: {  	_ =	shalt  }
0x64: {  	_ =	shalt  }
0x65: {  	_ =	shalt  }
0x66: {  	_ =	shalt  }
0x67: {  	_ =	shalt  }
0x68: {  	_ =	shalt  }
0x69: {  	_ =	shalt  }
0x6a: {  	_ =	shalt  }
0x6b: {  	_ =	shalt  }
0x6c: {  	_ =	shalt  }
0x6d: {  	_ =	shalt  }
0x6e: {  	_ =	shalt  }
0x6f: {  	_ =	shalt  }
0x70: {  	_ =	shalt  }
0x71: {  	_ =	shalt  }
0x72: {  	_ =	shalt  }
0x73: {  	_ =	shalt  }
0x74: {  	_ =	shalt  }
0x75: {  	_ =	shalt  }
0x76: {  	_ =	shalt  }
0x77: {  	_ =	shalt  }
0x78: {  	_ =	shalt  }
0x79: {  	_ =	shalt  }
0x7a: {  	_ =	shalt  }
0x7b: {  	_ =	shalt  }
0x7c: {  	_ =	shalt  }
0x7d: {  	_ =	shalt  }
0x7e: {  	_ =	shalt  }
0x7f: {  	_ =	shalt  }
0x80: {  	_ =	shalt  }
0x81: {  	_ =	shalt  }
0x82: {  	_ =	shalt  }
0x83: {  	_ =	shalt  }
0x84: {  	_ =	shalt  }
0x85: {  	_ =	shalt  }
0x86: {  	_ =	shalt  }
0x87: {  	_ =	shalt  }
.Lfunc_end0:
.L_simem_size_0:
called_computation.1_lowered:
.L_overlay_start_0:
0x88: {  	s2 =	sld [smem:$0x3FD9]  }
0x89: {  	s3 =	sld [smem:$0x3FFE];
	_ =	sdelay $0x1  }
0x8a: {  	s1 =	srdreg.scid  }
0x8b: {  	s0 =	sand.u32 $0x1, s1  }
0x8c: {  	s17 =	sshll.u32 s0, $0xA;
	s2 =	sadd.s32 s3, s2  }
0x8d: {  	s2 =	sadd.s32 s2, s17  }
0x8e: {  	[smem:$0x3FAF] =	sst s2  }
0x8f: {  	_ = 	snop  }
0x90: {  	(tm) =	ssettm $0x1  }
0x91: {  	s18 =	sld [smem:$0x3FFB];
	_ =	sdelay $0x3  }
0x92: {  	_ =	strace s18  }
0x93: {  	s2 =	sld [smem:$0x3FFC];
	_ =	sdelay $0x3  }
0x94: {  	_ =	strace s2  }
0x95: {  	s2 =	sld [smem:$0x3FFD];
	_ =	sdelay $0x3  }
0x96: {  	_ =	strace s2  }
0x97: {  	_ =	strace $0x8FFFFFFF  }
0x98: {  	s19 =	sld [smem:$0x3FDB];
	_ =	sdelay $0x1  }
0x99: {  	s20 =	simm.s32 $_scs_section_size  }
0x9a: {  	s4 =	simm.s32 $_size__tile_overlayer_lowered;
	s5 =	simm.s32 $_tile_overlayer_lowered  }
0x9b: {  	s6 =	simm.s32 $0x1BFF;
	s21 =	sshll.u32 s5, $0x1;
	s3 =	sadd.s32 s20, s19  }
0x9c: {  	s22 =	simm.s32 $0x0;
	s4 =	sshll.u32 s4, $0x1;
	s5 =	sadd.s32 s21, s3  }
0x9d: {  	[timem:s22], [sflag:s6] =	dma.local [hbm:s5], s4  }
0x9e: {  	_ =	swait.ge [sflag:s6], s4  }
0x9f: {  	s4 =	ssub.s32 $0x0, s4;
	[sflag:s6] =	ssyncset.done $0x0  }
0xa0: {  	[sflag:s6] =	ssyncadd.s32 s4;
	_ =	sdelay $0x1  }
0xa1: {  	s23 =	simm.s32 $0x1B8B  }
0xa2: {  	_ =	swait.ge [sflag:s23], $0x1  }
0xa3: {  	[sflag:s23] =	ssyncset.done $0x0  }
0xa4: {  	[sflag:s23] =	ssyncadd.s32 $0xFFFFFFFF  }
0xa5: {  	s4 =	sld [smem:$0x0]  }
0xa6: {  	s5 =	sand.u32 $0xFFFFFFFE, s1  }
0xa7: {  	p0 =	sne.s32 s1, s5  }
0xa8: {  	s5 =	sshll.u32 @p0 s5, $0xE  }
0xa9: {  	s5 =	sadd.s32 @p0 $0x11B8D, s5;
	s6 =	sshll.u32 @p0 s4, $0x11  }
0xaa: {  	s5 =	sor.u32 @p0 s6, s5  }
0xab: {  	[sflag:s5] =	ssyncadd.remote.s32 @p0 $0x1;
	_ =	sdelay $0x1  }
0xac: {  	s5 =	simm.s32 @p0 $0x1B8D  }
0xad: {  	_ =	swait.eq @p0 [sflag:s5], $0x1  }
0xae: {  	[sflag:s5] =	ssyncadd.s32 @p0 $0xFFFFFFFF  }
0xaf: {  	s6 =	sshll.u32 @!p0 s1, $0xE  }
0xb0: {  	s6 =	sor.u32 @!p0 $0x4000, s6;
	s5 =	simm.s32 @!p0 $0x1B8D  }
0xb1: {  	s4 =	sshll.u32 @!p0 s4, $0x11;
	s6 =	sadd.s32 @!p0 $0x11B8D, s6;
	_ =	swait.eq @!p0 [sflag:s5], $0x1  }
0xb2: {  	s4 =	sor.u32 @!p0 s4, s6;
	[sflag:s5] =	ssyncadd.s32 @!p0 $0xFFFFFFFF  }
0xb3: {  	s25 =	simm.s32 $0x1B8E;
	s24 =	sld [smem:$0x3FFE];
	[sflag:s4] =	ssyncadd.remote.s32 @!p0 $0x1  }
0xb4: {  	s26 =	simm.s32 $execute0_lowered;
	[smem:$0x3FD2] =	sst s25  }
0xb5: {  	s5 =	sshll.u32 s26, $0x1;
	_ =	strace $0x80000049;
	[dreg:$0x1] =	wrdreg $0xFFFFFFFF  }
0xb6: {  	s28 =	simm.s32 $_size_execute0_lowered;
	s3 =	sadd.s32 s3, s5;
	[dreg:$0x0] =	wrdreg $0x0  }
0xb7: {  	s5 =	sshll.u32 s28, $0x1;
	[dreg:$0x2] =	wrdreg s3  }
0xb8: {  	[dreg:$0x3] =	wrdreg s5  }
0xb9: {  	[dreg:$0x4] =	wrdreg $0xC0  }
0xba: {  	_ =	task [dreg:s22], $0x5FFFF  }
0xbb: {  	[dreg:$0x1] =	wrdreg $0xFFFFFFFF  }
0xbc: {  	[dreg:$0x0] =	wrdreg $0x60  }
0xbd: {  	[dreg:$0x2] =	wrdreg s24  }
0xbe: {  	[dreg:$0x3] =	wrdreg $0xA  }
0xbf: {  	_ =	task.clear_ibuf [dreg:s22], $0x4FFFF;
	_ =	strace $0x90000049  }
0xc0: {  	s29 =	simm.s32 $0xA;
	_ =	strace $0x80000052  }
0xc1: {  	_ =	swait.ge [sflag:s29], $0x1  }
0xc2: {  	[sflag:s29] =	ssyncadd.s32 $0xFFFFFFFF  }
0xc3: {  	_ =	strace $0x90000052  }
0xc4: {  	_ =	sfence  }
0xc5: {  	s30 =	sld [smem:$0x0];
	_ =	sdelay $0x2  }
0xc6: {  	s31 =	sshll.u32 s1, $0xD;
	s1 =	sshrl.u32 s1, $0x2  }
0xc7: {  	s4 =	sand.u32 $0x4000, s31;
	s1 =	sadd.s32 s1, s30  }
0xc8: {  	s0 =	sor.u32 s4, s0;
	s1 =	sshll.u32 s1, $0x11  }
0xc9: {  	s0 =	sor.u32 s1, s0  }
0xca: {  	s0 =	sadd.s32 $0x8F2B, s0  }
0xcb: {  	[sflag:s0] =	ssyncadd.remote.s32 $0x1  }
0xcc: {  	_ =	sfence.sel $0xFFFF  }
0xcd: {  	[dreg:$0x0] =	wrdreg $0xFFFFFFFF;
	(pc) =	sbr.abs _section_cstart, $3  }
0xce: {  	[dreg:$0x1] =	wrdreg $0xFFFFFFFF  }
0xcf: {  	_ =	task.clear_ibuf [dreg:s22], $0x2FFFF;
	_ =	strace $0x9FFFFFFF  }
0xd0: {  	(tm) =	ssettm $0x7FFFFFFF  }
0xd1: {  	_ =	shalt  }
tec
execute0_lowered:
.L_overlay_start_1:
0x0: {  	(tag) =	ssettag $0x1  }
0x1: {  	s0 =	srdreg.scid;
	s6 =	rddreg [dreg:$0x0]  }
0x2: {  	s29 =	stileid.u32;
	s2 =	simm.s32 $0x0;
	s5 =	sand.u32 $0x1, s0  }
0x3: {  	s10 =	simm.s32 $0x640;
	s11 =	simm.s32 $0x5;
	s3 =	sshll.u32 s5, $0x4  }
0x4: {  	[smem:$0x7FF] =	sst s2;
	s7 =	sadd.s32 $0x58D600, s6;
	s3 =	sor.u32 s29, s3  }
0x5: {  	s12 =	simm.s32 $0x0;
	_ =	strace $0x8000004A;
	s4 =	smul.u32 $0x1F, s3  }
0x6: {  	[dreg:$0x2] =	wrdreg s7;
	s30 =	ssub.s32 $0x2, s5;
	s5 =	simm.s32 $0x20  }
0x7: {  	p0 =	slt.u32 s3, $0x8;
	s8 =	sshll.u32 s3, $0x5;
	s3 =	sadd.s32 $0x8, s4  }
0x8: {  	s31 =	sshrl.u32 s30, $0x1;
	s4 =	sadd.s32 $0x312600, s6;
	s3 =	smov.u32 @p0 s8  }
0x9: {  	s5 =	simm.s32 @!p0 $0x1F;
	s6 =	sadd.s32 $0x5A5E00, s6;
	s8 =	smul.u32 $0xC8, s3  }
0xa: {  	s9 =	ssub.s32 s30, s31;
	s7 =	sadd.s32 $0xFFFFFFFF, s5;
	[dreg:$0x3] =	wrdreg s6  }
0xb: {  	s6 =	sadd.s32 s4, s8;
	s8 =	smax.u32 s9, $0x1;
	s9 =	simm.s32 $0x1  }
.LBB2_1:
0xc: {  	_ =	strace $0x8000004B  }
0xd: {  	p0 =	seq.s32 s5, $0x1;
	s14 =	simm.s32 $0x1;
	p1 =	sne.s32 s5, $0x1  }
0xe: {  	[tilespmem:s2], [sflag:$0x1] =	stream.linear.gather [hbm4b:s6+s2], $0x640, $0x200038;
	[tilespmem:$0xD480] =	vst v63  }
.Ltmp0:
0xf: {  	s14 =	simm.s32 @p0 $0x0;
	(pc) =	sbr.rel @!p1 .LBB2_2-.Ltmp0, $4  }
0x10: {  	p6 =	sgt.s32 s7, $0x0;
	s13 =	simm.s32 $0x1;
	p3 =	sne.s32 s14, $0x0  }
0x11: {  	s15 =	simm.s32 $0x1;
	_ =	strace $0x9000004B;
	p0 =	por !p6, !p3  }
0x12: {  	p6 =	por $0x0, $0x0;
	p4 =	por !p0, !p0;
	p0 =	por $0x1, $0x1  }
0x13: {  	s25 =	sadd.s32 @p4 s3, s14;
	s15 =	simm.s32 @!p4 $0x0;
	s24 =	sand.u32 @p4 $0x1, s9  }
0x14: {  	s16 =	smul.u32 @p4 $0x640, s25  }
0x15: {  	s17 =	smul.u32 @p4 $0x1900, s24;
	s18 =	sadd.s32 @p4 $0x1, s24;
	s19 =	simm.s32 @p4 $0x0  }
0x16: {  	_ =	strace @p4 $0x8000004C;
	s22 =	sand.u32 $0x1, s2;
	p1 =	por p3, p3  }
0x17: {  	p5 =	sne.s32 s5, $0x2;
	p2 =	por p0, p0;
	s24 =	simm.s32 $0x640  }
0x18: {  	p6 =	seq.s32 s7, $0x0;
	s31 =	simm.s32 $0x1;
	s25 =	sadd.s32 $0x1, s22  }
0x19: {  	p3 =	seq.s32 s22, $0x1;
	s26 =	smul.u32 $0x19000, s22;
	s16 =	sshrl.u32 @p4 s16, $0x3  }
0x1a: {  	p1 =	por p6, p1;
	s17 =	sshrl.u32 @p4 s17, $0x2;
	s16 =	sadd.s32 @p4 s4, s16  }
0x1b: {  	[tilespmem:s17], [sflag:s18] =	stream.linear.gather @p4 [hbm4b:s16+s19], $0x640, $0x200038;
	[tilespmem:$0xD480] =	vst v63  }
0x1c: {  	s24 =	simm.s32 @!p3 $0x0;
	s28 =	simm.s32 @p1 $0x0;
	_ =	strace @p4 $0x9000004C  }
0x1d: {  	s19 =	sand.u32 @!p0 $0x1, s2;
	s16 =	sadd.s32 $0x1, s15;
	_ =	strace $0x8000004D  }
0x1e: {  	s17 =	simm.s32 $0x2;
	s18 =	sadd.s32 $0x0, s3;
	_ =	swait.ge [sflag:s25], $0x640  }
0x1f: {  	s15 =	sshrl.u32 s26, $0x2;
	p0 =	por $0x0, $0x0;
	[sflag:s25] =	ssyncset.done $0x0  }
0x20: {  	s20 =	sadd.s32 @!p2 $0x3, s19;
	s19 =	sadd.s32 $0x1, s14;
	[sflag:s25] =	ssyncadd.s32 $0xFFFFF9C0  }
0x21: {  	s23 =	sadd.s32 $0xC80, s15;
	s15 =	simm.s32 $0x1;
	_ =	strace $0x9000004D  }
0x22: {  	s30 =	smul.u32 @p1 $0x6400, s18;
	s18 =	simm.s32 $0x0;
	_ =	strace $0x8000004E  }
0x23: {  	s15 =	simm.s32 @!p0 $0x0;
	p4 =	seq.s32 s19, s5;
	s21 =	rddreg [dreg:$0x2]  }
0x24: {  	[tilespmem:s23], [sflag:$0x5] =	stream.indirect.gather [hbm4b:s21+s10], $0x10, s24, s10, $0x2000b8;
	[tilespmem:$0xD480] =	vst v63  }
0x25: {  	s19 =	simm.s32 @p4 $0x0;
	p4 =	sgt.s32 s7, $0x1;
	_ =	swait.ge [sflag:s11], $0x6400  }
.Ltmp1:
0x26: {  	p3 =	sne.s32 s14, s19;
	[sflag:s11] =	ssyncset.done $0x0;
	(pc) =	sbr.rel @!p5 .LBB2_4-.Ltmp1, $4  }
0x27: {  	p0 =	por $0x0, $0x0;
	p4 =	por !p4, !p3;
	[sflag:s11] =	ssyncadd.s32 $0xFFFF9C00  }
0x28: {  	s15 =	sadd.s32 $0x0, s15;
	p4 =	por !p4, !p4;
	_ =	strace $0x9000004E  }
0x29: {  	s25 =	sadd.s32 @p4 s3, s19;
	s31 =	simm.s32 @!p4 $0x0;
	_ =	strace @p1 $0x8000004F  }
0x2a: {  	s24 =	sand.u32 @p4 $0x1, s16;
	s21 =	simm.s32 $0x0;
	s29 =	rddreg [dreg:$0x3]  }
.LBB2_5:
0x2b: {  	s0 =	smul.u32 @p4 $0x640, s25;
	s26 =	sand.u32 @!p0 $0x1, s15  }
0x2c: {  	s22 =	sadd.s32 @p1 $0x3, s22;
	s25 =	smov.u32 s13;
	s30 =	sshrl.u32 @p1 s30, $0x3  }
0x2d: {  	s13 =	smov.u32 s17;
	s1 =	smov.u32 s14;
	s29 =	sadd.s32 @p1 s29, s30  }
0x2e: {  	[hbm4b:s29+s28] =	stream.linear.scatter @p1 [tilespmem:s23], [sflag:s22], $0x6400, $0x200038;
	[tilespmem:$0xD480] =	vst v63  }
0x2f: {  	p5 =	por p3, p3;
	s14 =	smul.u32 @p4 $0x1900, s24;
	_ =	strace @p1 $0x9000004F  }
0x30: {  	s16 =	sadd.s32 s31, s16;
	s17 =	sadd.s32 $0x1, s17;
	_ =	strace @!p2 $0x80000050  }
0x31: {  	s31 =	simm.s32 $0x1;
	p6 =	sne.s32 s5, s17;
	_ =	swait.ge @!p2 [sflag:s20], $0x6400  }
0x32: {  	s0 =	sshrl.u32 @p4 s0, $0x3;
	s30 =	simm.s32 $0x1;
	[sflag:s20] =	ssyncset.done @!p2 $0x0  }
0x33: {  	s30 =	simm.s32 @!p1 $0x0;
	s23 =	sshrl.u32 @p4 s14, $0x2;
	[sflag:s20] =	ssyncadd.s32 @!p2 $0xFFFF9C00  }
0x34: {  	s0 =	sadd.s32 @p4 s4, s0;
	s21 =	sadd.s32 s30, s21;
	_ =	strace @!p2 $0x90000050  }
0x35: {  	s20 =	sadd.s32 @p4 $0x1, s24;
	s24 =	simm.s32 @p4 $0x0;
	_ =	strace @p4 $0x8000004C  }
0x36: {  	[tilespmem:s23], [sflag:s20] =	stream.linear.gather @p4 [hbm4b:s0+s24], $0x640, $0x200038;
	[tilespmem:$0xD480] =	vst v63  }
0x37: {  	s1 =	sadd.s32 s3, s1;
	s22 =	sand.u32 $0x1, s21;
	_ =	strace @p4 $0x9000004C  }
0x38: {  	p1 =	seq.s32 s22, $0x1;
	s22 =	sadd.s32 $0x1, s22;
	_ =	strace $0x8000004D  }
0x39: {  	p3 =	sne.s32 s25, $0x0;
	s14 =	smov.u32 s19;
	_ =	swait.ge [sflag:s22], $0x640  }
0x3a: {  	s19 =	sadd.s32 $0x1, s19;
	s18 =	sadd.s32 s30, s18;
	[sflag:s22] =	ssyncset.done $0x0  }
0x3b: {  	p2 =	por p0, p0;
	[sflag:s22] =	ssyncadd.s32 $0xFFFFF9C0;
	s22 =	sand.u32 $0x1, s18  }
0x3c: {  	s20 =	sadd.s32 @!p2 $0x3, s26;
	s26 =	simm.s32 $0x640;
	s23 =	smul.u32 $0x19000, s22  }
0x3d: {  	p0 =	seq.s32 s13, $0x0;
	s26 =	simm.s32 @!p1 $0x0;
	p1 =	seq.s32 s7, s25  }
0x3e: {  	p4 =	slt.s32 s13, s7;
	_ =	strace $0x9000004D;
	s0 =	sshrl.u32 s23, $0x2  }
0x3f: {  	_ =	strace $0x8000004E;
	s23 =	sadd.s32 $0xC80, s0;
	s0 =	simm.s32 $0x1  }
0x40: {  	s24 =	rddreg [dreg:$0x2];
	s0 =	simm.s32 @!p3 $0x0;
	p3 =	seq.s32 s19, s5  }
0x41: {  	[tilespmem:s23], [sflag:$0x5] =	stream.indirect.gather [hbm4b:s24+s10], $0x10, s26, s10, $0x2000b8;
	[tilespmem:$0xD480] =	vst v63  }
0x42: {  	p1 =	por p1, p5;
	s19 =	simm.s32 @p3 $0x0;
	_ =	swait.ge [sflag:s11], $0x6400  }
.Ltmp2:
0x43: {  	p3 =	sne.s32 s14, s19;
	[sflag:s11] =	ssyncset.done $0x0;
	(pc) =	sbr.rel @p6 .LBB2_5-.Ltmp2, $4  }
0x44: {  	s28 =	simm.s32 @p1 $0x0;
	p4 =	por !p4, !p3;
	[sflag:s11] =	ssyncadd.s32 $0xFFFF9C00  }
0x45: {  	s30 =	smul.u32 @p1 $0x6400, s1;
	p4 =	por !p4, !p4;
	_ =	strace $0x9000004E  }
0x46: {  	s15 =	sadd.s32 s0, s15;
	s25 =	sadd.s32 @p4 s3, s19;
	_ =	strace @p1 $0x8000004F  }
0x47: {  	s31 =	simm.s32 @!p4 $0x0;
	s24 =	sand.u32 @p4 $0x1, s16;
	s29 =	rddreg [dreg:$0x3]  }
0x48: {  	p6 =	por $0x1, $0x1  }
.LBB2_7:
0x49: {  	p5 =	por !p1, !p6  }
0x4a: {  	s0 =	sshrl.u32 @!p5 s30, $0x3  }
0x4b: {  	s1 =	sadd.s32 @!p5 $0x3, s22;
	s0 =	sadd.s32 @!p5 s29, s0  }
0x4c: {  	[hbm4b:s0+s28] =	stream.linear.scatter @!p5 [tilespmem:s23], [sflag:s1], $0x6400, $0x200038;
	[tilespmem:$0xD480] =	vst v63  }
0x4d: {  	p1 =	por p2, !p6;
	_ =	strace @!p5 $0x9000004F  }
0x4e: {  	s16 =	smul.u32 @p4 $0x1900, s24;
	s19 =	simm.s32 $0x0;
	_ =	strace @!p1 $0x80000050  }
0x4f: {  	s0 =	smul.u32 @p4 $0x640, s25;
	s1 =	simm.s32 $0x1;
	_ =	swait.ge @!p1 [sflag:s20], $0x6400  }
0x50: {  	s16 =	sshrl.u32 @p4 s16, $0x2;
	s1 =	simm.s32 @p5 $0x0;
	[sflag:s20] =	ssyncset.done @!p1 $0x0  }
0x51: {  	s17 =	sadd.s32 @p6 s1, s21;
	s0 =	sshrl.u32 @p4 s0, $0x3;
	[sflag:s20] =	ssyncadd.s32 @!p1 $0xFFFF9C00  }
0x52: {  	s19 =	smov.u32 @p6 s17;
	s0 =	sadd.s32 @p4 s4, s0;
	_ =	strace @!p1 $0x90000050  }
0x53: {  	s17 =	sadd.s32 @p4 $0x1, s24;
	s20 =	simm.s32 @p4 $0x0;
	_ =	strace @p4 $0x8000004C  }
0x54: {  	[tilespmem:s16], [sflag:s17] =	stream.linear.gather @p4 [hbm4b:s0+s20], $0x640, $0x200038;
	[tilespmem:$0xD480] =	vst v63  }
0x55: {  	s1 =	sadd.s32 @p6 s1, s18;
	s25 =	sand.u32 $0x1, s19;
	_ =	strace @p4 $0x9000004C  }
0x56: {  	s26 =	sadd.s32 $0x1, s25;
	s17 =	simm.s32 $0x0;
	_ =	strace $0x8000004D  }
0x57: {  	s17 =	smov.u32 @p6 s1;
	_ =	swait.ge [sflag:s26], $0x640  }
0x58: {  	s1 =	sand.u32 $0x1, s17;
	[sflag:s26] =	ssyncset.done $0x0  }
0x59: {  	s28 =	smul.u32 $0x19000, s1;
	[sflag:s26] =	ssyncadd.s32 $0xFFFFF9C0  }
0x5a: {  	p1 =	seq.s32 s25, $0x1;
	_ =	strace $0x9000004D  }
0x5b: {  	s16 =	simm.s32 $0x640;
	s30 =	sshrl.u32 s28, $0x2;
	_ =	strace $0x8000004E  }
0x5c: {  	s16 =	simm.s32 @!p1 $0x0;
	s0 =	sadd.s32 $0xC80, s30;
	s29 =	rddreg [dreg:$0x2]  }
0x5d: {  	[tilespmem:s0], [sflag:$0x5] =	stream.indirect.gather [hbm4b:s29+s10], $0x10, s16, s10, $0x2000b8;
	[tilespmem:$0xD480] =	vst v63  }
0x5e: {  	_ =	swait.ge [sflag:s11], $0x6400  }
0x5f: {  	p5 =	por p3, p3;
	p6 =	seq.s32 s7, s13;
	[sflag:s11] =	ssyncset.done $0x0  }
0x60: {  	s14 =	sadd.s32 s3, s14;
	p1 =	por p6, p5;
	[sflag:s11] =	ssyncadd.s32 $0xFFFF9C00  }
0x61: {  	s14 =	smul.u32 @p1 $0x6400, s14;
	_ =	strace $0x9000004E  }
0x62: {  	_ =	strace @p1 $0x8000004F  }
0x63: {  	s14 =	sshrl.u32 @p1 s14, $0x3;
	s16 =	rddreg [dreg:$0x3]  }
0x64: {  	s17 =	simm.s32 @p1 $0x0;
	s1 =	sadd.s32 @p1 $0x3, s1;
	s14 =	sadd.s32 @p1 s16, s14  }
0x65: {  	[hbm4b:s14+s17] =	stream.linear.scatter @p1 [tilespmem:s0], [sflag:s1], $0x6400, $0x200038;
	[tilespmem:$0xD480] =	vst v63  }
0x66: {  	s0 =	sand.u32 @!p0 $0x1, s15;
	p0 =	por p0, p0;
	_ =	strace @p1 $0x9000004F  }
0x67: {  	s0 =	sadd.s32 @!p0 $0x3, s0;
	_ =	strace @!p0 $0x80000050  }
0x68: {  	s1 =	simm.s32 $0x1;
	p1 =	sne.s32 s13, $0x0;
	_ =	swait.ge @!p0 [sflag:s0], $0x6400  }
0x69: {  	s1 =	simm.s32 @!p1 $0x0;
	[sflag:s0] =	ssyncset.done @!p0 $0x0  }
0x6a: {  	s12 =	sadd.s32 $0x1, s12;
	s1 =	sadd.s32 s1, s15;
	[sflag:s0] =	ssyncadd.s32 @!p0 $0xFFFF9C00  }
0x6b: {  	s31 =	sand.u32 $0x1, s1;
	_ =	strace @!p0 $0x90000050;
	p0 =	sne.s32 s12, s8  }
.Ltmp3:
0x6c: {  	s0 =	sadd.s32 $0x3, s31;
	_ =	strace $0x80000051;
	(pc) =	sbr.rel @p0 .LBB2_1-.Ltmp3, $4  }
.Ltmp4:
0x6d: {  	_ =	swait.ge [sflag:s0], $0x6400;
	(pc) =	sbr.rel @!p0 .LBB2_8-.Ltmp4, $4  }
0x6e: {  	[sflag:s0] =	ssyncset.done $0x0  }
0x6f: {  	[sflag:s0] =	ssyncadd.s32 $0xFFFF9C00  }
0x70: {  	_ =	strace $0x90000051  }
0x71: {  	_ = 	snop  }
.LBB2_2:
.Ltmp5:
0x72: {  	(pc) =	sbr.rel .LBB2_7-.Ltmp5, $3  }
0x73: {  	_ =	sdelay $0x1  }
0x74: {  	s15 =	simm.s32 $0x0;
	s13 =	simm.s32 $0x0  }
0x75: {  	s14 =	simm.s32 $0x0;
	s18 =	simm.s32 $0x0;
	s21 =	simm.s32 $0x0  }
.LBB2_4:
.Ltmp6:
0x76: {  	(pc) =	sbr.rel .LBB2_7-.Ltmp6, $2  }
0x77: {  	_ =	sdelay $0x2  }
0x78: {  	s18 =	simm.s32 $0x0;
	s21 =	simm.s32 $0x0;
	p6 =	por $0x1, $0x1  }
.LBB2_8:
0x79: {  	_ =	sfence.sel $0x180000  }
0x7a: {  	[bflag:$0x0] =	sbarrier.arrive $0xFFFF  }
0x7b: {  	_ =	strace $0x9000004A  }
0x7c: {  	s0 =	stileid.u32;
	[bflag:$0x2] =	sbarrier.arrive $0xFFFF  }
0x7d: {  	p0 =	sne.s32 s0, $0x0;
	s0 =	rddreg [dreg:$0x1]  }
0x7e: {  	s0 =	sadd.s32 @!p0 $0x100000, s0  }
0x7f: {  	[sflag:s0] =	ssyncadd.tile.s32 @!p0 $0x1;
	_ =	shalt  }
.Lfunc_end2:
_tile_overlayer_lowered:
.L_overlay_start_2:
0x80: {  	(tag) =	ssettag $0x2  }
0x81: {  	s0 =	rddreg [dreg:$0x0];
	s2 =	stileid.u32  }
0x82: {  	s1 =	rddreg [dreg:$0x1];
	p0 =	sne.s32 s2, $0x0  }
0x83: {  	s3 =	rddreg [dreg:$0x2];
	[bflag:$0x3] =	sbarrier.arrive $0xFFFF;
	s2 =	simm.s32 @!p0 $0x1C01  }
0x84: {  	[timem:s3], [sflag:s2] =	dma.local @!p0 [hbm:s0], s1  }
0x85: {  	s0 =	simm.s32 @!p0 $0x1  }
0x86: {  	_ =	swait.ge @!p0 [sflag:s0], s1  }
0x87: {  	s1 =	ssub.s32 @!p0 $0x0, s1;
	[sflag:s0] =	ssyncset.done @!p0 $0x0  }
0x88: {  	[sflag:s0] =	ssyncadd.s32 @!p0 s1  }
0x89: {  	[bflag:$0x3] =	sbarrier.arrive $0xFFFF  }
0x8a: {  	_ =	shalt  }

// kernel: sparse-core-data-format-call.cloned.1.call-start
scs
called_computation_lowered:
.L_overlay_start_0:
0x0: {  	s1 =	sld [smem:$0x3FD9]  }
0x1: {  	s2 =	sld [smem:$0x3FFE];
	_ =	sdelay $0x1  }
0x2: {  	s3 =	srdreg.scid  }
0x3: {  	s0 =	sand.u32 $0x1, s3  }
0x4: {  	s17 =	sshll.u32 s0, $0xA;
	s1 =	sadd.s32 s2, s1  }
0x5: {  	s1 =	sadd.s32 s1, s17  }
0x6: {  	[smem:$0x3FAF] =	sst s1  }
0x7: {  	_ = 	snop  }
0x8: {  	(tm) =	ssettm $0x1  }
0x9: {  	s18 =	sld [smem:$0x3FFB];
	_ =	sdelay $0x3  }
0xa: {  	_ =	strace s18  }
0xb: {  	s1 =	sld [smem:$0x3FFC];
	_ =	sdelay $0x3  }
0xc: {  	_ =	strace s1  }
0xd: {  	s1 =	sld [smem:$0x3FFD];
	_ =	sdelay $0x3  }
0xe: {  	_ =	strace s1  }
0xf: {  	_ =	strace $0x8FFFFFFF  }
0x10: {  	s19 =	sld [smem:$0x3FDB];
	_ =	sdelay $0x1  }
0x11: {  	s20 =	simm.s32 $_scs_section_size  }
0x12: {  	s4 =	simm.s32 $_size__tile_overlayer_lowered;
	s5 =	simm.s32 $_tile_overlayer_lowered  }
0x13: {  	s23 =	simm.s32 $0x1BFF;
	s22 =	sshll.u32 s5, $0x1;
	s1 =	sadd.s32 s20, s19  }
0x14: {  	s6 =	simm.s32 $0x0;
	s21 =	sshll.u32 s4, $0x1;
	s4 =	sadd.s32 s22, s1  }
0x15: {  	[timem:s6], [sflag:s23] =	dma.local [hbm:s4], s21  }
0x16: {  	_ =	swait.ge [sflag:s23], s21  }
0x17: {  	s2 =	ssub.s32 $0x0, s21;
	[sflag:s23] =	ssyncset.done $0x0  }
0x18: {  	[sflag:s23] =	ssyncadd.s32 s2;
	_ =	sdelay $0x1  }
0x19: {  	s24 =	simm.s32 $0x1B8B  }
0x1a: {  	_ =	swait.ge [sflag:s24], $0x1  }
0x1b: {  	[sflag:s24] =	ssyncset.done $0x0  }
0x1c: {  	s26 =	simm.s32 $0x1B8E;
	s25 =	sld [smem:$0x3FFE];
	[sflag:s24] =	ssyncadd.s32 $0xFFFFFFFF  }
0x1d: {  	s27 =	simm.s32 $execute0_lowered;
	[smem:$0x3FD2] =	sst s26  }
0x1e: {  	s4 =	sshll.u32 s27, $0x1;
	_ =	strace $0x80000046;
	[dreg:$0x1] =	wrdreg $0xFFFFFFFF  }
0x1f: {  	s28 =	simm.s32 $_size_execute0_lowered;
	s1 =	sadd.s32 s1, s4;
	[dreg:$0x0] =	wrdreg $0x0  }
0x20: {  	s4 =	sshll.u32 s28, $0x1;
	[dreg:$0x2] =	wrdreg s1  }
0x21: {  	[dreg:$0x3] =	wrdreg s4  }
0x22: {  	[dreg:$0x4] =	wrdreg $0xC0  }
0x23: {  	_ =	task [dreg:s6], $0x5FFFF  }
0x24: {  	[dreg:$0x1] =	wrdreg $0xFFFFFFFF  }
0x25: {  	[dreg:$0x0] =	wrdreg $0x60  }
0x26: {  	[dreg:$0x2] =	wrdreg s25  }
0x27: {  	[dreg:$0x3] =	wrdreg $0x9  }
0x28: {  	_ =	task.clear_ibuf [dreg:s6], $0x4FFFF;
	_ =	strace $0x90000046  }
0x29: {  	s29 =	simm.s32 $0x9;
	_ =	strace $0x80000048  }
0x2a: {  	_ =	swait.ge [sflag:s29], $0x1  }
0x2b: {  	[sflag:s29] =	ssyncadd.s32 $0xFFFFFFFF  }
0x2c: {  	_ =	strace $0x90000048  }
0x2d: {  	_ =	sfence  }
0x2e: {  	s30 =	sld [smem:$0x0];
	_ =	sdelay $0x2  }
0x2f: {  	s31 =	sshll.u32 s3, $0xD;
	s3 =	sshrl.u32 s3, $0x2  }
0x30: {  	s2 =	sand.u32 $0x4000, s31;
	s1 =	sadd.s32 s3, s30  }
0x31: {  	s0 =	sor.u32 s2, s0;
	s1 =	sshll.u32 s1, $0x11  }
0x32: {  	s0 =	sor.u32 s1, s0  }
0x33: {  	s0 =	sadd.s32 $0x8F2B, s0  }
0x34: {  	[sflag:s0] =	ssyncadd.remote.s32 $0x1  }
0x35: {  	_ =	sfence.sel $0xFFFF  }
0x36: {  	[dreg:$0x0] =	wrdreg $0xFFFFFFFF;
	(pc) =	sbr.abs _section_cstart, $3  }
0x37: {  	[dreg:$0x1] =	wrdreg $0xFFFFFFFF  }
0x38: {  	_ =	task.clear_ibuf [dreg:s6], $0x2FFFF;
	_ =	strace $0x9FFFFFFF  }
0x39: {  	(tm) =	ssettm $0x7FFFFFFF  }
tec
execute0_lowered:
.L_overlay_start_1:
0x0: {  	(tag) =	ssettag $0x1  }
0x1: {  	s0 =	stileid.u32  }
0x2: {  	s1 =	srdreg.scid;
	s7 =	rddreg [dreg:$0x0]  }
0x3: {  	s31 =	simm.s32 $0x2;
	s16 =	simm.s32 $0x0;
	s9 =	simm.s32 $0x800  }
0x4: {  	s15 =	simm.s32 $0x0;
	s10 =	simm.s32 $0x0;
	s11 =	simm.s32 $0x0  }
0x5: {  	s2 =	sshll.u32 s0, $0x7;
	s3 =	sshll.u32 s0, $0x5;
	s1 =	sshll.u32 s1, $0x9  }
0x6: {  	s14 =	simm.s32 $0x0;
	s2 =	sand.u32 $0x180, s2;
	s3 =	sor.u32 s3, s1  }
0x7: {  	s1 =	rddreg [dreg:$0x1];
	s4 =	ssub.s32 $0x200, s2;
	s3 =	sand.u32 $0x380, s3  }
0x8: {  	_ =	strace $0x80000047;
	s5 =	sand.u32 $0x180, s4;
	s6 =	ssub.s32 $0xC300, s3  }
0x9: {  	s4 =	sshrl.u32 s4, $0x9;
	p0 =	sne.s32 s5, $0x0;
	s5 =	simm.s32 $0x1  }
.Ltmp0:
0xa: {  	s6 =	sshrl.u32 s6, $0xA;
	s5 =	simm.s32 @!p0 $0x0;
	(pc) =	sbr.rel .LBB1_1-.Ltmp0, $4  }
0xb: {  	s13 =	smov.u32 s2;
	s6 =	sadd.s32 $0x1, s6;
	s8 =	sadd.s32 s5, s4  }
0xc: {  	s12 =	smov.u32 s3;
	s5 =	simm.s32 $0x1;
	s6 =	smul.u32 s8, s6  }
0xd: {  	p0 =	por $0x0, $0x0;
	s4 =	sadd.s32 $0x4C00, s7;
	[sflag:s5] =	ssyncpa.u1 $0x0  }
0xe: {  	s7 =	sadd.s32 $0x18BC00, s7;
	[sflag:s31] =	ssyncpa.u1 $0x0;
	s8 =	sadd.s32 $0x1, s6  }
.LBB1_4:
0xf: {  	s19 =	sshll.u32 s10, $0x9;
	s20 =	sshll.u32 s11, $0x3;
	s21 =	sshll.u32 s10, $0x7  }
0x10: {  	s23 =	sadd.s32 s23, s17;
	s22 =	sshrl.u32 s22, $0x1;
	p1 =	sgt.s32 s10, $0xC2D0  }
0x11: {  	s24 =	sshra.s32 s10, $0x1F;
	s25 =	smov.u32 s11;
	s26 =	sshra.s32 s11, $0x1F  }
0x12: {  	s19 =	sand.u32 $0xFFFFF000, s19;
	s20 =	sand.u32 $0xFFFFFC00, s20;
	s27 =	sand.u32 $0x200, s21  }
0x13: {  	s24 =	sand.u32 s24, s10;
	s29 =	sand.u32 s26, s11;
	s21 =	sand.u32 $0x100, s21  }
0x14: {  	v7 =	vperm.xlane.i2c.b16 v7;
	s19 =	sadd.s32 s20, s19;
	s20 =	sadd.s32 s22, s23;
	s22 =	smov.u32 s10  }
0x15: {  	[tilespmem:s18+$0x1021 ss:$0x81] =	vst.msk $0xffff, v10;
	v0 =	vcombine.high v6, v0;
	v57 =	vcombine.low v9, v8;
	s19 =	sor.u32 s27, s19;
	s22 =	simm.s32 @!p1 $0xC2D0;
	p1 =	sgt.s32 s11, $0x180  }
0x16: {  	v5 =	vperm.xlane.i2c.b16 v5;
	[tilespmem:s18+$0x0 ss:$0x81] =	vst.msk $0xffff, v11;
	v58 =	vcombine.high v9, v8;
	s19 =	sshrl.u32 s19, $0x9;
	s22 =	ssub.s32 s22, s24;
	s25 =	simm.s32 @!p1 $0x180  }
0x17: {  	v3 =	vperm.xlane.i2c.b16 v3;
	v4 =	vperm.xlane.i2c.b16 v4;
	[tilespmem:s18+$0x1 ss:$0x81] =	vst.msk $0xffff, v0;
	s28 =	smulhi.u32 $0xA7C5AD, s19;
	s31 =	ssub.s32 s25, s29;
	s25 =	sadd.s32 $0xFFFF3D30, s22  }
0x18: {  	v2 =	vperm.xlane.i2c.b16 v2;
	v59 =	vcombine.low v7, v5;
	[tilespmem:s20+$0x1830 ss:$0x81] =	vst.msk $0xffff, v57;
	s27 =	sshll.u32 s11, $0x1;
	s22 =	ssub.s32 $0xC350, s22;
	p1 =	sgt.s32 s25, $0x7F  }
0x19: {  	v61 =	vcombine.low v3, v4;
	[tilespmem:s20+$0x1831 ss:$0x81] =	vst.msk $0xffff, v58;
	s26 =	sadd.s32 $0xFFFFFE80, s31;
	s23 =	ssub.s32 $0x200, s31;
	s30 =	sshrl.u32 s28, $0x7  }
0x1a: {  	v62 =	vcombine.low v2, v1;
	[tilespmem:s20+$0x810 ss:$0x81] =	vst.msk $0xffff, v59;
	s22 =	simm.s32 @p1 $0x0;
	p1 =	sgt.s32 s26, $0x7F;
	s28 =	sand.u32 $0xF0, s27  }
0x1b: {  	v60 =	vcombine.high v7, v5;
	[tilespmem:s20+$0x1020 ss:$0x81] =	vst.msk $0xffff, v61;
	s18 =	smul.u32 $0xC350, s30;
	s23 =	simm.s32 @p1 $0x0;
	s21 =	sor.u32 s28, s21  }
0x1c: {  	v3 =	vcombine.high v3, v4;
	[tilespmem:s20+$0x0 ss:$0x81] =	vst.msk $0xffff, v62;
	s22 =	smul.u32 s23, s22;
	s21 =	sshrl.u32 s21, $0x4  }
0x1d: {  	v63 =	vcombine.high v2, v1;
	[tilespmem:s20+$0x811 ss:$0x81] =	vst.msk $0xffff, v60;
	s30 =	sand.u32 $0x7, s11;
	s18 =	ssub.s32 s19, s18;
	s21 =	sadd.s32 s7, s21  }
0x1e: {  	[tilespmem:s20+$0x1021 ss:$0x81] =	vst.msk $0xffff, v3;
	s29 =	sshrl.u32 s22, $0x1;
	s18 =	sshll.u32 s18, $0x5;
	s22 =	sshll.u32 s30, $0x12  }
0x1f: {  	[tilespmem:s20+$0x1 ss:$0x81] =	vst.msk $0xffff, v63;
	s19 =	sand.u32 $0x3FFFFFFF, s29;
	s18 =	sadd.s32 s18, s21;
	s31 =	sor.u32 $0x200, s22  }
0x20: {  	[hbm4b:s18+s31] =	stream.strided.scatter [tilespmem:s17], [sflag:$0x2], s19, s9, s31, $0x20;
	[tilespmem:$0x8080] =	vst v63  }
.LBB1_5:
0x21: {  	p1 =	slt.u32 s14, $0x2  }
0x22: {  	s18 =	smov.u32 s16;
	p2 =	sgt.s32 @!p1 s16, $0xC2D0;
	s17 =	sshra.s32 @!p1 s16, $0x1F  }
0x23: {  	p3 =	sgt.s32 @!p1 s15, $0x180;
	s19 =	sshra.s32 @!p1 s15, $0x1F;
	p2 =	por !p2, p1  }
0x24: {  	s16 =	sand.u32 @!p1 s17, s16;
	p3 =	por !p3, p1;
	s17 =	smov.u32 s15  }
0x25: {  	s15 =	sand.u32 @!p1 s19, s15;
	s18 =	simm.s32 @p2 $0xC2D0;
	s17 =	simm.s32 @p3 $0x180  }
0x26: {  	s16 =	ssub.s32 @!p1 s18, s16;
	s15 =	ssub.s32 @!p1 s17, s15  }
0x27: {  	s19 =	smov.u32 s13;
	s17 =	sadd.s32 @!p1 $0xFFFF3D30, s16;
	s18 =	sadd.s32 @!p1 $0xFFFFFE80, s15  }
0x28: {  	s16 =	ssub.s32 @!p1 $0xC350, s16;
	p2 =	sgt.s32 @!p1 s17, $0x7F;
	p3 =	sgt.s32 @!p1 s18, $0x7F  }
0x29: {  	s15 =	ssub.s32 @!p1 $0x200, s15;
	p2 =	por !p2, p1;
	p3 =	por !p3, p1  }
0x2a: {  	s17 =	sadd.s32 $0x400, s12;
	s16 =	simm.s32 @!p2 $0x0;
	s15 =	simm.s32 @!p3 $0x0  }
0x2b: {  	p2 =	sgt.s32 s17, $0xC34F;
	s15 =	smul.u32 @!p1 s15, s16;
	s16 =	sadd.s32 $0x200, s13  }
0x2c: {  	s19 =	smov.u32 @p2 s16  }
0x2d: {  	s17 =	smov.u32 @p2 s3;
	p2 =	sgt.s32 s19, $0x1FF  }
0x2e: {  	p0 =	por !p0, !p0;
	s19 =	smov.u32 @p2 s2;
	p2 =	sne.s32 s14, s8  }
.Ltmp1:
0x2f: {  	s18 =	simm.s32 @!p1 $0x2;
	s15 =	sshrl.u32 @!p1 s15, $0x1;
	(pc) =	sbr.rel @!p2 .LBB1_6-.Ltmp1, $4  }
0x30: {  	s16 =	smov.u32 s10;
	s10 =	smov.u32 s12;
	s15 =	sand.u32 @!p1 $0x3FFFFFFF, s15  }
0x31: {  	s12 =	smov.u32 s17;
	s14 =	sadd.s32 $0x1, s14;
	_ =	swait.ge @!p1 [sflag:s18], s15  }
0x32: {  	s20 =	ssub.s32 @!p1 $0x0, s15;
	s15 =	smov.u32 s11;
	[sflag:s18] =	ssyncset.done @!p1 $0x0  }
0x33: {  	s11 =	smov.u32 s13;
	s13 =	smov.u32 s19;
	[sflag:s18] =	ssyncadd.s32 @!p1 s20  }
.LBB1_1:
0x34: {  	p1 =	sge.u32 s14, s6  }
0x35: {  	s17 =	sshrl.u32 @!p1 s13, $0x3  }
0x36: {  	s18 =	sshll.u32 @!p1 s12, $0x3;
	s17 =	smul.u32 @!p1 $0x61C00, s17  }
0x37: {  	s19 =	sshll.u32 @!p1 s13, $0x7;
	s18 =	sand.u32 @!p1 $0xFFFFFC00, s18  }
0x38: {  	s17 =	sadd.s32 @!p1 s17, s18;
	s18 =	sand.u32 @!p1 $0x300, s19;
	s19 =	sshll.u32 @!p1 s12, $0x1  }
0x39: {  	s17 =	sor.u32 @!p1 s18, s17;
	s18 =	sand.u32 @!p1 $0xFE, s19  }
0x3a: {  	s19 =	sand.u32 @!p1 $0x1, s13;
	s17 =	sor.u32 @!p1 s18, s17  }
0x3b: {  	s18 =	sor.u32 @!p1 s19, s17  }
0x3c: {  	s19 =	smulhi.u32 @!p1 $0xA79C7B17, s18;
	_ =	sdelay $0x1  }
0x3d: {  	s17 =	smulhi.u32 @!p1 $0xA79C7B17, s17;
	s19 =	sshrl.u32 @!p1 s19, $0xF  }
0x3e: {  	s19 =	smul.u32 @!p1 $0xC380, s19  }
0x3f: {  	s17 =	sshrl.u32 @!p1 s17, $0xF  }
0x40: {  	s17 =	sand.u32 @!p1 $0x1FF, s17;
	s18 =	ssub.s32 @!p1 s18, s19  }
0x41: {  	s31 =	sadd.s32 $0xFFFFFFFF, s14;
	s17 =	smul.u32 @!p1 $0xC38, s17;
	s19 =	sshrl.u32 @!p1 s18, $0x4  }
0x42: {  	s20 =	sxor.u32 @!p1 $0xFFFFFFFF, s14;
	s18 =	sshll.u32 @!p1 s18, $0x11;
	s19 =	sadd.s32 @!p1 s4, s19  }
0x43: {  	s18 =	sand.u32 @!p1 $0x1C0000, s18;
	s17 =	sadd.s32 @!p1 s17, s19;
	s19 =	sshll.u32 @!p1 s20, $0xD  }
0x44: {  	s18 =	sor.u32 @!p1 $0x200, s18;
	s20 =	simm.s32 @!p1 $0x30E00;
	s19 =	sand.u32 @!p1 $0x2000, s19  }
0x45: {  	[tilespmem:s19], [sflag:$0x1] =	stream.strided.gather @!p1 [hbm4b:s17+s18], $0x2000, s20, s18, $0x38;
	[tilespmem:$0x8080] =	vst v63  }
0x46: {  	p1 =	sge.u32 s31, s6  }
.Ltmp2:
0x47: {  	_ = 	snop;
	(pc) =	sbr.rel @p1 .LBB1_5-.Ltmp2, $1  }
0x48: {  	_ =	sdelay $0x3  }
0x49: {  	s17 =	simm.s32 $0x1  }
0x4a: {  	_ =	swait.ge [sflag:s5], $0x2000;
	s17 =	simm.s32 @!p0 $0x0  }
0x4b: {  	[sflag:s5] =	ssyncset.done $0x0;
	s17 =	sshll.u32 s17, $0xD  }
0x4c: {  	[sflag:s5] =	ssyncadd.s32 $0xFFFFE000;
	s17 =	sor.u32 $0x40, s17  }
0x4d: {  	v0 =	vld [tilespmem:s17+$0x20]  }
0x4e: {  	v1 =	vld [tilespmem:s17+$0x30]  }
0x4f: {  	v2 =	vld [tilespmem:s17+$0xFFFFFFD0]  }
0x50: {  	v5 =	vld [tilespmem:s17+$0x0]  }
0x51: {  	v6 =	vld [tilespmem:s17+$0x10]  }
0x52: {  	s18 =	sand.u32 $0x1, s14;
	v3 =	vld [tilespmem:s17+$0xFFFFFFE0]  }
0x53: {  	s18 =	smul.u32 $0x8100, s18;
	v4 =	vld [tilespmem:s17+$0xFFFFFFF0]  }
0x54: {  	s19 =	simm.s32 $0x0;
	v1 =	vperm.xlane.i2c.b16 v1  }
0x55: {  	s20 =	sand.u32 $0x7C, s19;
	s18 =	sshrl.u32 s18, $0x2;
	v8 =	vld [tilespmem:s17+$0xFFFFFFC0];
	s21 =	sadd.s32 $0x80, s17;
	v7 =	vperm.xlane.i2c.b16 v0;
	v0 =	vperm.xlane.i2c.b16 v2  }
0x56: {  	s30 =	sand.u32 $0x80, s19;
	s31 =	sshrl.u32 s20, $0x1;
	s17 =	sor.u32 $0x4000, s18;
	v11 =	vld [tilespmem:s21+$0x30];
	v10 =	vperm.xlane.i2c.b16 v5;
	v13 =	vperm.xlane.i2c.b16 v6  }
0x57: {  	s18 =	sshrl.u32 s30, $0x1;
	s19 =	sadd.s32 s31, s17;
	v2 =	vld [tilespmem:s21+$0x20];
	v3 =	vperm.xlane.i2c.b16 v3;
	v9 =	vcombine.low v7, v1  }
0x58: {  	v12 =	vld [tilespmem:s21+$0xFFFFFFD0];
	s18 =	sadd.s32 s18, s19;
	v4 =	vperm.xlane.i2c.b16 v4;
	v14 =	vcombine.low v10, v13  }
0x59: {  	v1 =	vcombine.high v7, v1;
	v7 =	vld [tilespmem:s21+$0xFFFFFFE0];
	[tilespmem:s18+$0x1830 ss:$0x81] =	vst.msk $0xffff, v9  }
0x5a: {  	v5 =	vld [tilespmem:s21+$0xFFFFFFF0];
	v6 =	vperm.xlane.i2c.b16 v8;
	v9 =	vcombine.low v3, v4;
	[tilespmem:s18+$0x1020 ss:$0x81] =	vst.msk $0xffff, v14  }
0x5b: {  	s19 =	simm.s32 $0x4;
	v8 =	vperm.xlane.i2c.b16 v11;
	[tilespmem:s18+$0x1831 ss:$0x81] =	vst.msk $0xffff, v1;
	v1 =	vcombine.high v3, v4;
	v3 =	vld [tilespmem:s21+$0x0]  }
0x5c: {  	s20 =	simm.s32 $0x2;
	s23 =	sand.u32 $0x7C, s19;
	v10 =	vcombine.high v10, v13;
	v4 =	vld [tilespmem:s21+$0x10];
	[tilespmem:s18+$0x810 ss:$0x81] =	vst.msk $0xffff, v9;
	v9 =	vperm.xlane.i2c.b16 v2  }
0x5d: {  	s22 =	sand.u32 $0x80, s19;
	s23 =	sshrl.u32 s23, $0x1;
	v11 =	vcombine.low v6, v0;
	v2 =	vld [tilespmem:s21+$0xFFFFFFC0];
	s21 =	sadd.s32 $0x80, s21;
	[tilespmem:s18+$0x811 ss:$0x81] =	vst.msk $0xffff, v1;
	v1 =	vperm.xlane.i2c.b16 v12  }
.LBB1_3:
0x5e: {  	v12 =	vld [tilespmem:s21+$0x20];
	s23 =	sadd.s32 s23, s17;
	s22 =	sshrl.u32 s22, $0x1;
	v13 =	vperm.xlane.i2c.b16 v7;
	v7 =	vcombine.low v9, v8;
	[tilespmem:s18+$0x1021 ss:$0x81] =	vst.msk $0xffff, v10  }
0x5f: {  	v10 =	vperm.xlane.i2c.b16 v5;
	v5 =	vcombine.high v9, v8;
	s20 =	sadd.s32 $0x2, s20;
	v14 =	vld [tilespmem:s21+$0x30];
	s22 =	sadd.s32 s22, s23;
	[tilespmem:s18+$0x0 ss:$0x81] =	vst.msk $0xffff, v11  }
0x60: {  	v8 =	vperm.xlane.i2c.b16 v3;
	v3 =	vcombine.high v6, v0;
	v0 =	vmov v1;
	p1 =	slt.u32 s20, $0x7E;
	v11 =	vld [tilespmem:s21+$0xFFFFFFD0];
	[tilespmem:s22+$0x1830 ss:$0x81] =	vst.msk $0xffff, v7  }
.Ltmp3:
0x61: {  	v4 =	vperm.xlane.i2c.b16 v4;
	v1 =	vcombine.low v13, v10;
	v7 =	vld [tilespmem:s21+$0xFFFFFFE0];
	[tilespmem:s22+$0x1831 ss:$0x81] =	vst.msk $0xffff, v5;
	(pc) =	sbr.rel @p1 .LBB1_3-.Ltmp3, $4  }
0x62: {  	v6 =	vperm.xlane.i2c.b16 v2;
	v2 =	vcombine.high v13, v10;
	v5 =	vld [tilespmem:s21+$0xFFFFFFF0];
	[tilespmem:s18+$0x1 ss:$0x81] =	vst.msk $0xffff, v3;
	s18 =	smov.u32 s22  }
0x63: {  	s19 =	sadd.s32 $0x4, s19;
	v13 =	vcombine.low v8, v4;
	v10 =	vcombine.high v8, v4;
	v3 =	vld [tilespmem:s21+$0x0];
	[tilespmem:s18+$0x810 ss:$0x81] =	vst.msk $0xffff, v1  }
0x64: {  	s23 =	sand.u32 $0x7C, s19;
	v9 =	vperm.xlane.i2c.b16 v12;
	v4 =	vld [tilespmem:s21+$0x10];
	v8 =	vperm.xlane.i2c.b16 v14;
	[tilespmem:s18+$0x811 ss:$0x81] =	vst.msk $0xffff, v2  }
0x65: {  	s23 =	sshrl.u32 s23, $0x1;
	s22 =	sand.u32 $0x80, s19;
	v2 =	vld [tilespmem:s21+$0xFFFFFFC0];
	v1 =	vperm.xlane.i2c.b16 v11;
	s21 =	sadd.s32 $0x80, s21;
	v11 =	vcombine.low v6, v0;
	[tilespmem:s18+$0x1020 ss:$0x81] =	vst.msk $0xffff, v13  }
.Ltmp4:
0x66: {  	_ = 	snop;
	(pc) =	sbr.rel .LBB1_4-.Ltmp4, $1  }
0x67: {  	_ =	sdelay $0x3  }
.LBB1_6:
0x68: {  	_ =	sfence.sel $0x180000  }
0x69: {  	s2 =	simm.s32 $0x1;
	[bflag:$0x0] =	sbarrier.arrive $0xFFFF  }
0x6a: {  	s31 =	simm.s32 $0x2;
	[sflag:s2] =	ssyncpa.u1 $0x1  }
0x6b: {  	[sflag:s31] =	ssyncpa.u1 $0x1  }
0x6c: {  	p0 =	sne.s32 s0, $0x0;
	_ =	strace $0x90000047  }
0x6d: {  	s0 =	sadd.s32 @!p0 $0x100000, s1;
	[bflag:$0x2] =	sbarrier.arrive $0xFFFF  }
0x6e: {  	[sflag:s0] =	ssyncadd.tile.s32 @!p0 $0x1;
	_ =	shalt  }
.Lfunc_end1:
_tile_overlayer_lowered:
.L_overlay_start_2:
0x6f: {  	(tag) =	ssettag $0x2  }
0x70: {  	s0 =	rddreg [dreg:$0x0];
	s2 =	stileid.u32  }
0x71: {  	s1 =	rddreg [dreg:$0x1];
	p0 =	sne.s32 s2, $0x0  }
0x72: {  	s3 =	rddreg [dreg:$0x2];
	[bflag:$0x3] =	sbarrier.arrive $0xFFFF;
	s2 =	simm.s32 @!p0 $0x1C01  }
0x73: {  	[timem:s3], [sflag:s2] =	dma.local @!p0 [hbm:s0], s1  }
0x74: {  	s0 =	simm.s32 @!p0 $0x1  }
0x75: {  	_ =	swait.ge @!p0 [sflag:s0], s1  }
0x76: {  	s1 =	ssub.s32 @!p0 $0x0, s1;
	[sflag:s0] =	ssyncset.done @!p0 $0x0  }
0x77: {  	[sflag:s0] =	ssyncadd.s32 @!p0 s1  }
0x78: {  	[bflag:$0x3] =	sbarrier.arrive $0xFFFF  }
0x79: {  	_ =	shalt  }

</sc_bundles>
